<compile_context>
chip_gen: v7x
topology: tpu7x:2x2x1
jax: 0.10.2.dev20260603
libtpu: 0.0.44.dev20260713+nightly
codegen_flags: <defaults>
</compile_context>

<pallas_src>
import functools

import jax
import jax.numpy as jnp
from jax import lax
from jax.experimental import pallas as pl
from jax.experimental.pallas import tpu as pltpu
from jax.experimental.pallas import tpu_sc as plsc

N = 10000
E = 320000
D_IN = 128
T_EMB = 32
HID = 128
OUT = 128
N_TYPES = 8
D0 = D_IN + T_EMB

NC = 2
NS = 16
NW = NC * NS
EPW = E // NW
CH = 125
NCH = EPW // CH
N_PAD = 10240
RPT = N_PAD // NS

_sc_mesh = plsc.VectorSubcoreMesh(core_axis_name="c", subcore_axis_name="s")


@functools.partial(
    pl.kernel,
    mesh=_sc_mesh,
    out_type=jax.ShapeDtypeStruct((NC, N_PAD, HID), jnp.float32),
    scratch_types=[
        pltpu.VMEM((NCH, CH), jnp.int32),
        pltpu.VMEM((1, CH), jnp.int32),
        pltpu.VMEM((1, CH), jnp.int32),
        pltpu.VMEM((CH, HID), jnp.float32),
        pltpu.VMEM((CH, HID), jnp.float32),
        pltpu.VMEM_SHARED((N_PAD, HID), jnp.float32),
        pltpu.SemaphoreType.DMA,
        pltpu.SemaphoreType.DMA,
        pltpu.SemaphoreType.DMA,
        pltpu.SemaphoreType.DMA,
    ],
)
def _sc_agg(src_hbm, dstc_hbm, m_hbm, zeros_hbm, out_hbm,
            src_v, dst_a, dst_b, rows_a, rows_b, acc,
            sem_a, sem_b, sem_da, sem_db):
    cid = lax.axis_index("c")
    sid = lax.axis_index("s")
    wid = cid * NS + sid
    base = wid * NCH
    pltpu.sync_copy(src_hbm.at[wid], src_v)
    pltpu.async_copy(m_hbm.at[src_v.at[0]], rows_a, sem_a)
    pltpu.async_copy(dstc_hbm.at[base], dst_a, sem_da)
    pltpu.sync_copy(zeros_hbm, acc.at[pl.ds(sid * RPT, RPT)])
    plsc.subcore_barrier()

    def body(t, carry):
        j = 2 * t
        pltpu.async_copy(m_hbm.at[src_v.at[j + 1]], rows_b, sem_b)
        pltpu.async_copy(dstc_hbm.at[base + j + 1], dst_b, sem_db)
        pltpu.make_async_copy(m_hbm.at[src_v.at[j]], rows_a, sem_a).wait()
        pltpu.make_async_copy(dstc_hbm.at[base], dst_a, sem_da).wait()
        pltpu.sync_copy(rows_a, acc.at[dst_a.at[0]], add=True)

        @pl.when(j + 2 < NCH)
        def _():
            pltpu.async_copy(m_hbm.at[src_v.at[j + 2]], rows_a, sem_a)
            pltpu.async_copy(dstc_hbm.at[base + j + 2], dst_a, sem_da)

        pltpu.make_async_copy(m_hbm.at[src_v.at[j]], rows_b, sem_b).wait()
        pltpu.make_async_copy(dstc_hbm.at[base], dst_b, sem_db).wait()
        pltpu.sync_copy(rows_b, acc.at[dst_b.at[0]], add=True)
        return carry

    lax.fori_loop(0, NCH // 2, body, 0)
    plsc.subcore_barrier()
    pltpu.sync_copy(acc.at[pl.ds(sid * RPT, RPT)],
                    out_hbm.at[cid, pl.ds(sid * RPT, RPT)])


@functools.partial(
    pl.kernel,
    mesh=_sc_mesh,
    out_type=jax.ShapeDtypeStruct((NC, N_PAD), jnp.float32),
    scratch_types=[
        pltpu.VMEM((EPW,), jnp.int32),
        pltpu.VMEM((N_PAD,), jnp.float32),
        pltpu.VMEM_SHARED((NS, N_PAD), jnp.float32),
        pltpu.VMEM((NS, RPT), jnp.float32),
        pltpu.VMEM((RPT,), jnp.float32),
    ],
    compiler_params=pltpu.CompilerParams(needs_layout_passes=False),
)
def _sc_cnt(dst_hbm, zeros_hbm, out_hbm, dst_v, cnt_v, stage, chunk_v, red_v):
    cid = lax.axis_index("c")
    sid = lax.axis_index("s")
    wid = cid * NS + sid
    pltpu.sync_copy(dst_hbm.at[wid], dst_v)
    pltpu.sync_copy(zeros_hbm, cnt_v)
    ones = jnp.full((16,), 1.0, jnp.float32)

    def body(i, carry):
        idx = dst_v[pl.ds(i * 16, 16)]
        plsc.addupdate_scatter(cnt_v, [idx], ones)
        return carry

    lax.fori_loop(0, EPW // 16, body, 0)
    pltpu.sync_copy(cnt_v, stage.at[sid])
    plsc.subcore_barrier()
    for r in range(NS):
        pltpu.sync_copy(stage.at[r, pl.ds(sid * RPT, RPT)], chunk_v.at[r])

    def rbody(t, carry):
        s = chunk_v[0, pl.ds(t * 16, 16)]
        for r in range(1, NS):
            s = s + chunk_v[r, pl.ds(t * 16, 16)]
        red_v[pl.ds(t * 16, 16)] = s
        return carry

    lax.fori_loop(0, RPT // 16, rbody, 0)
    pltpu.sync_copy(red_v, out_hbm.at[cid, pl.ds(sid * RPT, RPT)])


BLK = 2000


def _tc_prep_body(x_ref, tid_ref, emb_ref, wl_ref, wr_ref, b_ref, m_ref, s_ref):
    x = x_ref[...]
    oh = (tid_ref[...] == lax.broadcasted_iota(jnp.int32, (BLK, N_TYPES), 1)
          ).astype(jnp.float32)
    te = jnp.dot(oh, emb_ref[...], preferred_element_type=jnp.float32)
    wl = wl_ref[...]
    wr = wr_ref[...]
    m_ref[...] = (jnp.dot(x, wl[:D_IN], preferred_element_type=jnp.float32)
                  + jnp.dot(te, wl[D_IN:], preferred_element_type=jnp.float32))
    s_ref[...] = (jnp.dot(x, wr[:D_IN], preferred_element_type=jnp.float32)
                  + jnp.dot(te, wr[D_IN:], preferred_element_type=jnp.float32)
                  + b_ref[...])


def _tc_layer_body(ap_ref, cp_ref, s_ref, wl_ref, wr_ref, b_ref,
                   m_ref, sout_ref):
    cnt = cp_ref[0] + cp_ref[1]
    inv = 1.0 / jnp.maximum(cnt, 1.0)
    h = (ap_ref[0] + ap_ref[1]) * inv + s_ref[...]
    h = jnp.maximum(h, 0.0)
    m_ref[...] = jnp.dot(h, wl_ref[...], preferred_element_type=jnp.float32)
    sout_ref[...] = (jnp.dot(h, wr_ref[...], preferred_element_type=jnp.float32)
                     + b_ref[...])


def _tc_final_body(ap_ref, cp_ref, s_ref, out_ref):
    cnt = cp_ref[0] + cp_ref[1]
    inv = 1.0 / jnp.maximum(cnt, 1.0)
    out_ref[...] = (ap_ref[0] + ap_ref[1]) * inv + s_ref[...]


def _row_spec(d):
    return pl.BlockSpec((BLK, d), lambda i: (i, 0))


def _full_spec(r, d):
    return pl.BlockSpec((r, d), lambda i: (0, 0))


def _tc_prep(x, tid2d, emb, wl, wr, b):
    return pl.pallas_call(
        _tc_prep_body,
        grid=(N // BLK,),
        in_specs=[_row_spec(D_IN), pl.BlockSpec((BLK, 1), lambda i: (i, 0)),
                  _full_spec(N_TYPES, T_EMB), _full_spec(D0, HID),
                  _full_spec(D0, HID), _full_spec(1, HID)],
        out_specs=[_row_spec(HID), _row_spec(HID)],
        out_shape=[jax.ShapeDtypeStruct((N, HID), jnp.float32),
                   jax.ShapeDtypeStruct((N, HID), jnp.float32)],
    )(x, tid2d, emb, wl, wr, b)


def _pair_spec(d):
    return pl.BlockSpec((NC, BLK, d), lambda i: (0, i, 0))


def _tc_layer(ap, cp, s, wl, wr, b, dout):
    return pl.pallas_call(
        _tc_layer_body,
        grid=(N // BLK,),
        in_specs=[_pair_spec(HID), pl.BlockSpec((NC, BLK, 1), lambda i: (0, i, 0)),
                  _row_spec(HID), _full_spec(HID, dout), _full_spec(HID, dout),
                  _full_spec(1, dout)],
        out_specs=[_row_spec(dout), _row_spec(dout)],
        out_shape=[jax.ShapeDtypeStruct((N, dout), jnp.float32),
                   jax.ShapeDtypeStruct((N, dout), jnp.float32)],
    )(ap, cp, s, wl, wr, b)


def _tc_final(ap, cp, s):
    return pl.pallas_call(
        _tc_final_body,
        grid=(N // BLK,),
        in_specs=[_pair_spec(OUT), pl.BlockSpec((NC, BLK, 1), lambda i: (0, i, 0)),
                  _row_spec(OUT)],
        out_specs=_row_spec(OUT),
        out_shape=jax.ShapeDtypeStruct((N, OUT), jnp.float32),
    )(ap, cp, s)


def kernel(x, node_type_ids, edge_index, emb_table,
           W_l1, W_r1, b1, W_l2, W_r2, b2, W_l3, W_r3, b3):
    ei = edge_index.astype(jnp.int32)
    src3d = ei[0].reshape(NW, NCH, CH)
    dstc = ei[1].reshape(NW * NCH, 1, CH)
    dst2d = ei[1].reshape(NW, EPW)
    tid2d = node_type_ids.astype(jnp.int32).reshape(N, 1)
    z128 = jnp.zeros((RPT, HID), jnp.float32)
    zrow = jnp.zeros((N_PAD,), jnp.float32)

    cp = _sc_cnt(dst2d, zrow).reshape(NC, N_PAD, 1)

    m1, s1 = _tc_prep(x, tid2d, emb_table, W_l1, W_r1, b1.reshape(1, HID))
    a1p = _sc_agg(src3d, dstc, m1, z128)
    m2, s2 = _tc_layer(a1p, cp, s1, W_l2, W_r2, b2.reshape(1, HID), HID)
    a2p = _sc_agg(src3d, dstc, m2, z128)
    m3, s3 = _tc_layer(a2p, cp, s2, W_l3, W_r3, b3.reshape(1, OUT), OUT)
    a3p = _sc_agg(src3d, dstc, m3, z128)
    return _tc_final(a3p, cp, s3)

# --- scband reference (transcript-rebuilt; emitter-appended) ---
"""Pipeline reference for scband-hetero-graph-sage-52183852646753 (READ-ONLY COPY).

The authoritative reference and input builder live on the scoring server;
editing this copy changes nothing except your own understanding.
"""

import jax, jax.numpy as jnp
import numpy as np

N = 10000
E = 320000
D_IN = 128
T_EMB = 32
HID = 128
OUT = 128
N_TYPES = 8


def setup_inputs(seed: int = 0) -> dict:
    key = jax.random.key(seed)
    ks = jax.random.split(key, 14)
    x = jax.random.normal(ks[0], (N, D_IN), dtype=jnp.float32)
    node_type_ids = jax.random.randint(ks[1], (N,), 0, N_TYPES)
    edge_index = jax.random.randint(ks[2], (2, E), 0, N)
    emb_table = jax.random.normal(ks[3], (N_TYPES, T_EMB), dtype=jnp.float32) * 0.1
    d0 = D_IN + T_EMB
    W_l1 = jax.random.normal(ks[4], (d0, HID), dtype=jnp.float32) / np.sqrt(d0)
    W_r1 = jax.random.normal(ks[5], (d0, HID), dtype=jnp.float32) / np.sqrt(d0)
    b1 = jnp.zeros((HID,), dtype=jnp.float32)
    W_l2 = jax.random.normal(ks[6], (HID, HID), dtype=jnp.float32) / np.sqrt(HID)
    W_r2 = jax.random.normal(ks[7], (HID, HID), dtype=jnp.float32) / np.sqrt(HID)
    b2 = jnp.zeros((HID,), dtype=jnp.float32)
    W_l3 = jax.random.normal(ks[8], (HID, OUT), dtype=jnp.float32) / np.sqrt(HID)
    W_r3 = jax.random.normal(ks[9], (HID, OUT), dtype=jnp.float32) / np.sqrt(HID)
    b3 = jnp.zeros((OUT,), dtype=jnp.float32)
    return {
        "x": x,
        "node_type_ids": node_type_ids,
        "edge_index": edge_index,
        "emb_table": emb_table,
        "W_l1": W_l1, "W_r1": W_r1, "b1": b1,
        "W_l2": W_l2, "W_r2": W_r2, "b2": b2,
        "W_l3": W_l3, "W_r3": W_r3, "b3": b3,
    }


def _sage_conv(h, src, dst, W_l, W_r, b):
    # SAGEConv with mean aggregation: out = mean_{j in N(i)} h_j @ W_l + h_i @ W_r + b
    msg = jnp.take(h, src, axis=0)
    summed = jax.ops.segment_sum(msg, dst, num_segments=N)
    cnt = jax.ops.segment_sum(jnp.ones((msg.shape[0],), dtype=h.dtype), dst, num_segments=N)
    mean = summed / jnp.clip(cnt, 1.0)[:, None]
    return mean @ W_l + h @ W_r + b


def reference(x, node_type_ids, edge_index, emb_table,
              W_l1, W_r1, b1, W_l2, W_r2, b2, W_l3, W_r3, b3):
    src = edge_index[0]
    dst = edge_index[1]
    # concat node-type embedding with features
    type_emb = jnp.take(emb_table, node_type_ids, axis=0)
    h = jnp.concatenate([x, type_emb], axis=1)
    # conv1 + relu (dropout is identity in eval)
    h = jax.nn.relu(_sage_conv(h, src, dst, W_l1, W_r1, b1))
    # conv2 + relu
    h = jax.nn.relu(_sage_conv(h, src, dst, W_l2, W_r2, b2))
    # conv3
    out = _sage_conv(h, src, dst, W_l3, W_r3, b3)
    return out

if __name__ == "__main__":
    import jax
    _d = setup_inputs()
    print(jax.jit(kernel)(*tuple(_d.values())))

</pallas_src>

<mosaic_0001>
#map = affine_map<(d0, d1) -> (0, 0)>
#map1 = affine_map<(d0, d1) -> (0)>
module attributes {stable_mosaic.version = 14 : i64} {
  func.func @_sc_cnt(%arg0: i32, %arg1: i32, %arg2: memref<32x10000xi32, #tpu.memory_space<hbm>>, %arg3: memref<10240xf32, #tpu.memory_space<hbm>>, %arg4: memref<2x10240xf32, #tpu.memory_space<hbm>>, %arg5: memref<10000xi32, #tpu.memory_space<vmem>>, %arg6: memref<10240xf32, #tpu.memory_space<vmem>>, %arg7: memref<16x10240xf32, #tpu.memory_space<vmem_shared>>, %arg8: memref<16x640xf32, #tpu.memory_space<vmem>>, %arg9: memref<640xf32, #tpu.memory_space<vmem>>) attributes {dimension_semantics = [#tpu.dimension_semantics<core_parallel>, #tpu.dimension_semantics<subcore_parallel>], iteration_bounds = array<i64: 2, 16>, scalar_prefetch = 0 : i64, scratch_operands = 5 : i64, tpu.core_type = #tpu.core_type<sc_vector_subcore>, window_params = [{transform_indices = #map}, {transform_indices = #map1}, {transform_indices = #map}]} {
    %mul3A = arith.constant 16 : i32
    %mul3A_0 = arith.muli %arg0, %mul3A : i32
    %add3A = arith.addi %mul3A_0, %arg1 : i32
    "tpu.region"() ({
      %run_scoped3A_78 = tpu.sem_alloc : memref<!tpu.dma_semaphore, #tpu.memory_space<semaphore_mem>>
      %dma_start3A = arith.constant 0 : i32
      %dma_start3A_79 = tpu.memref_slice %arg2[%add3A, %dma_start3A] : memref<32x10000xi32, #tpu.memory_space<hbm>> -> memref<1x10000xi32, #tpu.memory_space<hbm>>
      %dma_start3A_80 = tpu.memref_squeeze %dma_start3A_79 : memref<1x10000xi32, #tpu.memory_space<hbm>> -> memref<10000xi32, #tpu.memory_space<hbm>>
      %dma_start3A_81 = arith.constant 0 : i32
      %dma_start3A_82 = tpu.memref_slice %arg2[%add3A, %dma_start3A_81] : memref<32x10000xi32, #tpu.memory_space<hbm>> -> memref<1x10000xi32, #tpu.memory_space<hbm>>
      %dma_start3A_83 = tpu.memref_squeeze %dma_start3A_82 : memref<1x10000xi32, #tpu.memory_space<hbm>> -> memref<10000xi32, #tpu.memory_space<hbm>>
      tpu.enqueue_dma source(%dma_start3A_83 : memref<10000xi32, #tpu.memory_space<hbm>>) target(%arg5 : memref<10000xi32, #tpu.memory_space<vmem>>) target_semaphore(%run_scoped3A_78 : memref<!tpu.dma_semaphore, #tpu.memory_space<semaphore_mem>>)
      %dma_wait3A = arith.constant 0 : i32
      %dma_wait3A_84 = tpu.memref_slice %arg2[%add3A, %dma_wait3A] : memref<32x10000xi32, #tpu.memory_space<hbm>> -> memref<1x10000xi32, #tpu.memory_space<hbm>>
      %dma_wait3A_85 = tpu.memref_squeeze %dma_wait3A_84 : memref<1x10000xi32, #tpu.memory_space<hbm>> -> memref<10000xi32, #tpu.memory_space<hbm>>
      %dma_wait3A_86 = arith.constant 0 : i32
      %dma_wait3A_87 = tpu.memref_slice %arg2[%add3A, %dma_wait3A_86] : memref<32x10000xi32, #tpu.memory_space<hbm>> -> memref<1x10000xi32, #tpu.memory_space<hbm>>
      %dma_wait3A_88 = tpu.memref_squeeze %dma_wait3A_87 : memref<1x10000xi32, #tpu.memory_space<hbm>> -> memref<10000xi32, #tpu.memory_space<hbm>>
      tpu.wait_dma2 semaphore(%run_scoped3A_78 : memref<!tpu.dma_semaphore, #tpu.memory_space<semaphore_mem>>) src(%dma_wait3A_88 : memref<10000xi32, #tpu.memory_space<hbm>>) dst(%arg5 : memref<10000xi32, #tpu.memory_space<vmem>>)
      tpu.yield
    }) : () -> ()
    "tpu.region"() ({
      %run_scoped3A_78 = tpu.sem_alloc : memref<!tpu.dma_semaphore, #tpu.memory_space<semaphore_mem>>
      tpu.enqueue_dma source(%arg3 : memref<10240xf32, #tpu.memory_space<hbm>>) target(%arg6 : memref<10240xf32, #tpu.memory_space<vmem>>) target_semaphore(%run_scoped3A_78 : memref<!tpu.dma_semaphore, #tpu.memory_space<semaphore_mem>>)
      tpu.wait_dma2 semaphore(%run_scoped3A_78 : memref<!tpu.dma_semaphore, #tpu.memory_space<semaphore_mem>>) src(%arg3 : memref<10240xf32, #tpu.memory_space<hbm>>) dst(%arg6 : memref<10240xf32, #tpu.memory_space<vmem>>)
      tpu.yield
    }) : () -> ()
    %broadcast_in_dim3A = arith.constant 1.000000e+00 : f32
    %broadcast_in_dim3A_1 = vector.broadcast %broadcast_in_dim3A : f32 to vector<16xf32>
    %scan3A = arith.constant 0 : i32
    %scan3A_2 = arith.constant 0 : i32
    %scan3A_3 = arith.constant 625 : i32
    %scan3A_4 = arith.addi %scan3A_2, %scan3A_3 : i32
    %scan3A_5 = arith.constant 1 : i32
    scf.for %scan3A_78 = %scan3A_2 to %scan3A_4 step %scan3A_5  : i32 {
      %mul3A_79 = arith.constant 16 : i32
      %mul3A_80 = arith.muli %scan3A_78, %mul3A_79 : i32
      %get3A = arith.index_cast %mul3A_80 : i32 to index
      %get3A_81 = tpu.vector_load %arg5[%get3A] {strides = array<i32>} : memref<10000xi32, #tpu.memory_space<vmem>>, vector<16xi32>,
      tpu.vector_store_idx %arg6[%get3A_81], %broadcast_in_dim3A_1 {add = true} : memref<10240xf32, #tpu.memory_space<vmem>>[vector<16xi32>], vector<16xf32>,
    }
    %scan3A_6 = arith.constant 625 : i32
    "tpu.region"() ({
      %run_scoped3A_78 = tpu.sem_alloc : memref<!tpu.dma_semaphore, #tpu.memory_space<semaphore_mem>>
      %dma_start3A = arith.constant 0 : i32
      %dma_start3A_79 = tpu.memref_slice %arg7[%arg1, %dma_start3A] : memref<16x10240xf32, #tpu.memory_space<vmem_shared>> -> memref<1x10240xf32, #tpu.memory_space<vmem_shared>>
      %dma_start3A_80 = tpu.memref_squeeze %dma_start3A_79 : memref<1x10240xf32, #tpu.memory_space<vmem_shared>> -> memref<10240xf32, #tpu.memory_space<vmem_shared>>
      %dma_start3A_81 = arith.constant 0 : i32
      %dma_start3A_82 = tpu.memref_slice %arg7[%arg1, %dma_start3A_81] : memref<16x10240xf32, #tpu.memory_space<vmem_shared>> -> memref<1x10240xf32, #tpu.memory_space<vmem_shared>>
      %dma_start3A_83 = tpu.memref_squeeze %dma_start3A_82 : memref<1x10240xf32, #tpu.memory_space<vmem_shared>> -> memref<10240xf32, #tpu.memory_space<vmem_shared>>
      tpu.enqueue_dma source(%arg6 : memref<10240xf32, #tpu.memory_space<vmem>>) target(%dma_start3A_83 : memref<10240xf32, #tpu.memory_space<vmem_shared>>) target_semaphore(%run_scoped3A_78 : memref<!tpu.dma_semaphore, #tpu.memory_space<semaphore_mem>>)
      %dma_wait3A = arith.constant 0 : i32
      %dma_wait3A_84 = tpu.memref_slice %arg7[%arg1, %dma_wait3A] : memref<16x10240xf32, #tpu.memory_space<vmem_shared>> -> memref<1x10240xf32, #tpu.memory_space<vmem_shared>>
      %dma_wait3A_85 = tpu.memref_squeeze %dma_wait3A_84 : memref<1x10240xf32, #tpu.memory_space<vmem_shared>> -> memref<10240xf32, #tpu.memory_space<vmem_shared>>
      %dma_wait3A_86 = arith.constant 0 : i32
      %dma_wait3A_87 = tpu.memref_slice %arg7[%arg1, %dma_wait3A_86] : memref<16x10240xf32, #tpu.memory_space<vmem_shared>> -> memref<1x10240xf32, #tpu.memory_space<vmem_shared>>
      %dma_wait3A_88 = tpu.memref_squeeze %dma_wait3A_87 : memref<1x10240xf32, #tpu.memory_space<vmem_shared>> -> memref<10240xf32, #tpu.memory_space<vmem_shared>>
      tpu.wait_dma2 semaphore(%run_scoped3A_78 : memref<!tpu.dma_semaphore, #tpu.memory_space<semaphore_mem>>) src(%arg6 : memref<10240xf32, #tpu.memory_space<vmem>>) dst(%dma_wait3A_88 : memref<10240xf32, #tpu.memory_space<vmem_shared>>)
      tpu.yield
    }) : () -> ()
    %barrier3A = arith.constant 0 : index
    tpu.barrier barrier_id(%barrier3A)
    %mul3A_7 = arith.constant 640 : i32
    %mul3A_8 = arith.muli %arg1, %mul3A_7 : i32
    %run_scoped3A = arith.constant 0 : i32
    %run_scoped3A_9 = arith.constant 0 : i32
    "tpu.region"() ({
      %run_scoped3A_78 = tpu.sem_alloc : memref<!tpu.dma_semaphore, #tpu.memory_space<semaphore_mem>>
      %dma_start3A = arith.constant 0 : i32
      %dma_start3A_79 = tpu.memref_slice %arg8[%run_scoped3A_9, %dma_start3A] : memref<16x640xf32, #tpu.memory_space<vmem>> -> memref<1x640xf32, #tpu.memory_space<vmem>>
      %dma_start3A_80 = tpu.memref_squeeze %dma_start3A_79 : memref<1x640xf32, #tpu.memory_space<vmem>> -> memref<640xf32, #tpu.memory_space<vmem>>
      %dma_start3A_81 = tpu.memref_slice %arg7[%run_scoped3A, %mul3A_8] : memref<16x10240xf32, #tpu.memory_space<vmem_shared>> -> memref<1x640xf32, #tpu.memory_space<vmem_shared>>
      %dma_start3A_82 = tpu.memref_squeeze %dma_start3A_81 : memref<1x640xf32, #tpu.memory_space<vmem_shared>> -> memref<640xf32, #tpu.memory_space<vmem_shared>>
      %dma_start3A_83 = arith.constant 0 : i32
      %dma_start3A_84 = tpu.memref_slice %arg8[%run_scoped3A_9, %dma_start3A_83] : memref<16x640xf32, #tpu.memory_space<vmem>> -> memref<1x640xf32, #tpu.memory_space<vmem>>
      %dma_start3A_85 = tpu.memref_squeeze %dma_start3A_84 : memref<1x640xf32, #tpu.memory_space<vmem>> -> memref<640xf32, #tpu.memory_space<vmem>>
      %dma_start3A_86 = tpu.memref_slice %arg7[%run_scoped3A, %mul3A_8] : memref<16x10240xf32, #tpu.memory_space<vmem_shared>> -> memref<1x640xf32, #tpu.memory_space<vmem_shared>>
      %dma_start3A_87 = tpu.memref_squeeze %dma_start3A_86 : memref<1x640xf32, #tpu.memory_space<vmem_shared>> -> memref<640xf32, #tpu.memory_space<vmem_shared>>
      tpu.enqueue_dma source(%dma_start3A_87 : memref<640xf32, #tpu.memory_space<vmem_shared>>) target(%dma_start3A_85 : memref<640xf32, #tpu.memory_space<vmem>>) target_semaphore(%run_scoped3A_78 : memref<!tpu.dma_semaphore, #tpu.memory_space<semaphore_mem>>)
      %dma_wait3A = arith.constant 0 : i32
      %dma_wait3A_88 = tpu.memref_slice %arg8[%run_scoped3A_9, %dma_wait3A] : memref<16x640xf32, #tpu.memory_space<vmem>> -> memref<1x640xf32, #tpu.memory_space<vmem>>
      %dma_wait3A_89 = tpu.memref_squeeze %dma_wait3A_88 : memref<1x640xf32, #tpu.memory_space<vmem>> -> memref<640xf32, #tpu.memory_space<vmem>>
      %dma_wait3A_90 = tpu.memref_slice %arg7[%run_scoped3A, %mul3A_8] : memref<16x10240xf32, #tpu.memory_space<vmem_shared>> -> memref<1x640xf32, #tpu.memory_space<vmem_shared>>
      %dma_wait3A_91 = tpu.memref_squeeze %dma_wait3A_90 : memref<1x640xf32, #tpu.memory_space<vmem_shared>> -> memref<640xf32, #tpu.memory_space<vmem_shared>>
      %dma_wait3A_92 = arith.constant 0 : i32
      %dma_wait3A_93 = tpu.memref_slice %arg8[%run_scoped3A_9, %dma_wait3A_92] : memref<16x640xf32, #tpu.memory_space<vmem>> -> memref<1x640xf32, #tpu.memory_space<vmem>>
      %dma_wait3A_94 = tpu.memref_squeeze %dma_wait3A_93 : memref<1x640xf32, #tpu.memory_space<vmem>> -> memref<640xf32, #tpu.memory_space<vmem>>
      %dma_wait3A_95 = tpu.memref_slice %arg7[%run_scoped3A, %mul3A_8] : memref<16x10240xf32, #tpu.memory_space<vmem_shared>> -> memref<1x640xf32, #tpu.memory_space<vmem_shared>>
      %dma_wait3A_96 = tpu.memref_squeeze %dma_wait3A_95 : memref<1x640xf32, #tpu.memory_space<vmem_shared>> -> memref<640xf32, #tpu.memory_space<vmem_shared>>
      tpu.wait_dma2 semaphore(%run_scoped3A_78 : memref<!tpu.dma_semaphore, #tpu.memory_space<semaphore_mem>>) src(%dma_wait3A_96 : memref<640xf32, #tpu.memory_space<vmem_shared>>) dst(%dma_wait3A_94 : memref<640xf32, #tpu.memory_space<vmem>>)
      tpu.yield
    }) : () -> ()
    %mul3A_10 = arith.constant 640 : i32
    %mul3A_11 = arith.muli %arg1, %mul3A_10 : i32
    %run_scoped3A_12 = arith.constant 1 : i32
    %run_scoped3A_13 = arith.constant 1 : i32
    "tpu.region"() ({
      %run_scoped3A_78 = tpu.sem_alloc : memref<!tpu.dma_semaphore, #tpu.memory_space<semaphore_mem>>
      %dma_start3A = arith.constant 0 : i32
      %dma_start3A_79 = tpu.memref_slice %arg8[%run_scoped3A_13, %dma_start3A] : memref<16x640xf32, #tpu.memory_space<vmem>> -> memref<1x640xf32, #tpu.memory_space<vmem>>
      %dma_start3A_80 = tpu.memref_squeeze %dma_start3A_79 : memref<1x640xf32, #tpu.memory_space<vmem>> -> memref<640xf32, #tpu.memory_space<vmem>>
      %dma_start3A_81 = tpu.memref_slice %arg7[%run_scoped3A_12, %mul3A_11] : memref<16x10240xf32, #tpu.memory_space<vmem_shared>> -> memref<1x640xf32, #tpu.memory_space<vmem_shared>>
      %dma_start3A_82 = tpu.memref_squeeze %dma_start3A_81 : memref<1x640xf32, #tpu.memory_space<vmem_shared>> -> memref<640xf32, #tpu.memory_space<vmem_shared>>
      %dma_start3A_83 = arith.constant 0 : i32
      %dma_start3A_84 = tpu.memref_slice %arg8[%run_scoped3A_13, %dma_start3A_83] : memref<16x640xf32, #tpu.memory_space<vmem>> -> memref<1x640xf32, #tpu.memory_space<vmem>>
      %dma_start3A_85 = tpu.memref_squeeze %dma_start3A_84 : memref<1x640xf32, #tpu.memory_space<vmem>> -> memref<640xf32, #tpu.memory_space<vmem>>
      %dma_start3A_86 = tpu.memref_slice %arg7[%run_scoped3A_12, %mul3A_11] : memref<16x10240xf32, #tpu.memory_space<vmem_shared>> -> memref<1x640xf32, #tpu.memory_space<vmem_shared>>
      %dma_start3A_87 = tpu.memref_squeeze %dma_start3A_86 : memref<1x640xf32, #tpu.memory_space<vmem_shared>> -> memref<640xf32, #tpu.memory_space<vmem_shared>>
      tpu.enqueue_dma source(%dma_start3A_87 : memref<640xf32, #tpu.memory_space<vmem_shared>>) target(%dma_start3A_85 : memref<640xf32, #tpu.memory_space<vmem>>) target_semaphore(%run_scoped3A_78 : memref<!tpu.dma_semaphore, #tpu.memory_space<semaphore_mem>>)
      %dma_wait3A = arith.constant 0 : i32
      %dma_wait3A_88 = tpu.memref_slice %arg8[%run_scoped3A_13, %dma_wait3A] : memref<16x640xf32, #tpu.memory_space<vmem>> -> memref<1x640xf32, #tpu.memory_space<vmem>>
      %dma_wait3A_89 = tpu.memref_squeeze %dma_wait3A_88 : memref<1x640xf32, #tpu.memory_space<vmem>> -> memref<640xf32, #tpu.memory_space<vmem>>
      %dma_wait3A_90 = tpu.memref_slice %arg7[%run_scoped3A_12, %mul3A_11] : memref<16x10240xf32, #tpu.memory_space<vmem_shared>> -> memref<1x640xf32, #tpu.memory_space<vmem_shared>>
      %dma_wait3A_91 = tpu.memref_squeeze %dma_wait3A_90 : memref<1x640xf32, #tpu.memory_space<vmem_shared>> -> memref<640xf32, #tpu.memory_space<vmem_shared>>
      %dma_wait3A_92 = arith.constant 0 : i32
      %dma_wait3A_93 = tpu.memref_slice %arg8[%run_scoped3A_13, %dma_wait3A_92] : memref<16x640xf32, #tpu.memory_space<vmem>> -> memref<1x640xf32, #tpu.memory_space<vmem>>
      %dma_wait3A_94 = tpu.memref_squeeze %dma_wait3A_93 : memref<1x640xf32, #tpu.memory_space<vmem>> -> memref<640xf32, #tpu.memory_space<vmem>>
      %dma_wait3A_95 = tpu.memref_slice %arg7[%run_scoped3A_12, %mul3A_11] : memref<16x10240xf32, #tpu.memory_space<vmem_shared>> -> memref<1x640xf32, #tpu.memory_space<vmem_shared>>
      %dma_wait3A_96 = tpu.memref_squeeze %dma_wait3A_95 : memref<1x640xf32, #tpu.memory_space<vmem_shared>> -> memref<640xf32, #tpu.memory_space<vmem_shared>>
      tpu.wait_dma2 semaphore(%run_scoped3A_78 : memref<!tpu.dma_semaphore, #tpu.memory_space<semaphore_mem>>) src(%dma_wait3A_96 : memref<640xf32, #tpu.memory_space<vmem_shared>>) dst(%dma_wait3A_94 : memref<640xf32, #tpu.memory_space<vmem>>)
      tpu.yield
    }) : () -> ()
    %mul3A_14 = arith.constant 640 : i32
    %mul3A_15 = arith.muli %arg1, %mul3A_14 : i32
    %run_scoped3A_16 = arith.constant 2 : i32
    %run_scoped3A_17 = arith.constant 2 : i32
    "tpu.region"() ({
      %run_scoped3A_78 = tpu.sem_alloc : memref<!tpu.dma_semaphore, #tpu.memory_space<semaphore_mem>>
      %dma_start3A = arith.constant 0 : i32
      %dma_start3A_79 = tpu.memref_slice %arg8[%run_scoped3A_17, %dma_start3A] : memref<16x640xf32, #tpu.memory_space<vmem>> -> memref<1x640xf32, #tpu.memory_space<vmem>>
      %dma_start3A_80 = tpu.memref_squeeze %dma_start3A_79 : memref<1x640xf32, #tpu.memory_space<vmem>> -> memref<640xf32, #tpu.memory_space<vmem>>
      %dma_start3A_81 = tpu.memref_slice %arg7[%run_scoped3A_16, %mul3A_15] : memref<16x10240xf32, #tpu.memory_space<vmem_shared>> -> memref<1x640xf32, #tpu.memory_space<vmem_shared>>
      %dma_start3A_82 = tpu.memref_squeeze %dma_start3A_81 : memref<1x640xf32, #tpu.memory_space<vmem_shared>> -> memref<640xf32, #tpu.memory_space<vmem_shared>>
      %dma_start3A_83 = arith.constant 0 : i32
      %dma_start3A_84 = tpu.memref_slice %arg8[%run_scoped3A_17, %dma_start3A_83] : memref<16x640xf32, #tpu.memory_space<vmem>> -> memref<1x640xf32, #tpu.memory_space<vmem>>
      %dma_start3A_85 = tpu.memref_squeeze %dma_start3A_84 : memref<1x640xf32, #tpu.memory_space<vmem>> -> memref<640xf32, #tpu.memory_space<vmem>>
      %dma_start3A_86 = tpu.memref_slice %arg7[%run_scoped3A_16, %mul3A_15] : memref<16x10240xf32, #tpu.memory_space<vmem_shared>> -> memref<1x640xf32, #tpu.memory_space<vmem_shared>>
      %dma_start3A_87 = tpu.memref_squeeze %dma_start3A_86 : memref<1x640xf32, #tpu.memory_space<vmem_shared>> -> memref<640xf32, #tpu.memory_space<vmem_shared>>
      tpu.enqueue_dma source(%dma_start3A_87 : memref<640xf32, #tpu.memory_space<vmem_shared>>) target(%dma_start3A_85 : memref<640xf32, #tpu.memory_space<vmem>>) target_semaphore(%run_scoped3A_78 : memref<!tpu.dma_semaphore, #tpu.memory_space<semaphore_mem>>)
      %dma_wait3A = arith.constant 0 : i32
      %dma_wait3A_88 = tpu.memref_slice %arg8[%run_scoped3A_17, %dma_wait3A] : memref<16x640xf32, #tpu.memory_space<vmem>> -> memref<1x640xf32, #tpu.memory_space<vmem>>
      %dma_wait3A_89 = tpu.memref_squeeze %dma_wait3A_88 : memref<1x640xf32, #tpu.memory_space<vmem>> -> memref<640xf32, #tpu.memory_space<vmem>>
      %dma_wait3A_90 = tpu.memref_slice %arg7[%run_scoped3A_16, %mul3A_15] : memref<16x10240xf32, #tpu.memory_space<vmem_shared>> -> memref<1x640xf32, #tpu.memory_space<vmem_shared>>
      %dma_wait3A_91 = tpu.memref_squeeze %dma_wait3A_90 : memref<1x640xf32, #tpu.memory_space<vmem_shared>> -> memref<640xf32, #tpu.memory_space<vmem_shared>>
      %dma_wait3A_92 = arith.constant 0 : i32
      %dma_wait3A_93 = tpu.memref_slice %arg8[%run_scoped3A_17, %dma_wait3A_92] : memref<16x640xf32, #tpu.memory_space<vmem>> -> memref<1x640xf32, #tpu.memory_space<vmem>>
      %dma_wait3A_94 = tpu.memref_squeeze %dma_wait3A_93 : memref<1x640xf32, #tpu.memory_space<vmem>> -> memref<640xf32, #tpu.memory_space<vmem>>
      %dma_wait3A_95 = tpu.memref_slice %arg7[%run_scoped3A_16, %mul3A_15] : memref<16x10240xf32, #tpu.memory_space<vmem_shared>> -> memref<1x640xf32, #tpu.memory_space<vmem_shared>>
      %dma_wait3A_96 = tpu.memref_squeeze %dma_wait3A_95 : memref<1x640xf32, #tpu.memory_space<vmem_shared>> -> memref<640xf32, #tpu.memory_space<vmem_shared>>
      tpu.wait_dma2 semaphore(%run_scoped3A_78 : memref<!tpu.dma_semaphore, #tpu.memory_space<semaphore_mem>>) src(%dma_wait3A_96 : memref<640xf32, #tpu.memory_space<vmem_shared>>) dst(%dma_wait3A_94 : memref<640xf32, #tpu.memory_space<vmem>>)
      tpu.yield
    }) : () -> ()
    %mul3A_18 = arith.constant 640 : i32
    %mul3A_19 = arith.muli %arg1, %mul3A_18 : i32
    %run_scoped3A_20 = arith.constant 3 : i32
    %run_scoped3A_21 = arith.constant 3 : i32
    "tpu.region"() ({
      %run_scoped3A_78 = tpu.sem_alloc : memref<!tpu.dma_semaphore, #tpu.memory_space<semaphore_mem>>
      %dma_start3A = arith.constant 0 : i32
      %dma_start3A_79 = tpu.memref_slice %arg8[%run_scoped3A_21, %dma_start3A] : memref<16x640xf32, #tpu.memory_space<vmem>> -> memref<1x640xf32, #tpu.memory_space<vmem>>
      %dma_start3A_80 = tpu.memref_squeeze %dma_start3A_79 : memref<1x640xf32, #tpu.memory_space<vmem>> -> memref<640xf32, #tpu.memory_space<vmem>>
      %dma_start3A_81 = tpu.memref_slice %arg7[%run_scoped3A_20, %mul3A_19] : memref<16x10240xf32, #tpu.memory_space<vmem_shared>> -> memref<1x640xf32, #tpu.memory_space<vmem_shared>>
      %dma_start3A_82 = tpu.memref_squeeze %dma_start3A_81 : memref<1x640xf32, #tpu.memory_space<vmem_shared>> -> memref<640xf32, #tpu.memory_space<vmem_shared>>
      %dma_start3A_83 = arith.constant 0 : i32
      %dma_start3A_84 = tpu.memref_slice %arg8[%run_scoped3A_21, %dma_start3A_83] : memref<16x640xf32, #tpu.memory_space<vmem>> -> memref<1x640xf32, #tpu.memory_space<vmem>>
      %dma_start3A_85 = tpu.memref_squeeze %dma_start3A_84 : memref<1x640xf32, #tpu.memory_space<vmem>> -> memref<640xf32, #tpu.memory_space<vmem>>
      %dma_start3A_86 = tpu.memref_slice %arg7[%run_scoped3A_20, %mul3A_19] : memref<16x10240xf32, #tpu.memory_space<vmem_shared>> -> memref<1x640xf32, #tpu.memory_space<vmem_shared>>
      %dma_start3A_87 = tpu.memref_squeeze %dma_start3A_86 : memref<1x640xf32, #tpu.memory_space<vmem_shared>> -> memref<640xf32, #tpu.memory_space<vmem_shared>>
      tpu.enqueue_dma source(%dma_start3A_87 : memref<640xf32, #tpu.memory_space<vmem_shared>>) target(%dma_start3A_85 : memref<640xf32, #tpu.memory_space<vmem>>) target_semaphore(%run_scoped3A_78 : memref<!tpu.dma_semaphore, #tpu.memory_space<semaphore_mem>>)
      %dma_wait3A = arith.constant 0 : i32
      %dma_wait3A_88 = tpu.memref_slice %arg8[%run_scoped3A_21, %dma_wait3A] : memref<16x640xf32, #tpu.memory_space<vmem>> -> memref<1x640xf32, #tpu.memory_space<vmem>>
      %dma_wait3A_89 = tpu.memref_squeeze %dma_wait3A_88 : memref<1x640xf32, #tpu.memory_space<vmem>> -> memref<640xf32, #tpu.memory_space<vmem>>
      %dma_wait3A_90 = tpu.memref_slice %arg7[%run_scoped3A_20, %mul3A_19] : memref<16x10240xf32, #tpu.memory_space<vmem_shared>> -> memref<1x640xf32, #tpu.memory_space<vmem_shared>>
      %dma_wait3A_91 = tpu.memref_squeeze %dma_wait3A_90 : memref<1x640xf32, #tpu.memory_space<vmem_shared>> -> memref<640xf32, #tpu.memory_space<vmem_shared>>
      %dma_wait3A_92 = arith.constant 0 : i32
      %dma_wait3A_93 = tpu.memref_slice %arg8[%run_scoped3A_21, %dma_wait3A_92] : memref<16x640xf32, #tpu.memory_space<vmem>> -> memref<1x640xf32, #tpu.memory_space<vmem>>
      %dma_wait3A_94 = tpu.memref_squeeze %dma_wait3A_93 : memref<1x640xf32, #tpu.memory_space<vmem>> -> memref<640xf32, #tpu.memory_space<vmem>>
      %dma_wait3A_95 = tpu.memref_slice %arg7[%run_scoped3A_20, %mul3A_19] : memref<16x10240xf32, #tpu.memory_space<vmem_shared>> -> memref<1x640xf32, #tpu.memory_space<vmem_shared>>
      %dma_wait3A_96 = tpu.memref_squeeze %dma_wait3A_95 : memref<1x640xf32, #tpu.memory_space<vmem_shared>> -> memref<640xf32, #tpu.memory_space<vmem_shared>>
      tpu.wait_dma2 semaphore(%run_scoped3A_78 : memref<!tpu.dma_semaphore, #tpu.memory_space<semaphore_mem>>) src(%dma_wait3A_96 : memref<640xf32, #tpu.memory_space<vmem_shared>>) dst(%dma_wait3A_94 : memref<640xf32, #tpu.memory_space<vmem>>)
      tpu.yield
    }) : () -> ()
    %mul3A_22 = arith.constant 640 : i32
    %mul3A_23 = arith.muli %arg1, %mul3A_22 : i32
    %run_scoped3A_24 = arith.constant 4 : i32
    %run_scoped3A_25 = arith.constant 4 : i32
    "tpu.region"() ({
      %run_scoped3A_78 = tpu.sem_alloc : memref<!tpu.dma_semaphore, #tpu.memory_space<semaphore_mem>>
      %dma_start3A = arith.constant 0 : i32
      %dma_start3A_79 = tpu.memref_slice %arg8[%run_scoped3A_25, %dma_start3A] : memref<16x640xf32, #tpu.memory_space<vmem>> -> memref<1x640xf32, #tpu.memory_space<vmem>>
      %dma_start3A_80 = tpu.memref_squeeze %dma_start3A_79 : memref<1x640xf32, #tpu.memory_space<vmem>> -> memref<640xf32, #tpu.memory_space<vmem>>
      %dma_start3A_81 = tpu.memref_slice %arg7[%run_scoped3A_24, %mul3A_23] : memref<16x10240xf32, #tpu.memory_space<vmem_shared>> -> memref<1x640xf32, #tpu.memory_space<vmem_shared>>
      %dma_start3A_82 = tpu.memref_squeeze %dma_start3A_81 : memref<1x640xf32, #tpu.memory_space<vmem_shared>> -> memref<640xf32, #tpu.memory_space<vmem_shared>>
      %dma_start3A_83 = arith.constant 0 : i32
      %dma_start3A_84 = tpu.memref_slice %arg8[%run_scoped3A_25, %dma_start3A_83] : memref<16x640xf32, #tpu.memory_space<vmem>> -> memref<1x640xf32, #tpu.memory_space<vmem>>
      %dma_start3A_85 = tpu.memref_squeeze %dma_start3A_84 : memref<1x640xf32, #tpu.memory_space<vmem>> -> memref<640xf32, #tpu.memory_space<vmem>>
      %dma_start3A_86 = tpu.memref_slice %arg7[%run_scoped3A_24, %mul3A_23] : memref<16x10240xf32, #tpu.memory_space<vmem_shared>> -> memref<1x640xf32, #tpu.memory_space<vmem_shared>>
      %dma_start3A_87 = tpu.memref_squeeze %dma_start3A_86 : memref<1x640xf32, #tpu.memory_space<vmem_shared>> -> memref<640xf32, #tpu.memory_space<vmem_shared>>
      tpu.enqueue_dma source(%dma_start3A_87 : memref<640xf32, #tpu.memory_space<vmem_shared>>) target(%dma_start3A_85 : memref<640xf32, #tpu.memory_space<vmem>>) target_semaphore(%run_scoped3A_78 : memref<!tpu.dma_semaphore, #tpu.memory_space<semaphore_mem>>)
      %dma_wait3A = arith.constant 0 : i32
      %dma_wait3A_88 = tpu.memref_slice %arg8[%run_scoped3A_25, %dma_wait3A] : memref<16x640xf32, #tpu.memory_space<vmem>> -> memref<1x640xf32, #tpu.memory_space<vmem>>
      %dma_wait3A_89 = tpu.memref_squeeze %dma_wait3A_88 : memref<1x640xf32, #tpu.memory_space<vmem>> -> memref<640xf32, #tpu.memory_space<vmem>>
      %dma_wait3A_90 = tpu.memref_slice %arg7[%run_scoped3A_24, %mul3A_23] : memref<16x10240xf32, #tpu.memory_space<vmem_shared>> -> memref<1x640xf32, #tpu.memory_space<vmem_shared>>
      %dma_wait3A_91 = tpu.memref_squeeze %dma_wait3A_90 : memref<1x640xf32, #tpu.memory_space<vmem_shared>> -> memref<640xf32, #tpu.memory_space<vmem_shared>>
      %dma_wait3A_92 = arith.constant 0 : i32
      %dma_wait3A_93 = tpu.memref_slice %arg8[%run_scoped3A_25, %dma_wait3A_92] : memref<16x640xf32, #tpu.memory_space<vmem>> -> memref<1x640xf32, #tpu.memory_space<vmem>>
      %dma_wait3A_94 = tpu.memref_squeeze %dma_wait3A_93 : memref<1x640xf32, #tpu.memory_space<vmem>> -> memref<640xf32, #tpu.memory_space<vmem>>
      %dma_wait3A_95 = tpu.memref_slice %arg7[%run_scoped3A_24, %mul3A_23] : memref<16x10240xf32, #tpu.memory_space<vmem_shared>> -> memref<1x640xf32, #tpu.memory_space<vmem_shared>>
      %dma_wait3A_96 = tpu.memref_squeeze %dma_wait3A_95 : memref<1x640xf32, #tpu.memory_space<vmem_shared>> -> memref<640xf32, #tpu.memory_space<vmem_shared>>
      tpu.wait_dma2 semaphore(%run_scoped3A_78 : memref<!tpu.dma_semaphore, #tpu.memory_space<semaphore_mem>>) src(%dma_wait3A_96 : memref<640xf32, #tpu.memory_space<vmem_shared>>) dst(%dma_wait3A_94 : memref<640xf32, #tpu.memory_space<vmem>>)
      tpu.yield
    }) : () -> ()
    %mul3A_26 = arith.constant 640 : i32
    %mul3A_27 = arith.muli %arg1, %mul3A_26 : i32
    %run_scoped3A_28 = arith.constant 5 : i32
    %run_scoped3A_29 = arith.constant 5 : i32
    "tpu.region"() ({
      %run_scoped3A_78 = tpu.sem_alloc : memref<!tpu.dma_semaphore, #tpu.memory_space<semaphore_mem>>
      %dma_start3A = arith.constant 0 : i32
      %dma_start3A_79 = tpu.memref_slice %arg8[%run_scoped3A_29, %dma_start3A] : memref<16x640xf32, #tpu.memory_space<vmem>> -> memref<1x640xf32, #tpu.memory_space<vmem>>
      %dma_start3A_80 = tpu.memref_squeeze %dma_start3A_79 : memref<1x640xf32, #tpu.memory_space<vmem>> -> memref<640xf32, #tpu.memory_space<vmem>>
      %dma_start3A_81 = tpu.memref_slice %arg7[%run_scoped3A_28, %mul3A_27] : memref<16x10240xf32, #tpu.memory_space<vmem_shared>> -> memref<1x640xf32, #tpu.memory_space<vmem_shared>>
      %dma_start3A_82 = tpu.memref_squeeze %dma_start3A_81 : memref<1x640xf32, #tpu.memory_space<vmem_shared>> -> memref<640xf32, #tpu.memory_space<vmem_shared>>
      %dma_start3A_83 = arith.constant 0 : i32
      %dma_start3A_84 = tpu.memref_slice %arg8[%run_scoped3A_29, %dma_start3A_83] : memref<16x640xf32, #tpu.memory_space<vmem>> -> memref<1x640xf32, #tpu.memory_space<vmem>>
      %dma_start3A_85 = tpu.memref_squeeze %dma_start3A_84 : memref<1x640xf32, #tpu.memory_space<vmem>> -> memref<640xf32, #tpu.memory_space<vmem>>
      %dma_start3A_86 = tpu.memref_slice %arg7[%run_scoped3A_28, %mul3A_27] : memref<16x10240xf32, #tpu.memory_space<vmem_shared>> -> memref<1x640xf32, #tpu.memory_space<vmem_shared>>
      %dma_start3A_87 = tpu.memref_squeeze %dma_start3A_86 : memref<1x640xf32, #tpu.memory_space<vmem_shared>> -> memref<640xf32, #tpu.memory_space<vmem_shared>>
      tpu.enqueue_dma source(%dma_start3A_87 : memref<640xf32, #tpu.memory_space<vmem_shared>>) target(%dma_start3A_85 : memref<640xf32, #tpu.memory_space<vmem>>) target_semaphore(%run_scoped3A_78 : memref<!tpu.dma_semaphore, #tpu.memory_space<semaphore_mem>>)
      %dma_wait3A = arith.constant 0 : i32
      %dma_wait3A_88 = tpu.memref_slice %arg8[%run_scoped3A_29, %dma_wait3A] : memref<16x640xf32, #tpu.memory_space<vmem>> -> memref<1x640xf32, #tpu.memory_space<vmem>>
      %dma_wait3A_89 = tpu.memref_squeeze %dma_wait3A_88 : memref<1x640xf32, #tpu.memory_space<vmem>> -> memref<640xf32, #tpu.memory_space<vmem>>
      %dma_wait3A_90 = tpu.memref_slice %arg7[%run_scoped3A_28, %mul3A_27] : memref<16x10240xf32, #tpu.memory_space<vmem_shared>> -> memref<1x640xf32, #tpu.memory_space<vmem_shared>>
      %dma_wait3A_91 = tpu.memref_squeeze %dma_wait3A_90 : memref<1x640xf32, #tpu.memory_space<vmem_shared>> -> memref<640xf32, #tpu.memory_space<vmem_shared>>
      %dma_wait3A_92 = arith.constant 0 : i32
      %dma_wait3A_93 = tpu.memref_slice %arg8[%run_scoped3A_29, %dma_wait3A_92] : memref<16x640xf32, #tpu.memory_space<vmem>> -> memref<1x640xf32, #tpu.memory_space<vmem>>
      %dma_wait3A_94 = tpu.memref_squeeze %dma_wait3A_93 : memref<1x640xf32, #tpu.memory_space<vmem>> -> memref<640xf32, #tpu.memory_space<vmem>>
      %dma_wait3A_95 = tpu.memref_slice %arg7[%run_scoped3A_28, %mul3A_27] : memref<16x10240xf32, #tpu.memory_space<vmem_shared>> -> memref<1x640xf32, #tpu.memory_space<vmem_shared>>
      %dma_wait3A_96 = tpu.memref_squeeze %dma_wait3A_95 : memref<1x640xf32, #tpu.memory_space<vmem_shared>> -> memref<640xf32, #tpu.memory_space<vmem_shared>>
      tpu.wait_dma2 semaphore(%run_scoped3A_78 : memref<!tpu.dma_semaphore, #tpu.memory_space<semaphore_mem>>) src(%dma_wait3A_96 : memref<640xf32, #tpu.memory_space<vmem_shared>>) dst(%dma_wait3A_94 : memref<640xf32, #tpu.memory_space<vmem>>)
      tpu.yield
    }) : () -> ()
    %mul3A_30 = arith.constant 640 : i32
    %mul3A_31 = arith.muli %arg1, %mul3A_30 : i32
    %run_scoped3A_32 = arith.constant 6 : i32
    %run_scoped3A_33 = arith.constant 6 : i32
    "tpu.region"() ({
      %run_scoped3A_78 = tpu.sem_alloc : memref<!tpu.dma_semaphore, #tpu.memory_space<semaphore_mem>>
      %dma_start3A = arith.constant 0 : i32
      %dma_start3A_79 = tpu.memref_slice %arg8[%run_scoped3A_33, %dma_start3A] : memref<16x640xf32, #tpu.memory_space<vmem>> -> memref<1x640xf32, #tpu.memory_space<vmem>>
      %dma_start3A_80 = tpu.memref_squeeze %dma_start3A_79 : memref<1x640xf32, #tpu.memory_space<vmem>> -> memref<640xf32, #tpu.memory_space<vmem>>
      %dma_start3A_81 = tpu.memref_slice %arg7[%run_scoped3A_32, %mul3A_31] : memref<16x10240xf32, #tpu.memory_space<vmem_shared>> -> memref<1x640xf32, #tpu.memory_space<vmem_shared>>
      %dma_start3A_82 = tpu.memref_squeeze %dma_start3A_81 : memref<1x640xf32, #tpu.memory_space<vmem_shared>> -> memref<640xf32, #tpu.memory_space<vmem_shared>>
      %dma_start3A_83 = arith.constant 0 : i32
      %dma_start3A_84 = tpu.memref_slice %arg8[%run_scoped3A_33, %dma_start3A_83] : memref<16x640xf32, #tpu.memory_space<vmem>> -> memref<1x640xf32, #tpu.memory_space<vmem>>
      %dma_start3A_85 = tpu.memref_squeeze %dma_start3A_84 : memref<1x640xf32, #tpu.memory_space<vmem>> -> memref<640xf32, #tpu.memory_space<vmem>>
      %dma_start3A_86 = tpu.memref_slice %arg7[%run_scoped3A_32, %mul3A_31] : memref<16x10240xf32, #tpu.memory_space<vmem_shared>> -> memref<1x640xf32, #tpu.memory_space<vmem_shared>>
      %dma_start3A_87 = tpu.memref_squeeze %dma_start3A_86 : memref<1x640xf32, #tpu.memory_space<vmem_shared>> -> memref<640xf32, #tpu.memory_space<vmem_shared>>
      tpu.enqueue_dma source(%dma_start3A_87 : memref<640xf32, #tpu.memory_space<vmem_shared>>) target(%dma_start3A_85 : memref<640xf32, #tpu.memory_space<vmem>>) target_semaphore(%run_scoped3A_78 : memref<!tpu.dma_semaphore, #tpu.memory_space<semaphore_mem>>)
      %dma_wait3A = arith.constant 0 : i32
      %dma_wait3A_88 = tpu.memref_slice %arg8[%run_scoped3A_33, %dma_wait3A] : memref<16x640xf32, #tpu.memory_space<vmem>> -> memref<1x640xf32, #tpu.memory_space<vmem>>
      %dma_wait3A_89 = tpu.memref_squeeze %dma_wait3A_88 : memref<1x640xf32, #tpu.memory_space<vmem>> -> memref<640xf32, #tpu.memory_space<vmem>>
      %dma_wait3A_90 = tpu.memref_slice %arg7[%run_scoped3A_32, %mul3A_31] : memref<16x10240xf32, #tpu.memory_space<vmem_shared>> -> memref<1x640xf32, #tpu.memory_space<vmem_shared>>
      %dma_wait3A_91 = tpu.memref_squeeze %dma_wait3A_90 : memref<1x640xf32, #tpu.memory_space<vmem_shared>> -> memref<640xf32, #tpu.memory_space<vmem_shared>>
      %dma_wait3A_92 = arith.constant 0 : i32
      %dma_wait3A_93 = tpu.memref_slice %arg8[%run_scoped3A_33, %dma_wait3A_92] : memref<16x640xf32, #tpu.memory_space<vmem>> -> memref<1x640xf32, #tpu.memory_space<vmem>>
      %dma_wait3A_94 = tpu.memref_squeeze %dma_wait3A_93 : memref<1x640xf32, #tpu.memory_space<vmem>> -> memref<640xf32, #tpu.memory_space<vmem>>
      %dma_wait3A_95 = tpu.memref_slice %arg7[%run_scoped3A_32, %mul3A_31] : memref<16x10240xf32, #tpu.memory_space<vmem_shared>> -> memref<1x640xf32, #tpu.memory_space<vmem_shared>>
      %dma_wait3A_96 = tpu.memref_squeeze %dma_wait3A_95 : memref<1x640xf32, #tpu.memory_space<vmem_shared>> -> memref<640xf32, #tpu.memory_space<vmem_shared>>
      tpu.wait_dma2 semaphore(%run_scoped3A_78 : memref<!tpu.dma_semaphore, #tpu.memory_space<semaphore_mem>>) src(%dma_wait3A_96 : memref<640xf32, #tpu.memory_space<vmem_shared>>) dst(%dma_wait3A_94 : memref<640xf32, #tpu.memory_space<vmem>>)
      tpu.yield
    }) : () -> ()
    %mul3A_34 = arith.constant 640 : i32
    %mul3A_35 = arith.muli %arg1, %mul3A_34 : i32
    %run_scoped3A_36 = arith.constant 7 : i32
    %run_scoped3A_37 = arith.constant 7 : i32
    "tpu.region"() ({
      %run_scoped3A_78 = tpu.sem_alloc : memref<!tpu.dma_semaphore, #tpu.memory_space<semaphore_mem>>
      %dma_start3A = arith.constant 0 : i32
      %dma_start3A_79 = tpu.memref_slice %arg8[%run_scoped3A_37, %dma_start3A] : memref<16x640xf32, #tpu.memory_space<vmem>> -> memref<1x640xf32, #tpu.memory_space<vmem>>
      %dma_start3A_80 = tpu.memref_squeeze %dma_start3A_79 : memref<1x640xf32, #tpu.memory_space<vmem>> -> memref<640xf32, #tpu.memory_space<vmem>>
      %dma_start3A_81 = tpu.memref_slice %arg7[%run_scoped3A_36, %mul3A_35] : memref<16x10240xf32, #tpu.memory_space<vmem_shared>> -> memref<1x640xf32, #tpu.memory_space<vmem_shared>>
      %dma_start3A_82 = tpu.memref_squeeze %dma_start3A_81 : memref<1x640xf32, #tpu.memory_space<vmem_shared>> -> memref<640xf32, #tpu.memory_space<vmem_shared>>
      %dma_start3A_83 = arith.constant 0 : i32
      %dma_start3A_84 = tpu.memref_slice %arg8[%run_scoped3A_37, %dma_start3A_83] : memref<16x640xf32, #tpu.memory_space<vmem>> -> memref<1x640xf32, #tpu.memory_space<vmem>>
      %dma_start3A_85 = tpu.memref_squeeze %dma_start3A_84 : memref<1x640xf32, #tpu.memory_space<vmem>> -> memref<640xf32, #tpu.memory_space<vmem>>
      %dma_start3A_86 = tpu.memref_slice %arg7[%run_scoped3A_36, %mul3A_35] : memref<16x10240xf32, #tpu.memory_space<vmem_shared>> -> memref<1x640xf32, #tpu.memory_space<vmem_shared>>
      %dma_start3A_87 = tpu.memref_squeeze %dma_start3A_86 : memref<1x640xf32, #tpu.memory_space<vmem_shared>> -> memref<640xf32, #tpu.memory_space<vmem_shared>>
      tpu.enqueue_dma source(%dma_start3A_87 : memref<640xf32, #tpu.memory_space<vmem_shared>>) target(%dma_start3A_85 : memref<640xf32, #tpu.memory_space<vmem>>) target_semaphore(%run_scoped3A_78 : memref<!tpu.dma_semaphore, #tpu.memory_space<semaphore_mem>>)
      %dma_wait3A = arith.constant 0 : i32
      %dma_wait3A_88 = tpu.memref_slice %arg8[%run_scoped3A_37, %dma_wait3A] : memref<16x640xf32, #tpu.memory_space<vmem>> -> memref<1x640xf32, #tpu.memory_space<vmem>>
      %dma_wait3A_89 = tpu.memref_squeeze %dma_wait3A_88 : memref<1x640xf32, #tpu.memory_space<vmem>> -> memref<640xf32, #tpu.memory_space<vmem>>
      %dma_wait3A_90 = tpu.memref_slice %arg7[%run_scoped3A_36, %mul3A_35] : memref<16x10240xf32, #tpu.memory_space<vmem_shared>> -> memref<1x640xf32, #tpu.memory_space<vmem_shared>>
      %dma_wait3A_91 = tpu.memref_squeeze %dma_wait3A_90 : memref<1x640xf32, #tpu.memory_space<vmem_shared>> -> memref<640xf32, #tpu.memory_space<vmem_shared>>
      %dma_wait3A_92 = arith.constant 0 : i32
      %dma_wait3A_93 = tpu.memref_slice %arg8[%run_scoped3A_37, %dma_wait3A_92] : memref<16x640xf32, #tpu.memory_space<vmem>> -> memref<1x640xf32, #tpu.memory_space<vmem>>
      %dma_wait3A_94 = tpu.memref_squeeze %dma_wait3A_93 : memref<1x640xf32, #tpu.memory_space<vmem>> -> memref<640xf32, #tpu.memory_space<vmem>>
      %dma_wait3A_95 = tpu.memref_slice %arg7[%run_scoped3A_36, %mul3A_35] : memref<16x10240xf32, #tpu.memory_space<vmem_shared>> -> memref<1x640xf32, #tpu.memory_space<vmem_shared>>
      %dma_wait3A_96 = tpu.memref_squeeze %dma_wait3A_95 : memref<1x640xf32, #tpu.memory_space<vmem_shared>> -> memref<640xf32, #tpu.memory_space<vmem_shared>>
      tpu.wait_dma2 semaphore(%run_scoped3A_78 : memref<!tpu.dma_semaphore, #tpu.memory_space<semaphore_mem>>) src(%dma_wait3A_96 : memref<640xf32, #tpu.memory_space<vmem_shared>>) dst(%dma_wait3A_94 : memref<640xf32, #tpu.memory_space<vmem>>)
      tpu.yield
    }) : () -> ()
    %mul3A_38 = arith.constant 640 : i32
    %mul3A_39 = arith.muli %arg1, %mul3A_38 : i32
    %run_scoped3A_40 = arith.constant 8 : i32
    %run_scoped3A_41 = arith.constant 8 : i32
    "tpu.region"() ({
      %run_scoped3A_78 = tpu.sem_alloc : memref<!tpu.dma_semaphore, #tpu.memory_space<semaphore_mem>>
      %dma_start3A = arith.constant 0 : i32
      %dma_start3A_79 = tpu.memref_slice %arg8[%run_scoped3A_41, %dma_start3A] : memref<16x640xf32, #tpu.memory_space<vmem>> -> memref<1x640xf32, #tpu.memory_space<vmem>>
      %dma_start3A_80 = tpu.memref_squeeze %dma_start3A_79 : memref<1x640xf32, #tpu.memory_space<vmem>> -> memref<640xf32, #tpu.memory_space<vmem>>
      %dma_start3A_81 = tpu.memref_slice %arg7[%run_scoped3A_40, %mul3A_39] : memref<16x10240xf32, #tpu.memory_space<vmem_shared>> -> memref<1x640xf32, #tpu.memory_space<vmem_shared>>
      %dma_start3A_82 = tpu.memref_squeeze %dma_start3A_81 : memref<1x640xf32, #tpu.memory_space<vmem_shared>> -> memref<640xf32, #tpu.memory_space<vmem_shared>>
      %dma_start3A_83 = arith.constant 0 : i32
      %dma_start3A_84 = tpu.memref_slice %arg8[%run_scoped3A_41, %dma_start3A_83] : memref<16x640xf32, #tpu.memory_space<vmem>> -> memref<1x640xf32, #tpu.memory_space<vmem>>
      %dma_start3A_85 = tpu.memref_squeeze %dma_start3A_84 : memref<1x640xf32, #tpu.memory_space<vmem>> -> memref<640xf32, #tpu.memory_space<vmem>>
      %dma_start3A_86 = tpu.memref_slice %arg7[%run_scoped3A_40, %mul3A_39] : memref<16x10240xf32, #tpu.memory_space<vmem_shared>> -> memref<1x640xf32, #tpu.memory_space<vmem_shared>>
      %dma_start3A_87 = tpu.memref_squeeze %dma_start3A_86 : memref<1x640xf32, #tpu.memory_space<vmem_shared>> -> memref<640xf32, #tpu.memory_space<vmem_shared>>
      tpu.enqueue_dma source(%dma_start3A_87 : memref<640xf32, #tpu.memory_space<vmem_shared>>) target(%dma_start3A_85 : memref<640xf32, #tpu.memory_space<vmem>>) target_semaphore(%run_scoped3A_78 : memref<!tpu.dma_semaphore, #tpu.memory_space<semaphore_mem>>)
      %dma_wait3A = arith.constant 0 : i32
      %dma_wait3A_88 = tpu.memref_slice %arg8[%run_scoped3A_41, %dma_wait3A] : memref<16x640xf32, #tpu.memory_space<vmem>> -> memref<1x640xf32, #tpu.memory_space<vmem>>
      %dma_wait3A_89 = tpu.memref_squeeze %dma_wait3A_88 : memref<1x640xf32, #tpu.memory_space<vmem>> -> memref<640xf32, #tpu.memory_space<vmem>>
      %dma_wait3A_90 = tpu.memref_slice %arg7[%run_scoped3A_40, %mul3A_39] : memref<16x10240xf32, #tpu.memory_space<vmem_shared>> -> memref<1x640xf32, #tpu.memory_space<vmem_shared>>
      %dma_wait3A_91 = tpu.memref_squeeze %dma_wait3A_90 : memref<1x640xf32, #tpu.memory_space<vmem_shared>> -> memref<640xf32, #tpu.memory_space<vmem_shared>>
      %dma_wait3A_92 = arith.constant 0 : i32
      %dma_wait3A_93 = tpu.memref_slice %arg8[%run_scoped3A_41, %dma_wait3A_92] : memref<16x640xf32, #tpu.memory_space<vmem>> -> memref<1x640xf32, #tpu.memory_space<vmem>>
      %dma_wait3A_94 = tpu.memref_squeeze %dma_wait3A_93 : memref<1x640xf32, #tpu.memory_space<vmem>> -> memref<640xf32, #tpu.memory_space<vmem>>
      %dma_wait3A_95 = tpu.memref_slice %arg7[%run_scoped3A_40, %mul3A_39] : memref<16x10240xf32, #tpu.memory_space<vmem_shared>> -> memref<1x640xf32, #tpu.memory_space<vmem_shared>>
      %dma_wait3A_96 = tpu.memref_squeeze %dma_wait3A_95 : memref<1x640xf32, #tpu.memory_space<vmem_shared>> -> memref<640xf32, #tpu.memory_space<vmem_shared>>
      tpu.wait_dma2 semaphore(%run_scoped3A_78 : memref<!tpu.dma_semaphore, #tpu.memory_space<semaphore_mem>>) src(%dma_wait3A_96 : memref<640xf32, #tpu.memory_space<vmem_shared>>) dst(%dma_wait3A_94 : memref<640xf32, #tpu.memory_space<vmem>>)
      tpu.yield
    }) : () -> ()
    %mul3A_42 = arith.constant 640 : i32
    %mul3A_43 = arith.muli %arg1, %mul3A_42 : i32
    %run_scoped3A_44 = arith.constant 9 : i32
    %run_scoped3A_45 = arith.constant 9 : i32
    "tpu.region"() ({
      %run_scoped3A_78 = tpu.sem_alloc : memref<!tpu.dma_semaphore, #tpu.memory_space<semaphore_mem>>
      %dma_start3A = arith.constant 0 : i32
      %dma_start3A_79 = tpu.memref_slice %arg8[%run_scoped3A_45, %dma_start3A] : memref<16x640xf32, #tpu.memory_space<vmem>> -> memref<1x640xf32, #tpu.memory_space<vmem>>
      %dma_start3A_80 = tpu.memref_squeeze %dma_start3A_79 : memref<1x640xf32, #tpu.memory_space<vmem>> -> memref<640xf32, #tpu.memory_space<vmem>>
      %dma_start3A_81 = tpu.memref_slice %arg7[%run_scoped3A_44, %mul3A_43] : memref<16x10240xf32, #tpu.memory_space<vmem_shared>> -> memref<1x640xf32, #tpu.memory_space<vmem_shared>>
      %dma_start3A_82 = tpu.memref_squeeze %dma_start3A_81 : memref<1x640xf32, #tpu.memory_space<vmem_shared>> -> memref<640xf32, #tpu.memory_space<vmem_shared>>
      %dma_start3A_83 = arith.constant 0 : i32
      %dma_start3A_84 = tpu.memref_slice %arg8[%run_scoped3A_45, %dma_start3A_83] : memref<16x640xf32, #tpu.memory_space<vmem>> -> memref<1x640xf32, #tpu.memory_space<vmem>>
      %dma_start3A_85 = tpu.memref_squeeze %dma_start3A_84 : memref<1x640xf32, #tpu.memory_space<vmem>> -> memref<640xf32, #tpu.memory_space<vmem>>
      %dma_start3A_86 = tpu.memref_slice %arg7[%run_scoped3A_44, %mul3A_43] : memref<16x10240xf32, #tpu.memory_space<vmem_shared>> -> memref<1x640xf32, #tpu.memory_space<vmem_shared>>
      %dma_start3A_87 = tpu.memref_squeeze %dma_start3A_86 : memref<1x640xf32, #tpu.memory_space<vmem_shared>> -> memref<640xf32, #tpu.memory_space<vmem_shared>>
      tpu.enqueue_dma source(%dma_start3A_87 : memref<640xf32, #tpu.memory_space<vmem_shared>>) target(%dma_start3A_85 : memref<640xf32, #tpu.memory_space<vmem>>) target_semaphore(%run_scoped3A_78 : memref<!tpu.dma_semaphore, #tpu.memory_space<semaphore_mem>>)
      %dma_wait3A = arith.constant 0 : i32
      %dma_wait3A_88 = tpu.memref_slice %arg8[%run_scoped3A_45, %dma_wait3A] : memref<16x640xf32, #tpu.memory_space<vmem>> -> memref<1x640xf32, #tpu.memory_space<vmem>>
      %dma_wait3A_89 = tpu.memref_squeeze %dma_wait3A_88 : memref<1x640xf32, #tpu.memory_space<vmem>> -> memref<640xf32, #tpu.memory_space<vmem>>
      %dma_wait3A_90 = tpu.memref_slice %arg7[%run_scoped3A_44, %mul3A_43] : memref<16x10240xf32, #tpu.memory_space<vmem_shared>> -> memref<1x640xf32, #tpu.memory_space<vmem_shared>>
      %dma_wait3A_91 = tpu.memref_squeeze %dma_wait3A_90 : memref<1x640xf32, #tpu.memory_space<vmem_shared>> -> memref<640xf32, #tpu.memory_space<vmem_shared>>
      %dma_wait3A_92 = arith.constant 0 : i32
      %dma_wait3A_93 = tpu.memref_slice %arg8[%run_scoped3A_45, %dma_wait3A_92] : memref<16x640xf32, #tpu.memory_space<vmem>> -> memref<1x640xf32, #tpu.memory_space<vmem>>
      %dma_wait3A_94 = tpu.memref_squeeze %dma_wait3A_93 : memref<1x640xf32, #tpu.memory_space<vmem>> -> memref<640xf32, #tpu.memory_space<vmem>>
      %dma_wait3A_95 = tpu.memref_slice %arg7[%run_scoped3A_44, %mul3A_43] : memref<16x10240xf32, #tpu.memory_space<vmem_shared>> -> memref<1x640xf32, #tpu.memory_space<vmem_shared>>
      %dma_wait3A_96 = tpu.memref_squeeze %dma_wait3A_95 : memref<1x640xf32, #tpu.memory_space<vmem_shared>> -> memref<640xf32, #tpu.memory_space<vmem_shared>>
      tpu.wait_dma2 semaphore(%run_scoped3A_78 : memref<!tpu.dma_semaphore, #tpu.memory_space<semaphore_mem>>) src(%dma_wait3A_96 : memref<640xf32, #tpu.memory_space<vmem_shared>>) dst(%dma_wait3A_94 : memref<640xf32, #tpu.memory_space<vmem>>)
      tpu.yield
    }) : () -> ()
    %mul3A_46 = arith.constant 640 : i32
    %mul3A_47 = arith.muli %arg1, %mul3A_46 : i32
    %run_scoped3A_48 = arith.constant 10 : i32
    %run_scoped3A_49 = arith.constant 10 : i32
    "tpu.region"() ({
      %run_scoped3A_78 = tpu.sem_alloc : memref<!tpu.dma_semaphore, #tpu.memory_space<semaphore_mem>>
      %dma_start3A = arith.constant 0 : i32
      %dma_start3A_79 = tpu.memref_slice %arg8[%run_scoped3A_49, %dma_start3A] : memref<16x640xf32, #tpu.memory_space<vmem>> -> memref<1x640xf32, #tpu.memory_space<vmem>>
      %dma_start3A_80 = tpu.memref_squeeze %dma_start3A_79 : memref<1x640xf32, #tpu.memory_space<vmem>> -> memref<640xf32, #tpu.memory_space<vmem>>
      %dma_start3A_81 = tpu.memref_slice %arg7[%run_scoped3A_48, %mul3A_47] : memref<16x10240xf32, #tpu.memory_space<vmem_shared>> -> memref<1x640xf32, #tpu.memory_space<vmem_shared>>
      %dma_start3A_82 = tpu.memref_squeeze %dma_start3A_81 : memref<1x640xf32, #tpu.memory_space<vmem_shared>> -> memref<640xf32, #tpu.memory_space<vmem_shared>>
      %dma_start3A_83 = arith.constant 0 : i32
      %dma_start3A_84 = tpu.memref_slice %arg8[%run_scoped3A_49, %dma_start3A_83] : memref<16x640xf32, #tpu.memory_space<vmem>> -> memref<1x640xf32, #tpu.memory_space<vmem>>
      %dma_start3A_85 = tpu.memref_squeeze %dma_start3A_84 : memref<1x640xf32, #tpu.memory_space<vmem>> -> memref<640xf32, #tpu.memory_space<vmem>>
      %dma_start3A_86 = tpu.memref_slice %arg7[%run_scoped3A_48, %mul3A_47] : memref<16x10240xf32, #tpu.memory_space<vmem_shared>> -> memref<1x640xf32, #tpu.memory_space<vmem_shared>>
      %dma_start3A_87 = tpu.memref_squeeze %dma_start3A_86 : memref<1x640xf32, #tpu.memory_space<vmem_shared>> -> memref<640xf32, #tpu.memory_space<vmem_shared>>
      tpu.enqueue_dma source(%dma_start3A_87 : memref<640xf32, #tpu.memory_space<vmem_shared>>) target(%dma_start3A_85 : memref<640xf32, #tpu.memory_space<vmem>>) target_semaphore(%run_scoped3A_78 : memref<!tpu.dma_semaphore, #tpu.memory_space<semaphore_mem>>)
      %dma_wait3A = arith.constant 0 : i32
      %dma_wait3A_88 = tpu.memref_slice %arg8[%run_scoped3A_49, %dma_wait3A] : memref<16x640xf32, #tpu.memory_space<vmem>> -> memref<1x640xf32, #tpu.memory_space<vmem>>
      %dma_wait3A_89 = tpu.memref_squeeze %dma_wait3A_88 : memref<1x640xf32, #tpu.memory_space<vmem>> -> memref<640xf32, #tpu.memory_space<vmem>>
      %dma_wait3A_90 = tpu.memref_slice %arg7[%run_scoped3A_48, %mul3A_47] : memref<16x10240xf32, #tpu.memory_space<vmem_shared>> -> memref<1x640xf32, #tpu.memory_space<vmem_shared>>
      %dma_wait3A_91 = tpu.memref_squeeze %dma_wait3A_90 : memref<1x640xf32, #tpu.memory_space<vmem_shared>> -> memref<640xf32, #tpu.memory_space<vmem_shared>>
      %dma_wait3A_92 = arith.constant 0 : i32
      %dma_wait3A_93 = tpu.memref_slice %arg8[%run_scoped3A_49, %dma_wait3A_92] : memref<16x640xf32, #tpu.memory_space<vmem>> -> memref<1x640xf32, #tpu.memory_space<vmem>>
      %dma_wait3A_94 = tpu.memref_squeeze %dma_wait3A_93 : memref<1x640xf32, #tpu.memory_space<vmem>> -> memref<640xf32, #tpu.memory_space<vmem>>
      %dma_wait3A_95 = tpu.memref_slice %arg7[%run_scoped3A_48, %mul3A_47] : memref<16x10240xf32, #tpu.memory_space<vmem_shared>> -> memref<1x640xf32, #tpu.memory_space<vmem_shared>>
      %dma_wait3A_96 = tpu.memref_squeeze %dma_wait3A_95 : memref<1x640xf32, #tpu.memory_space<vmem_shared>> -> memref<640xf32, #tpu.memory_space<vmem_shared>>
      tpu.wait_dma2 semaphore(%run_scoped3A_78 : memref<!tpu.dma_semaphore, #tpu.memory_space<semaphore_mem>>) src(%dma_wait3A_96 : memref<640xf32, #tpu.memory_space<vmem_shared>>) dst(%dma_wait3A_94 : memref<640xf32, #tpu.memory_space<vmem>>)
      tpu.yield
    }) : () -> ()
    %mul3A_50 = arith.constant 640 : i32
    %mul3A_51 = arith.muli %arg1, %mul3A_50 : i32
    %run_scoped3A_52 = arith.constant 11 : i32
    %run_scoped3A_53 = arith.constant 11 : i32
    "tpu.region"() ({
      %run_scoped3A_78 = tpu.sem_alloc : memref<!tpu.dma_semaphore, #tpu.memory_space<semaphore_mem>>
      %dma_start3A = arith.constant 0 : i32
      %dma_start3A_79 = tpu.memref_slice %arg8[%run_scoped3A_53, %dma_start3A] : memref<16x640xf32, #tpu.memory_space<vmem>> -> memref<1x640xf32, #tpu.memory_space<vmem>>
      %dma_start3A_80 = tpu.memref_squeeze %dma_start3A_79 : memref<1x640xf32, #tpu.memory_space<vmem>> -> memref<640xf32, #tpu.memory_space<vmem>>
      %dma_start3A_81 = tpu.memref_slice %arg7[%run_scoped3A_52, %mul3A_51] : memref<16x10240xf32, #tpu.memory_space<vmem_shared>> -> memref<1x640xf32, #tpu.memory_space<vmem_shared>>
      %dma_start3A_82 = tpu.memref_squeeze %dma_start3A_81 : memref<1x640xf32, #tpu.memory_space<vmem_shared>> -> memref<640xf32, #tpu.memory_space<vmem_shared>>
      %dma_start3A_83 = arith.constant 0 : i32
      %dma_start3A_84 = tpu.memref_slice %arg8[%run_scoped3A_53, %dma_start3A_83] : memref<16x640xf32, #tpu.memory_space<vmem>> -> memref<1x640xf32, #tpu.memory_space<vmem>>
      %dma_start3A_85 = tpu.memref_squeeze %dma_start3A_84 : memref<1x640xf32, #tpu.memory_space<vmem>> -> memref<640xf32, #tpu.memory_space<vmem>>
      %dma_start3A_86 = tpu.memref_slice %arg7[%run_scoped3A_52, %mul3A_51] : memref<16x10240xf32, #tpu.memory_space<vmem_shared>> -> memref<1x640xf32, #tpu.memory_space<vmem_shared>>
      %dma_start3A_87 = tpu.memref_squeeze %dma_start3A_86 : memref<1x640xf32, #tpu.memory_space<vmem_shared>> -> memref<640xf32, #tpu.memory_space<vmem_shared>>
      tpu.enqueue_dma source(%dma_start3A_87 : memref<640xf32, #tpu.memory_space<vmem_shared>>) target(%dma_start3A_85 : memref<640xf32, #tpu.memory_space<vmem>>) target_semaphore(%run_scoped3A_78 : memref<!tpu.dma_semaphore, #tpu.memory_space<semaphore_mem>>)
      %dma_wait3A = arith.constant 0 : i32
      %dma_wait3A_88 = tpu.memref_slice %arg8[%run_scoped3A_53, %dma_wait3A] : memref<16x640xf32, #tpu.memory_space<vmem>> -> memref<1x640xf32, #tpu.memory_space<vmem>>
      %dma_wait3A_89 = tpu.memref_squeeze %dma_wait3A_88 : memref<1x640xf32, #tpu.memory_space<vmem>> -> memref<640xf32, #tpu.memory_space<vmem>>
      %dma_wait3A_90 = tpu.memref_slice %arg7[%run_scoped3A_52, %mul3A_51] : memref<16x10240xf32, #tpu.memory_space<vmem_shared>> -> memref<1x640xf32, #tpu.memory_space<vmem_shared>>
      %dma_wait3A_91 = tpu.memref_squeeze %dma_wait3A_90 : memref<1x640xf32, #tpu.memory_space<vmem_shared>> -> memref<640xf32, #tpu.memory_space<vmem_shared>>
      %dma_wait3A_92 = arith.constant 0 : i32
      %dma_wait3A_93 = tpu.memref_slice %arg8[%run_scoped3A_53, %dma_wait3A_92] : memref<16x640xf32, #tpu.memory_space<vmem>> -> memref<1x640xf32, #tpu.memory_space<vmem>>
      %dma_wait3A_94 = tpu.memref_squeeze %dma_wait3A_93 : memref<1x640xf32, #tpu.memory_space<vmem>> -> memref<640xf32, #tpu.memory_space<vmem>>
      %dma_wait3A_95 = tpu.memref_slice %arg7[%run_scoped3A_52, %mul3A_51] : memref<16x10240xf32, #tpu.memory_space<vmem_shared>> -> memref<1x640xf32, #tpu.memory_space<vmem_shared>>
      %dma_wait3A_96 = tpu.memref_squeeze %dma_wait3A_95 : memref<1x640xf32, #tpu.memory_space<vmem_shared>> -> memref<640xf32, #tpu.memory_space<vmem_shared>>
      tpu.wait_dma2 semaphore(%run_scoped3A_78 : memref<!tpu.dma_semaphore, #tpu.memory_space<semaphore_mem>>) src(%dma_wait3A_96 : memref<640xf32, #tpu.memory_space<vmem_shared>>) dst(%dma_wait3A_94 : memref<640xf32, #tpu.memory_space<vmem>>)
      tpu.yield
    }) : () -> ()
    %mul3A_54 = arith.constant 640 : i32
    %mul3A_55 = arith.muli %arg1, %mul3A_54 : i32
    %run_scoped3A_56 = arith.constant 12 : i32
    %run_scoped3A_57 = arith.constant 12 : i32
    "tpu.region"() ({
      %run_scoped3A_78 = tpu.sem_alloc : memref<!tpu.dma_semaphore, #tpu.memory_space<semaphore_mem>>
      %dma_start3A = arith.constant 0 : i32
      %dma_start3A_79 = tpu.memref_slice %arg8[%run_scoped3A_57, %dma_start3A] : memref<16x640xf32, #tpu.memory_space<vmem>> -> memref<1x640xf32, #tpu.memory_space<vmem>>
      %dma_start3A_80 = tpu.memref_squeeze %dma_start3A_79 : memref<1x640xf32, #tpu.memory_space<vmem>> -> memref<640xf32, #tpu.memory_space<vmem>>
      %dma_start3A_81 = tpu.memref_slice %arg7[%run_scoped3A_56, %mul3A_55] : memref<16x10240xf32, #tpu.memory_space<vmem_shared>> -> memref<1x640xf32, #tpu.memory_space<vmem_shared>>
      %dma_start3A_82 = tpu.memref_squeeze %dma_start3A_81 : memref<1x640xf32, #tpu.memory_space<vmem_shared>> -> memref<640xf32, #tpu.memory_space<vmem_shared>>
      %dma_start3A_83 = arith.constant 0 : i32
      %dma_start3A_84 = tpu.memref_slice %arg8[%run_scoped3A_57, %dma_start3A_83] : memref<16x640xf32, #tpu.memory_space<vmem>> -> memref<1x640xf32, #tpu.memory_space<vmem>>
      %dma_start3A_85 = tpu.memref_squeeze %dma_start3A_84 : memref<1x640xf32, #tpu.memory_space<vmem>> -> memref<640xf32, #tpu.memory_space<vmem>>
      %dma_start3A_86 = tpu.memref_slice %arg7[%run_scoped3A_56, %mul3A_55] : memref<16x10240xf32, #tpu.memory_space<vmem_shared>> -> memref<1x640xf32, #tpu.memory_space<vmem_shared>>
      %dma_start3A_87 = tpu.memref_squeeze %dma_start3A_86 : memref<1x640xf32, #tpu.memory_space<vmem_shared>> -> memref<640xf32, #tpu.memory_space<vmem_shared>>
      tpu.enqueue_dma source(%dma_start3A_87 : memref<640xf32, #tpu.memory_space<vmem_shared>>) target(%dma_start3A_85 : memref<640xf32, #tpu.memory_space<vmem>>) target_semaphore(%run_scoped3A_78 : memref<!tpu.dma_semaphore, #tpu.memory_space<semaphore_mem>>)
      %dma_wait3A = arith.constant 0 : i32
      %dma_wait3A_88 = tpu.memref_slice %arg8[%run_scoped3A_57, %dma_wait3A] : memref<16x640xf32, #tpu.memory_space<vmem>> -> memref<1x640xf32, #tpu.memory_space<vmem>>
      %dma_wait3A_89 = tpu.memref_squeeze %dma_wait3A_88 : memref<1x640xf32, #tpu.memory_space<vmem>> -> memref<640xf32, #tpu.memory_space<vmem>>
      %dma_wait3A_90 = tpu.memref_slice %arg7[%run_scoped3A_56, %mul3A_55] : memref<16x10240xf32, #tpu.memory_space<vmem_shared>> -> memref<1x640xf32, #tpu.memory_space<vmem_shared>>
      %dma_wait3A_91 = tpu.memref_squeeze %dma_wait3A_90 : memref<1x640xf32, #tpu.memory_space<vmem_shared>> -> memref<640xf32, #tpu.memory_space<vmem_shared>>
      %dma_wait3A_92 = arith.constant 0 : i32
      %dma_wait3A_93 = tpu.memref_slice %arg8[%run_scoped3A_57, %dma_wait3A_92] : memref<16x640xf32, #tpu.memory_space<vmem>> -> memref<1x640xf32, #tpu.memory_space<vmem>>
      %dma_wait3A_94 = tpu.memref_squeeze %dma_wait3A_93 : memref<1x640xf32, #tpu.memory_space<vmem>> -> memref<640xf32, #tpu.memory_space<vmem>>
      %dma_wait3A_95 = tpu.memref_slice %arg7[%run_scoped3A_56, %mul3A_55] : memref<16x10240xf32, #tpu.memory_space<vmem_shared>> -> memref<1x640xf32, #tpu.memory_space<vmem_shared>>
      %dma_wait3A_96 = tpu.memref_squeeze %dma_wait3A_95 : memref<1x640xf32, #tpu.memory_space<vmem_shared>> -> memref<640xf32, #tpu.memory_space<vmem_shared>>
      tpu.wait_dma2 semaphore(%run_scoped3A_78 : memref<!tpu.dma_semaphore, #tpu.memory_space<semaphore_mem>>) src(%dma_wait3A_96 : memref<640xf32, #tpu.memory_space<vmem_shared>>) dst(%dma_wait3A_94 : memref<640xf32, #tpu.memory_space<vmem>>)
      tpu.yield
    }) : () -> ()
    %mul3A_58 = arith.constant 640 : i32
    %mul3A_59 = arith.muli %arg1, %mul3A_58 : i32
    %run_scoped3A_60 = arith.constant 13 : i32
    %run_scoped3A_61 = arith.constant 13 : i32
    "tpu.region"() ({
      %run_scoped3A_78 = tpu.sem_alloc : memref<!tpu.dma_semaphore, #tpu.memory_space<semaphore_mem>>
      %dma_start3A = arith.constant 0 : i32
      %dma_start3A_79 = tpu.memref_slice %arg8[%run_scoped3A_61, %dma_start3A] : memref<16x640xf32, #tpu.memory_space<vmem>> -> memref<1x640xf32, #tpu.memory_space<vmem>>
      %dma_start3A_80 = tpu.memref_squeeze %dma_start3A_79 : memref<1x640xf32, #tpu.memory_space<vmem>> -> memref<640xf32, #tpu.memory_space<vmem>>
      %dma_start3A_81 = tpu.memref_slice %arg7[%run_scoped3A_60, %mul3A_59] : memref<16x10240xf32, #tpu.memory_space<vmem_shared>> -> memref<1x640xf32, #tpu.memory_space<vmem_shared>>
      %dma_start3A_82 = tpu.memref_squeeze %dma_start3A_81 : memref<1x640xf32, #tpu.memory_space<vmem_shared>> -> memref<640xf32, #tpu.memory_space<vmem_shared>>
      %dma_start3A_83 = arith.constant 0 : i32
      %dma_start3A_84 = tpu.memref_slice %arg8[%run_scoped3A_61, %dma_start3A_83] : memref<16x640xf32, #tpu.memory_space<vmem>> -> memref<1x640xf32, #tpu.memory_space<vmem>>
      %dma_start3A_85 = tpu.memref_squeeze %dma_start3A_84 : memref<1x640xf32, #tpu.memory_space<vmem>> -> memref<640xf32, #tpu.memory_space<vmem>>
      %dma_start3A_86 = tpu.memref_slice %arg7[%run_scoped3A_60, %mul3A_59] : memref<16x10240xf32, #tpu.memory_space<vmem_shared>> -> memref<1x640xf32, #tpu.memory_space<vmem_shared>>
      %dma_start3A_87 = tpu.memref_squeeze %dma_start3A_86 : memref<1x640xf32, #tpu.memory_space<vmem_shared>> -> memref<640xf32, #tpu.memory_space<vmem_shared>>
      tpu.enqueue_dma source(%dma_start3A_87 : memref<640xf32, #tpu.memory_space<vmem_shared>>) target(%dma_start3A_85 : memref<640xf32, #tpu.memory_space<vmem>>) target_semaphore(%run_scoped3A_78 : memref<!tpu.dma_semaphore, #tpu.memory_space<semaphore_mem>>)
      %dma_wait3A = arith.constant 0 : i32
      %dma_wait3A_88 = tpu.memref_slice %arg8[%run_scoped3A_61, %dma_wait3A] : memref<16x640xf32, #tpu.memory_space<vmem>> -> memref<1x640xf32, #tpu.memory_space<vmem>>
      %dma_wait3A_89 = tpu.memref_squeeze %dma_wait3A_88 : memref<1x640xf32, #tpu.memory_space<vmem>> -> memref<640xf32, #tpu.memory_space<vmem>>
      %dma_wait3A_90 = tpu.memref_slice %arg7[%run_scoped3A_60, %mul3A_59] : memref<16x10240xf32, #tpu.memory_space<vmem_shared>> -> memref<1x640xf32, #tpu.memory_space<vmem_shared>>
      %dma_wait3A_91 = tpu.memref_squeeze %dma_wait3A_90 : memref<1x640xf32, #tpu.memory_space<vmem_shared>> -> memref<640xf32, #tpu.memory_space<vmem_shared>>
      %dma_wait3A_92 = arith.constant 0 : i32
      %dma_wait3A_93 = tpu.memref_slice %arg8[%run_scoped3A_61, %dma_wait3A_92] : memref<16x640xf32, #tpu.memory_space<vmem>> -> memref<1x640xf32, #tpu.memory_space<vmem>>
      %dma_wait3A_94 = tpu.memref_squeeze %dma_wait3A_93 : memref<1x640xf32, #tpu.memory_space<vmem>> -> memref<640xf32, #tpu.memory_space<vmem>>
      %dma_wait3A_95 = tpu.memref_slice %arg7[%run_scoped3A_60, %mul3A_59] : memref<16x10240xf32, #tpu.memory_space<vmem_shared>> -> memref<1x640xf32, #tpu.memory_space<vmem_shared>>
      %dma_wait3A_96 = tpu.memref_squeeze %dma_wait3A_95 : memref<1x640xf32, #tpu.memory_space<vmem_shared>> -> memref<640xf32, #tpu.memory_space<vmem_shared>>
      tpu.wait_dma2 semaphore(%run_scoped3A_78 : memref<!tpu.dma_semaphore, #tpu.memory_space<semaphore_mem>>) src(%dma_wait3A_96 : memref<640xf32, #tpu.memory_space<vmem_shared>>) dst(%dma_wait3A_94 : memref<640xf32, #tpu.memory_space<vmem>>)
      tpu.yield
    }) : () -> ()
    %mul3A_62 = arith.constant 640 : i32
    %mul3A_63 = arith.muli %arg1, %mul3A_62 : i32
    %run_scoped3A_64 = arith.constant 14 : i32
    %run_scoped3A_65 = arith.constant 14 : i32
    "tpu.region"() ({
      %run_scoped3A_78 = tpu.sem_alloc : memref<!tpu.dma_semaphore, #tpu.memory_space<semaphore_mem>>
      %dma_start3A = arith.constant 0 : i32
      %dma_start3A_79 = tpu.memref_slice %arg8[%run_scoped3A_65, %dma_start3A] : memref<16x640xf32, #tpu.memory_space<vmem>> -> memref<1x640xf32, #tpu.memory_space<vmem>>
      %dma_start3A_80 = tpu.memref_squeeze %dma_start3A_79 : memref<1x640xf32, #tpu.memory_space<vmem>> -> memref<640xf32, #tpu.memory_space<vmem>>
      %dma_start3A_81 = tpu.memref_slice %arg7[%run_scoped3A_64, %mul3A_63] : memref<16x10240xf32, #tpu.memory_space<vmem_shared>> -> memref<1x640xf32, #tpu.memory_space<vmem_shared>>
      %dma_start3A_82 = tpu.memref_squeeze %dma_start3A_81 : memref<1x640xf32, #tpu.memory_space<vmem_shared>> -> memref<640xf32, #tpu.memory_space<vmem_shared>>
      %dma_start3A_83 = arith.constant 0 : i32
      %dma_start3A_84 = tpu.memref_slice %arg8[%run_scoped3A_65, %dma_start3A_83] : memref<16x640xf32, #tpu.memory_space<vmem>> -> memref<1x640xf32, #tpu.memory_space<vmem>>
      %dma_start3A_85 = tpu.memref_squeeze %dma_start3A_84 : memref<1x640xf32, #tpu.memory_space<vmem>> -> memref<640xf32, #tpu.memory_space<vmem>>
      %dma_start3A_86 = tpu.memref_slice %arg7[%run_scoped3A_64, %mul3A_63] : memref<16x10240xf32, #tpu.memory_space<vmem_shared>> -> memref<1x640xf32, #tpu.memory_space<vmem_shared>>
      %dma_start3A_87 = tpu.memref_squeeze %dma_start3A_86 : memref<1x640xf32, #tpu.memory_space<vmem_shared>> -> memref<640xf32, #tpu.memory_space<vmem_shared>>
      tpu.enqueue_dma source(%dma_start3A_87 : memref<640xf32, #tpu.memory_space<vmem_shared>>) target(%dma_start3A_85 : memref<640xf32, #tpu.memory_space<vmem>>) target_semaphore(%run_scoped3A_78 : memref<!tpu.dma_semaphore, #tpu.memory_space<semaphore_mem>>)
      %dma_wait3A = arith.constant 0 : i32
      %dma_wait3A_88 = tpu.memref_slice %arg8[%run_scoped3A_65, %dma_wait3A] : memref<16x640xf32, #tpu.memory_space<vmem>> -> memref<1x640xf32, #tpu.memory_space<vmem>>
      %dma_wait3A_89 = tpu.memref_squeeze %dma_wait3A_88 : memref<1x640xf32, #tpu.memory_space<vmem>> -> memref<640xf32, #tpu.memory_space<vmem>>
      %dma_wait3A_90 = tpu.memref_slice %arg7[%run_scoped3A_64, %mul3A_63] : memref<16x10240xf32, #tpu.memory_space<vmem_shared>> -> memref<1x640xf32, #tpu.memory_space<vmem_shared>>
      %dma_wait3A_91 = tpu.memref_squeeze %dma_wait3A_90 : memref<1x640xf32, #tpu.memory_space<vmem_shared>> -> memref<640xf32, #tpu.memory_space<vmem_shared>>
      %dma_wait3A_92 = arith.constant 0 : i32
      %dma_wait3A_93 = tpu.memref_slice %arg8[%run_scoped3A_65, %dma_wait3A_92] : memref<16x640xf32, #tpu.memory_space<vmem>> -> memref<1x640xf32, #tpu.memory_space<vmem>>
      %dma_wait3A_94 = tpu.memref_squeeze %dma_wait3A_93 : memref<1x640xf32, #tpu.memory_space<vmem>> -> memref<640xf32, #tpu.memory_space<vmem>>
      %dma_wait3A_95 = tpu.memref_slice %arg7[%run_scoped3A_64, %mul3A_63] : memref<16x10240xf32, #tpu.memory_space<vmem_shared>> -> memref<1x640xf32, #tpu.memory_space<vmem_shared>>
      %dma_wait3A_96 = tpu.memref_squeeze %dma_wait3A_95 : memref<1x640xf32, #tpu.memory_space<vmem_shared>> -> memref<640xf32, #tpu.memory_space<vmem_shared>>
      tpu.wait_dma2 semaphore(%run_scoped3A_78 : memref<!tpu.dma_semaphore, #tpu.memory_space<semaphore_mem>>) src(%dma_wait3A_96 : memref<640xf32, #tpu.memory_space<vmem_shared>>) dst(%dma_wait3A_94 : memref<640xf32, #tpu.memory_space<vmem>>)
      tpu.yield
    }) : () -> ()
    %mul3A_66 = arith.constant 640 : i32
    %mul3A_67 = arith.muli %arg1, %mul3A_66 : i32
    %run_scoped3A_68 = arith.constant 15 : i32
    %run_scoped3A_69 = arith.constant 15 : i32
    "tpu.region"() ({
      %run_scoped3A_78 = tpu.sem_alloc : memref<!tpu.dma_semaphore, #tpu.memory_space<semaphore_mem>>
      %dma_start3A = arith.constant 0 : i32
      %dma_start3A_79 = tpu.memref_slice %arg8[%run_scoped3A_69, %dma_start3A] : memref<16x640xf32, #tpu.memory_space<vmem>> -> memref<1x640xf32, #tpu.memory_space<vmem>>
      %dma_start3A_80 = tpu.memref_squeeze %dma_start3A_79 : memref<1x640xf32, #tpu.memory_space<vmem>> -> memref<640xf32, #tpu.memory_space<vmem>>
      %dma_start3A_81 = tpu.memref_slice %arg7[%run_scoped3A_68, %mul3A_67] : memref<16x10240xf32, #tpu.memory_space<vmem_shared>> -> memref<1x640xf32, #tpu.memory_space<vmem_shared>>
      %dma_start3A_82 = tpu.memref_squeeze %dma_start3A_81 : memref<1x640xf32, #tpu.memory_space<vmem_shared>> -> memref<640xf32, #tpu.memory_space<vmem_shared>>
      %dma_start3A_83 = arith.constant 0 : i32
      %dma_start3A_84 = tpu.memref_slice %arg8[%run_scoped3A_69, %dma_start3A_83] : memref<16x640xf32, #tpu.memory_space<vmem>> -> memref<1x640xf32, #tpu.memory_space<vmem>>
      %dma_start3A_85 = tpu.memref_squeeze %dma_start3A_84 : memref<1x640xf32, #tpu.memory_space<vmem>> -> memref<640xf32, #tpu.memory_space<vmem>>
      %dma_start3A_86 = tpu.memref_slice %arg7[%run_scoped3A_68, %mul3A_67] : memref<16x10240xf32, #tpu.memory_space<vmem_shared>> -> memref<1x640xf32, #tpu.memory_space<vmem_shared>>
      %dma_start3A_87 = tpu.memref_squeeze %dma_start3A_86 : memref<1x640xf32, #tpu.memory_space<vmem_shared>> -> memref<640xf32, #tpu.memory_space<vmem_shared>>
      tpu.enqueue_dma source(%dma_start3A_87 : memref<640xf32, #tpu.memory_space<vmem_shared>>) target(%dma_start3A_85 : memref<640xf32, #tpu.memory_space<vmem>>) target_semaphore(%run_scoped3A_78 : memref<!tpu.dma_semaphore, #tpu.memory_space<semaphore_mem>>)
      %dma_wait3A = arith.constant 0 : i32
      %dma_wait3A_88 = tpu.memref_slice %arg8[%run_scoped3A_69, %dma_wait3A] : memref<16x640xf32, #tpu.memory_space<vmem>> -> memref<1x640xf32, #tpu.memory_space<vmem>>
      %dma_wait3A_89 = tpu.memref_squeeze %dma_wait3A_88 : memref<1x640xf32, #tpu.memory_space<vmem>> -> memref<640xf32, #tpu.memory_space<vmem>>
      %dma_wait3A_90 = tpu.memref_slice %arg7[%run_scoped3A_68, %mul3A_67] : memref<16x10240xf32, #tpu.memory_space<vmem_shared>> -> memref<1x640xf32, #tpu.memory_space<vmem_shared>>
      %dma_wait3A_91 = tpu.memref_squeeze %dma_wait3A_90 : memref<1x640xf32, #tpu.memory_space<vmem_shared>> -> memref<640xf32, #tpu.memory_space<vmem_shared>>
      %dma_wait3A_92 = arith.constant 0 : i32
      %dma_wait3A_93 = tpu.memref_slice %arg8[%run_scoped3A_69, %dma_wait3A_92] : memref<16x640xf32, #tpu.memory_space<vmem>> -> memref<1x640xf32, #tpu.memory_space<vmem>>
      %dma_wait3A_94 = tpu.memref_squeeze %dma_wait3A_93 : memref<1x640xf32, #tpu.memory_space<vmem>> -> memref<640xf32, #tpu.memory_space<vmem>>
      %dma_wait3A_95 = tpu.memref_slice %arg7[%run_scoped3A_68, %mul3A_67] : memref<16x10240xf32, #tpu.memory_space<vmem_shared>> -> memref<1x640xf32, #tpu.memory_space<vmem_shared>>
      %dma_wait3A_96 = tpu.memref_squeeze %dma_wait3A_95 : memref<1x640xf32, #tpu.memory_space<vmem_shared>> -> memref<640xf32, #tpu.memory_space<vmem_shared>>
      tpu.wait_dma2 semaphore(%run_scoped3A_78 : memref<!tpu.dma_semaphore, #tpu.memory_space<semaphore_mem>>) src(%dma_wait3A_96 : memref<640xf32, #tpu.memory_space<vmem_shared>>) dst(%dma_wait3A_94 : memref<640xf32, #tpu.memory_space<vmem>>)
      tpu.yield
    }) : () -> ()
    %scan3A_70 = arith.constant 0 : i32
    %scan3A_71 = arith.constant 0 : i32
    %scan3A_72 = arith.constant 40 : i32
    %scan3A_73 = arith.addi %scan3A_71, %scan3A_72 : i32
    %scan3A_74 = arith.constant 1 : i32
    scf.for %scan3A_78 = %scan3A_71 to %scan3A_73 step %scan3A_74  : i32 {
      %mul3A_79 = arith.constant 16 : i32
      %mul3A_80 = arith.muli %scan3A_78, %mul3A_79 : i32
      %get3A = arith.constant 0 : i32
      %get3A_81 = arith.index_cast %get3A : i32 to index
      %get3A_82 = arith.index_cast %mul3A_80 : i32 to index
      %get3A_83 = tpu.vector_load %arg8[%get3A_81, %get3A_82] {strides = array<i32>} : memref<16x640xf32, #tpu.memory_space<vmem>>, vector<16xf32>,
      %mul3A_84 = arith.constant 16 : i32
      %mul3A_85 = arith.muli %scan3A_78, %mul3A_84 : i32
      %get3A_86 = arith.constant 1 : i32
      %get3A_87 = arith.index_cast %get3A_86 : i32 to index
      %get3A_88 = arith.index_cast %mul3A_85 : i32 to index
      %get3A_89 = tpu.vector_load %arg8[%get3A_87, %get3A_88] {strides = array<i32>} : memref<16x640xf32, #tpu.memory_space<vmem>>, vector<16xf32>,
      %add3A_90 = arith.addf %get3A_83, %get3A_89 : vector<16xf32>
      %mul3A_91 = arith.constant 16 : i32
      %mul3A_92 = arith.muli %scan3A_78, %mul3A_91 : i32
      %get3A_93 = arith.constant 2 : i32
      %get3A_94 = arith.index_cast %get3A_93 : i32 to index
      %get3A_95 = arith.index_cast %mul3A_92 : i32 to index
      %get3A_96 = tpu.vector_load %arg8[%get3A_94, %get3A_95] {strides = array<i32>} : memref<16x640xf32, #tpu.memory_space<vmem>>, vector<16xf32>,
      %add3A_97 = arith.addf %add3A_90, %get3A_96 : vector<16xf32>
      %mul3A_98 = arith.constant 16 : i32
      %mul3A_99 = arith.muli %scan3A_78, %mul3A_98 : i32
      %get3A_100 = arith.constant 3 : i32
      %get3A_101 = arith.index_cast %get3A_100 : i32 to index
      %get3A_102 = arith.index_cast %mul3A_99 : i32 to index
      %get3A_103 = tpu.vector_load %arg8[%get3A_101, %get3A_102] {strides = array<i32>} : memref<16x640xf32, #tpu.memory_space<vmem>>, vector<16xf32>,
      %add3A_104 = arith.addf %add3A_97, %get3A_103 : vector<16xf32>
      %mul3A_105 = arith.constant 16 : i32
      %mul3A_106 = arith.muli %scan3A_78, %mul3A_105 : i32
      %get3A_107 = arith.constant 4 : i32
      %get3A_108 = arith.index_cast %get3A_107 : i32 to index
      %get3A_109 = arith.index_cast %mul3A_106 : i32 to index
      %get3A_110 = tpu.vector_load %arg8[%get3A_108, %get3A_109] {strides = array<i32>} : memref<16x640xf32, #tpu.memory_space<vmem>>, vector<16xf32>,
      %add3A_111 = arith.addf %add3A_104, %get3A_110 : vector<16xf32>
      %mul3A_112 = arith.constant 16 : i32
      %mul3A_113 = arith.muli %scan3A_78, %mul3A_112 : i32
      %get3A_114 = arith.constant 5 : i32
      %get3A_115 = arith.index_cast %get3A_114 : i32 to index
      %get3A_116 = arith.index_cast %mul3A_113 : i32 to index
      %get3A_117 = tpu.vector_load %arg8[%get3A_115, %get3A_116] {strides = array<i32>} : memref<16x640xf32, #tpu.memory_space<vmem>>, vector<16xf32>,
      %add3A_118 = arith.addf %add3A_111, %get3A_117 : vector<16xf32>
      %mul3A_119 = arith.constant 16 : i32
      %mul3A_120 = arith.muli %scan3A_78, %mul3A_119 : i32
      %get3A_121 = arith.constant 6 : i32
      %get3A_122 = arith.index_cast %get3A_121 : i32 to index
      %get3A_123 = arith.index_cast %mul3A_120 : i32 to index
      %get3A_124 = tpu.vector_load %arg8[%get3A_122, %get3A_123] {strides = array<i32>} : memref<16x640xf32, #tpu.memory_space<vmem>>, vector<16xf32>,
      %add3A_125 = arith.addf %add3A_118, %get3A_124 : vector<16xf32>
      %mul3A_126 = arith.constant 16 : i32
      %mul3A_127 = arith.muli %scan3A_78, %mul3A_126 : i32
      %get3A_128 = arith.constant 7 : i32
      %get3A_129 = arith.index_cast %get3A_128 : i32 to index
      %get3A_130 = arith.index_cast %mul3A_127 : i32 to index
      %get3A_131 = tpu.vector_load %arg8[%get3A_129, %get3A_130] {strides = array<i32>} : memref<16x640xf32, #tpu.memory_space<vmem>>, vector<16xf32>,
      %add3A_132 = arith.addf %add3A_125, %get3A_131 : vector<16xf32>
      %mul3A_133 = arith.constant 16 : i32
      %mul3A_134 = arith.muli %scan3A_78, %mul3A_133 : i32
      %get3A_135 = arith.constant 8 : i32
      %get3A_136 = arith.index_cast %get3A_135 : i32 to index
      %get3A_137 = arith.index_cast %mul3A_134 : i32 to index
      %get3A_138 = tpu.vector_load %arg8[%get3A_136, %get3A_137] {strides = array<i32>} : memref<16x640xf32, #tpu.memory_space<vmem>>, vector<16xf32>,
      %add3A_139 = arith.addf %add3A_132, %get3A_138 : vector<16xf32>
      %mul3A_140 = arith.constant 16 : i32
      %mul3A_141 = arith.muli %scan3A_78, %mul3A_140 : i32
      %get3A_142 = arith.constant 9 : i32
      %get3A_143 = arith.index_cast %get3A_142 : i32 to index
      %get3A_144 = arith.index_cast %mul3A_141 : i32 to index
      %get3A_145 = tpu.vector_load %arg8[%get3A_143, %get3A_144] {strides = array<i32>} : memref<16x640xf32, #tpu.memory_space<vmem>>, vector<16xf32>,
      %add3A_146 = arith.addf %add3A_139, %get3A_145 : vector<16xf32>
      %mul3A_147 = arith.constant 16 : i32
      %mul3A_148 = arith.muli %scan3A_78, %mul3A_147 : i32
      %get3A_149 = arith.constant 10 : i32
      %get3A_150 = arith.index_cast %get3A_149 : i32 to index
      %get3A_151 = arith.index_cast %mul3A_148 : i32 to index
      %get3A_152 = tpu.vector_load %arg8[%get3A_150, %get3A_151] {strides = array<i32>} : memref<16x640xf32, #tpu.memory_space<vmem>>, vector<16xf32>,
      %add3A_153 = arith.addf %add3A_146, %get3A_152 : vector<16xf32>
      %mul3A_154 = arith.constant 16 : i32
      %mul3A_155 = arith.muli %scan3A_78, %mul3A_154 : i32
      %get3A_156 = arith.constant 11 : i32
      %get3A_157 = arith.index_cast %get3A_156 : i32 to index
      %get3A_158 = arith.index_cast %mul3A_155 : i32 to index
      %get3A_159 = tpu.vector_load %arg8[%get3A_157, %get3A_158] {strides = array<i32>} : memref<16x640xf32, #tpu.memory_space<vmem>>, vector<16xf32>,
      %add3A_160 = arith.addf %add3A_153, %get3A_159 : vector<16xf32>
      %mul3A_161 = arith.constant 16 : i32
      %mul3A_162 = arith.muli %scan3A_78, %mul3A_161 : i32
      %get3A_163 = arith.constant 12 : i32
      %get3A_164 = arith.index_cast %get3A_163 : i32 to index
      %get3A_165 = arith.index_cast %mul3A_162 : i32 to index
      %get3A_166 = tpu.vector_load %arg8[%get3A_164, %get3A_165] {strides = array<i32>} : memref<16x640xf32, #tpu.memory_space<vmem>>, vector<16xf32>,
      %add3A_167 = arith.addf %add3A_160, %get3A_166 : vector<16xf32>
      %mul3A_168 = arith.constant 16 : i32
      %mul3A_169 = arith.muli %scan3A_78, %mul3A_168 : i32
      %get3A_170 = arith.constant 13 : i32
      %get3A_171 = arith.index_cast %get3A_170 : i32 to index
      %get3A_172 = arith.index_cast %mul3A_169 : i32 to index
      %get3A_173 = tpu.vector_load %arg8[%get3A_171, %get3A_172] {strides = array<i32>} : memref<16x640xf32, #tpu.memory_space<vmem>>, vector<16xf32>,
      %add3A_174 = arith.addf %add3A_167, %get3A_173 : vector<16xf32>
      %mul3A_175 = arith.constant 16 : i32
      %mul3A_176 = arith.muli %scan3A_78, %mul3A_175 : i32
      %get3A_177 = arith.constant 14 : i32
      %get3A_178 = arith.index_cast %get3A_177 : i32 to index
      %get3A_179 = arith.index_cast %mul3A_176 : i32 to index
      %get3A_180 = tpu.vector_load %arg8[%get3A_178, %get3A_179] {strides = array<i32>} : memref<16x640xf32, #tpu.memory_space<vmem>>, vector<16xf32>,
      %add3A_181 = arith.addf %add3A_174, %get3A_180 : vector<16xf32>
      %mul3A_182 = arith.constant 16 : i32
      %mul3A_183 = arith.muli %scan3A_78, %mul3A_182 : i32
      %get3A_184 = arith.constant 15 : i32
      %get3A_185 = arith.index_cast %get3A_184 : i32 to index
      %get3A_186 = arith.index_cast %mul3A_183 : i32 to index
      %get3A_187 = tpu.vector_load %arg8[%get3A_185, %get3A_186] {strides = array<i32>} : memref<16x640xf32, #tpu.memory_space<vmem>>, vector<16xf32>,
      %add3A_188 = arith.addf %add3A_181, %get3A_187 : vector<16xf32>
      %mul3A_189 = arith.constant 16 : i32
      %mul3A_190 = arith.muli %scan3A_78, %mul3A_189 : i32
      %swap3A = arith.index_cast %mul3A_190 : i32 to index
      %swap3A_191 = tpu.vector_load %arg9[%swap3A] {strides = array<i32>} : memref<640xf32, #tpu.memory_space<vmem>>, vector<16xf32>,
      tpu.vector_store %arg9[%swap3A], %add3A_188 {strides = array<i32>} : memref<640xf32, #tpu.memory_space<vmem>>, vector<16xf32>,
    }
    %scan3A_75 = arith.constant 40 : i32
    %mul3A_76 = arith.constant 640 : i32
    %mul3A_77 = arith.muli %arg1, %mul3A_76 : i32
    "tpu.region"() ({
      %run_scoped3A_78 = tpu.sem_alloc : memref<!tpu.dma_semaphore, #tpu.memory_space<semaphore_mem>>
      %dma_start3A = tpu.memref_slice %arg4[%arg0, %mul3A_77] : memref<2x10240xf32, #tpu.memory_space<hbm>> -> memref<1x640xf32, #tpu.memory_space<hbm>>
      %dma_start3A_79 = tpu.memref_squeeze %dma_start3A : memref<1x640xf32, #tpu.memory_space<hbm>> -> memref<640xf32, #tpu.memory_space<hbm>>
      %dma_start3A_80 = tpu.memref_slice %arg4[%arg0, %mul3A_77] : memref<2x10240xf32, #tpu.memory_space<hbm>> -> memref<1x640xf32, #tpu.memory_space<hbm>>
      %dma_start3A_81 = tpu.memref_squeeze %dma_start3A_80 : memref<1x640xf32, #tpu.memory_space<hbm>> -> memref<640xf32, #tpu.memory_space<hbm>>
      tpu.enqueue_dma source(%arg9 : memref<640xf32, #tpu.memory_space<vmem>>) target(%dma_start3A_81 : memref<640xf32, #tpu.memory_space<hbm>>) target_semaphore(%run_scoped3A_78 : memref<!tpu.dma_semaphore, #tpu.memory_space<semaphore_mem>>)
      %dma_wait3A = tpu.memref_slice %arg4[%arg0, %mul3A_77] : memref<2x10240xf32, #tpu.memory_space<hbm>> -> memref<1x640xf32, #tpu.memory_space<hbm>>
      %dma_wait3A_82 = tpu.memref_squeeze %dma_wait3A : memref<1x640xf32, #tpu.memory_space<hbm>> -> memref<640xf32, #tpu.memory_space<hbm>>
      %dma_wait3A_83 = tpu.memref_slice %arg4[%arg0, %mul3A_77] : memref<2x10240xf32, #tpu.memory_space<hbm>> -> memref<1x640xf32, #tpu.memory_space<hbm>>
      %dma_wait3A_84 = tpu.memref_squeeze %dma_wait3A_83 : memref<1x640xf32, #tpu.memory_space<hbm>> -> memref<640xf32, #tpu.memory_space<hbm>>
      tpu.wait_dma2 semaphore(%run_scoped3A_78 : memref<!tpu.dma_semaphore, #tpu.memory_space<semaphore_mem>>) src(%arg9 : memref<640xf32, #tpu.memory_space<vmem>>) dst(%dma_wait3A_84 : memref<640xf32, #tpu.memory_space<hbm>>)
      tpu.yield
    }) : () -> ()
    return
  }
}

#map = affine_map<(d0, d1) -> (0, 0, 0)>
#map1 = affine_map<(d0, d1) -> (0, 0)>
module attributes {stable_mosaic.version = 14 : i64} {
  func.func @_sc_agg(%arg0: i32, %arg1: i32, %arg2: memref<32x80x125xi32, #tpu.memory_space<hbm>>, %arg3: memref<2560x1x125xi32, #tpu.memory_space<hbm>>, %arg4: memref<10000x128xf32, #tpu.memory_space<hbm>>, %arg5: memref<640x128xf32, #tpu.memory_space<hbm>>, %arg6: memref<2x10240x128xf32, #tpu.memory_space<hbm>>, %arg7: memref<80x125xi32, #tpu.memory_space<vmem>>, %arg8: memref<1x125xi32, #tpu.memory_space<vmem>>, %arg9: memref<1x125xi32, #tpu.memory_space<vmem>>, %arg10: memref<125x128xf32, #tpu.memory_space<vmem>>, %arg11: memref<125x128xf32, #tpu.memory_space<vmem>>, %arg12: memref<10240x128xf32, #tpu.memory_space<vmem_shared>>, %arg13: memref<!tpu.dma_semaphore, #tpu.memory_space<semaphore_mem>>, %arg14: memref<!tpu.dma_semaphore, #tpu.memory_space<semaphore_mem>>, %arg15: memref<!tpu.dma_semaphore, #tpu.memory_space<semaphore_mem>>, %arg16: memref<!tpu.dma_semaphore, #tpu.memory_space<semaphore_mem>>) attributes {dimension_semantics = [#tpu.dimension_semantics<core_parallel>, #tpu.dimension_semantics<subcore_parallel>], iteration_bounds = array<i64: 2, 16>, scalar_prefetch = 0 : i64, scratch_operands = 10 : i64, tpu.core_type = #tpu.core_type<sc_vector_subcore>, window_params = [{transform_indices = #map}, {transform_indices = #map}, {transform_indices = #map1}, {transform_indices = #map1}, {transform_indices = #map}]} {
    %mul3A = arith.constant 16 : i32
    %mul3A_0 = arith.muli %arg0, %mul3A : i32
    %add3A = arith.addi %mul3A_0, %arg1 : i32
    %mul3A_1 = arith.constant 80 : i32
    %mul3A_2 = arith.muli %add3A, %mul3A_1 : i32
    "tpu.region"() ({
      %run_scoped3A = tpu.sem_alloc : memref<!tpu.dma_semaphore, #tpu.memory_space<semaphore_mem>>
      %dma_start3A_29 = arith.constant 0 : i32
      %dma_start3A_30 = arith.constant 0 : i32
      %dma_start3A_31 = tpu.memref_slice %arg2[%add3A, %dma_start3A_29, %dma_start3A_30] : memref<32x80x125xi32, #tpu.memory_space<hbm>> -> memref<1x80x125xi32, #tpu.memory_space<hbm>>
      %dma_start3A_32 = tpu.memref_squeeze %dma_start3A_31 : memref<1x80x125xi32, #tpu.memory_space<hbm>> -> memref<80x125xi32, #tpu.memory_space<hbm>>
      %dma_start3A_33 = arith.constant 0 : i32
      %dma_start3A_34 = arith.constant 0 : i32
      %dma_start3A_35 = tpu.memref_slice %arg2[%add3A, %dma_start3A_33, %dma_start3A_34] : memref<32x80x125xi32, #tpu.memory_space<hbm>> -> memref<1x80x125xi32, #tpu.memory_space<hbm>>
      %dma_start3A_36 = tpu.memref_squeeze %dma_start3A_35 : memref<1x80x125xi32, #tpu.memory_space<hbm>> -> memref<80x125xi32, #tpu.memory_space<hbm>>
      tpu.enqueue_dma source(%dma_start3A_36 : memref<80x125xi32, #tpu.memory_space<hbm>>) target(%arg7 : memref<80x125xi32, #tpu.memory_space<vmem>>) target_semaphore(%run_scoped3A : memref<!tpu.dma_semaphore, #tpu.memory_space<semaphore_mem>>)
      %dma_wait3A = arith.constant 0 : i32
      %dma_wait3A_37 = arith.constant 0 : i32
      %dma_wait3A_38 = tpu.memref_slice %arg2[%add3A, %dma_wait3A, %dma_wait3A_37] : memref<32x80x125xi32, #tpu.memory_space<hbm>> -> memref<1x80x125xi32, #tpu.memory_space<hbm>>
      %dma_wait3A_39 = tpu.memref_squeeze %dma_wait3A_38 : memref<1x80x125xi32, #tpu.memory_space<hbm>> -> memref<80x125xi32, #tpu.memory_space<hbm>>
      %dma_wait3A_40 = arith.constant 0 : i32
      %dma_wait3A_41 = arith.constant 0 : i32
      %dma_wait3A_42 = tpu.memref_slice %arg2[%add3A, %dma_wait3A_40, %dma_wait3A_41] : memref<32x80x125xi32, #tpu.memory_space<hbm>> -> memref<1x80x125xi32, #tpu.memory_space<hbm>>
      %dma_wait3A_43 = tpu.memref_squeeze %dma_wait3A_42 : memref<1x80x125xi32, #tpu.memory_space<hbm>> -> memref<80x125xi32, #tpu.memory_space<hbm>>
      tpu.wait_dma2 semaphore(%run_scoped3A : memref<!tpu.dma_semaphore, #tpu.memory_space<semaphore_mem>>) src(%dma_wait3A_43 : memref<80x125xi32, #tpu.memory_space<hbm>>) dst(%arg7 : memref<80x125xi32, #tpu.memory_space<vmem>>)
      tpu.yield
    }) : () -> ()
    %dma_start3A = arith.constant 0 : i32
    %dma_start3A_3 = arith.constant 0 : i32
    %dma_start3A_4 = tpu.memref_slice %arg7[%dma_start3A, %dma_start3A_3] : memref<80x125xi32, #tpu.memory_space<vmem>> -> memref<1x125xi32, #tpu.memory_space<vmem>>
    %dma_start3A_5 = tpu.memref_squeeze %dma_start3A_4 : memref<1x125xi32, #tpu.memory_space<vmem>> -> memref<125xi32, #tpu.memory_space<vmem>>
    %dma_start3A_6 = arith.constant 0 : i32
    %dma_start3A_7 = arith.constant 0 : i32
    %dma_start3A_8 = tpu.memref_slice %arg4[%dma_start3A_6, %dma_start3A_7] : memref<10000x128xf32, #tpu.memory_space<hbm>> -> memref<10000x128xf32, #tpu.memory_space<hbm>>
    tpu.enqueue_indirect_dma source(%dma_start3A_8 : memref<10000x128xf32, #tpu.memory_space<hbm>>) target(%arg10 : memref<125x128xf32, #tpu.memory_space<vmem>>) offsets(%dma_start3A_5 : memref<125xi32, #tpu.memory_space<vmem>>) semaphore(%arg13 : memref<!tpu.dma_semaphore, #tpu.memory_space<semaphore_mem>>)
    %dma_start3A_9 = arith.constant 0 : i32
    %dma_start3A_10 = arith.constant 0 : i32
    %dma_start3A_11 = tpu.memref_slice %arg3[%mul3A_2, %dma_start3A_9, %dma_start3A_10] : memref<2560x1x125xi32, #tpu.memory_space<hbm>> -> memref<1x1x125xi32, #tpu.memory_space<hbm>>
    %dma_start3A_12 = tpu.memref_squeeze %dma_start3A_11 : memref<1x1x125xi32, #tpu.memory_space<hbm>> -> memref<1x125xi32, #tpu.memory_space<hbm>>
    %dma_start3A_13 = arith.constant 0 : i32
    %dma_start3A_14 = arith.constant 0 : i32
    %dma_start3A_15 = tpu.memref_slice %arg3[%mul3A_2, %dma_start3A_13, %dma_start3A_14] : memref<2560x1x125xi32, #tpu.memory_space<hbm>> -> memref<1x1x125xi32, #tpu.memory_space<hbm>>
    %dma_start3A_16 = tpu.memref_squeeze %dma_start3A_15 : memref<1x1x125xi32, #tpu.memory_space<hbm>> -> memref<1x125xi32, #tpu.memory_space<hbm>>
    tpu.enqueue_dma source(%dma_start3A_16 : memref<1x125xi32, #tpu.memory_space<hbm>>) target(%arg8 : memref<1x125xi32, #tpu.memory_space<vmem>>) target_semaphore(%arg15 : memref<!tpu.dma_semaphore, #tpu.memory_space<semaphore_mem>>)
    %mul3A_17 = arith.constant 640 : i32
    %mul3A_18 = arith.muli %arg1, %mul3A_17 : i32
    "tpu.region"() ({
      %run_scoped3A = tpu.sem_alloc : memref<!tpu.dma_semaphore, #tpu.memory_space<semaphore_mem>>
      %dma_start3A_29 = arith.constant 0 : i32
      %dma_start3A_30 = tpu.memref_slice %arg12[%mul3A_18, %dma_start3A_29] : memref<10240x128xf32, #tpu.memory_space<vmem_shared>> -> memref<640x128xf32, #tpu.memory_space<vmem_shared>>
      tpu.enqueue_dma source(%arg5 : memref<640x128xf32, #tpu.memory_space<hbm>>) target(%dma_start3A_30 : memref<640x128xf32, #tpu.memory_space<vmem_shared>>) target_semaphore(%run_scoped3A : memref<!tpu.dma_semaphore, #tpu.memory_space<semaphore_mem>>)
      %dma_wait3A = arith.constant 0 : i32
      %dma_wait3A_31 = tpu.memref_slice %arg12[%mul3A_18, %dma_wait3A] : memref<10240x128xf32, #tpu.memory_space<vmem_shared>> -> memref<640x128xf32, #tpu.memory_space<vmem_shared>>
      tpu.wait_dma2 semaphore(%run_scoped3A : memref<!tpu.dma_semaphore, #tpu.memory_space<semaphore_mem>>) src(%arg5 : memref<640x128xf32, #tpu.memory_space<hbm>>) dst(%dma_wait3A_31 : memref<640x128xf32, #tpu.memory_space<vmem_shared>>)
      tpu.yield
    }) : () -> ()
    %barrier3A = arith.constant 0 : index
    tpu.barrier barrier_id(%barrier3A)
    %scan3A = arith.constant 0 : i32
    %scan3A_19 = arith.constant 0 : i32
    %scan3A_20 = arith.constant 40 : i32
    %scan3A_21 = arith.addi %scan3A_19, %scan3A_20 : i32
    %scan3A_22 = arith.constant 1 : i32
    scf.for %scan3A_29 = %scan3A_19 to %scan3A_21 step %scan3A_22  : i32 {
      %mul3A_30 = arith.constant 2 : i32
      %mul3A_31 = arith.muli %mul3A_30, %scan3A_29 : i32
      %add3A_32 = arith.constant 1 : i32
      %add3A_33 = arith.addi %mul3A_31, %add3A_32 : i32
      %dma_start3A_34 = arith.constant 0 : i32
      %dma_start3A_35 = tpu.memref_slice %arg7[%add3A_33, %dma_start3A_34] : memref<80x125xi32, #tpu.memory_space<vmem>> -> memref<1x125xi32, #tpu.memory_space<vmem>>
      %dma_start3A_36 = tpu.memref_squeeze %dma_start3A_35 : memref<1x125xi32, #tpu.memory_space<vmem>> -> memref<125xi32, #tpu.memory_space<vmem>>
      %dma_start3A_37 = arith.constant 0 : i32
      %dma_start3A_38 = arith.constant 0 : i32
      %dma_start3A_39 = tpu.memref_slice %arg4[%dma_start3A_37, %dma_start3A_38] : memref<10000x128xf32, #tpu.memory_space<hbm>> -> memref<10000x128xf32, #tpu.memory_space<hbm>>
      tpu.enqueue_indirect_dma source(%dma_start3A_39 : memref<10000x128xf32, #tpu.memory_space<hbm>>) target(%arg11 : memref<125x128xf32, #tpu.memory_space<vmem>>) offsets(%dma_start3A_36 : memref<125xi32, #tpu.memory_space<vmem>>) semaphore(%arg14 : memref<!tpu.dma_semaphore, #tpu.memory_space<semaphore_mem>>)
      %add3A_40 = arith.addi %mul3A_2, %mul3A_31 : i32
      %add3A_41 = arith.constant 1 : i32
      %add3A_42 = arith.addi %add3A_40, %add3A_41 : i32
      %dma_start3A_43 = arith.constant 0 : i32
      %dma_start3A_44 = arith.constant 0 : i32
      %dma_start3A_45 = tpu.memref_slice %arg3[%add3A_42, %dma_start3A_43, %dma_start3A_44] : memref<2560x1x125xi32, #tpu.memory_space<hbm>> -> memref<1x1x125xi32, #tpu.memory_space<hbm>>
      %dma_start3A_46 = tpu.memref_squeeze %dma_start3A_45 : memref<1x1x125xi32, #tpu.memory_space<hbm>> -> memref<1x125xi32, #tpu.memory_space<hbm>>
      %dma_start3A_47 = arith.constant 0 : i32
      %dma_start3A_48 = arith.constant 0 : i32
      %dma_start3A_49 = tpu.memref_slice %arg3[%add3A_42, %dma_start3A_47, %dma_start3A_48] : memref<2560x1x125xi32, #tpu.memory_space<hbm>> -> memref<1x1x125xi32, #tpu.memory_space<hbm>>
      %dma_start3A_50 = tpu.memref_squeeze %dma_start3A_49 : memref<1x1x125xi32, #tpu.memory_space<hbm>> -> memref<1x125xi32, #tpu.memory_space<hbm>>
      tpu.enqueue_dma source(%dma_start3A_50 : memref<1x125xi32, #tpu.memory_space<hbm>>) target(%arg9 : memref<1x125xi32, #tpu.memory_space<vmem>>) target_semaphore(%arg16 : memref<!tpu.dma_semaphore, #tpu.memory_space<semaphore_mem>>)
      %dma_wait3A = arith.constant 0 : i32
      %dma_wait3A_51 = tpu.memref_slice %arg7[%mul3A_31, %dma_wait3A] : memref<80x125xi32, #tpu.memory_space<vmem>> -> memref<1x125xi32, #tpu.memory_space<vmem>>
      %dma_wait3A_52 = tpu.memref_squeeze %dma_wait3A_51 : memref<1x125xi32, #tpu.memory_space<vmem>> -> memref<125xi32, #tpu.memory_space<vmem>>
      %dma_wait3A_53 = arith.constant 0 : i32
      %dma_wait3A_54 = arith.constant 0 : i32
      %dma_wait3A_55 = tpu.memref_slice %arg4[%dma_wait3A_53, %dma_wait3A_54] : memref<10000x128xf32, #tpu.memory_space<hbm>> -> memref<10000x128xf32, #tpu.memory_space<hbm>>
      tpu.wait_indirect_dma semaphore(%arg13 : memref<!tpu.dma_semaphore, #tpu.memory_space<semaphore_mem>>) src(%dma_wait3A_55 : memref<10000x128xf32, #tpu.memory_space<hbm>>) dst(%arg10 : memref<125x128xf32, #tpu.memory_space<vmem>>)
      %dma_wait3A_56 = arith.constant 0 : i32
      %dma_wait3A_57 = arith.constant 0 : i32
      %dma_wait3A_58 = tpu.memref_slice %arg3[%mul3A_2, %dma_wait3A_56, %dma_wait3A_57] : memref<2560x1x125xi32, #tpu.memory_space<hbm>> -> memref<1x1x125xi32, #tpu.memory_space<hbm>>
      %dma_wait3A_59 = tpu.memref_squeeze %dma_wait3A_58 : memref<1x1x125xi32, #tpu.memory_space<hbm>> -> memref<1x125xi32, #tpu.memory_space<hbm>>
      %dma_wait3A_60 = arith.constant 0 : i32
      %dma_wait3A_61 = arith.constant 0 : i32
      %dma_wait3A_62 = tpu.memref_slice %arg3[%mul3A_2, %dma_wait3A_60, %dma_wait3A_61] : memref<2560x1x125xi32, #tpu.memory_space<hbm>> -> memref<1x1x125xi32, #tpu.memory_space<hbm>>
      %dma_wait3A_63 = tpu.memref_squeeze %dma_wait3A_62 : memref<1x1x125xi32, #tpu.memory_space<hbm>> -> memref<1x125xi32, #tpu.memory_space<hbm>>
      tpu.wait_dma2 semaphore(%arg15 : memref<!tpu.dma_semaphore, #tpu.memory_space<semaphore_mem>>) src(%dma_wait3A_63 : memref<1x125xi32, #tpu.memory_space<hbm>>) dst(%arg8 : memref<1x125xi32, #tpu.memory_space<vmem>>)
      %run_scoped3A = arith.constant 0 : i32
      "tpu.region"() ({
        %run_scoped3A_83 = tpu.sem_alloc : memref<!tpu.dma_semaphore, #tpu.memory_space<semaphore_mem>>
        %dma_start3A_84 = arith.constant 0 : i32
        %dma_start3A_85 = tpu.memref_slice %arg8[%run_scoped3A, %dma_start3A_84] : memref<1x125xi32, #tpu.memory_space<vmem>> -> memref<1x125xi32, #tpu.memory_space<vmem>>
        %dma_start3A_86 = tpu.memref_squeeze %dma_start3A_85 : memref<1x125xi32, #tpu.memory_space<vmem>> -> memref<125xi32, #tpu.memory_space<vmem>>
        %dma_start3A_87 = arith.constant 0 : i32
        %dma_start3A_88 = arith.constant 0 : i32
        %dma_start3A_89 = tpu.memref_slice %arg12[%dma_start3A_87, %dma_start3A_88] : memref<10240x128xf32, #tpu.memory_space<vmem_shared>> -> memref<10240x128xf32, #tpu.memory_space<vmem_shared>>
        tpu.enqueue_indirect_dma source(%arg10 : memref<125x128xf32, #tpu.memory_space<vmem>>) target(%dma_start3A_89 : memref<10240x128xf32, #tpu.memory_space<vmem_shared>>) offsets(%dma_start3A_86 : memref<125xi32, #tpu.memory_space<vmem>>) semaphore(%run_scoped3A_83 : memref<!tpu.dma_semaphore, #tpu.memory_space<semaphore_mem>>) {add = true}
        %dma_wait3A_90 = arith.constant 0 : i32
        %dma_wait3A_91 = tpu.memref_slice %arg8[%run_scoped3A, %dma_wait3A_90] : memref<1x125xi32, #tpu.memory_space<vmem>> -> memref<1x125xi32, #tpu.memory_space<vmem>>
        %dma_wait3A_92 = tpu.memref_squeeze %dma_wait3A_91 : memref<1x125xi32, #tpu.memory_space<vmem>> -> memref<125xi32, #tpu.memory_space<vmem>>
        %dma_wait3A_93 = arith.constant 0 : i32
        %dma_wait3A_94 = arith.constant 0 : i32
        %dma_wait3A_95 = tpu.memref_slice %arg12[%dma_wait3A_93, %dma_wait3A_94] : memref<10240x128xf32, #tpu.memory_space<vmem_shared>> -> memref<10240x128xf32, #tpu.memory_space<vmem_shared>>
        tpu.wait_indirect_dma semaphore(%run_scoped3A_83 : memref<!tpu.dma_semaphore, #tpu.memory_space<semaphore_mem>>) src(%arg10 : memref<125x128xf32, #tpu.memory_space<vmem>>) dst(%dma_wait3A_95 : memref<10240x128xf32, #tpu.memory_space<vmem_shared>>)
        tpu.yield
      }) : () -> ()
      %add3A_64 = arith.constant 2 : i32
      %add3A_65 = arith.addi %mul3A_31, %add3A_64 : i32
      %lt3A = arith.constant 80 : i32
      %lt3A_66 = arith.cmpi slt, %add3A_65, %lt3A : i32
      %convert_element_type3A = arith.extui %lt3A_66 : i1 to i32
      %cond3A = arith.constant 0 : i32
      %cond3A_67 = arith.cmpi ne, %convert_element_type3A, %cond3A : i32
      scf.if %cond3A_67 {
        %add3A_83 = arith.constant 2 : i32
        %add3A_84 = arith.addi %mul3A_31, %add3A_83 : i32
        %dma_start3A_85 = arith.constant 0 : i32
        %dma_start3A_86 = tpu.memref_slice %arg7[%add3A_84, %dma_start3A_85] : memref<80x125xi32, #tpu.memory_space<vmem>> -> memref<1x125xi32, #tpu.memory_space<vmem>>
        %dma_start3A_87 = tpu.memref_squeeze %dma_start3A_86 : memref<1x125xi32, #tpu.memory_space<vmem>> -> memref<125xi32, #tpu.memory_space<vmem>>
        %dma_start3A_88 = arith.constant 0 : i32
        %dma_start3A_89 = arith.constant 0 : i32
        %dma_start3A_90 = tpu.memref_slice %arg4[%dma_start3A_88, %dma_start3A_89] : memref<10000x128xf32, #tpu.memory_space<hbm>> -> memref<10000x128xf32, #tpu.memory_space<hbm>>
        tpu.enqueue_indirect_dma source(%dma_start3A_90 : memref<10000x128xf32, #tpu.memory_space<hbm>>) target(%arg10 : memref<125x128xf32, #tpu.memory_space<vmem>>) offsets(%dma_start3A_87 : memref<125xi32, #tpu.memory_space<vmem>>) semaphore(%arg13 : memref<!tpu.dma_semaphore, #tpu.memory_space<semaphore_mem>>)
        %add3A_91 = arith.addi %mul3A_2, %mul3A_31 : i32
        %add3A_92 = arith.constant 2 : i32
        %add3A_93 = arith.addi %add3A_91, %add3A_92 : i32
        %dma_start3A_94 = arith.constant 0 : i32
        %dma_start3A_95 = arith.constant 0 : i32
        %dma_start3A_96 = tpu.memref_slice %arg3[%add3A_93, %dma_start3A_94, %dma_start3A_95] : memref<2560x1x125xi32, #tpu.memory_space<hbm>> -> memref<1x1x125xi32, #tpu.memory_space<hbm>>
        %dma_start3A_97 = tpu.memref_squeeze %dma_start3A_96 : memref<1x1x125xi32, #tpu.memory_space<hbm>> -> memref<1x125xi32, #tpu.memory_space<hbm>>
        %dma_start3A_98 = arith.constant 0 : i32
        %dma_start3A_99 = arith.constant 0 : i32
        %dma_start3A_100 = tpu.memref_slice %arg3[%add3A_93, %dma_start3A_98, %dma_start3A_99] : memref<2560x1x125xi32, #tpu.memory_space<hbm>> -> memref<1x1x125xi32, #tpu.memory_space<hbm>>
        %dma_start3A_101 = tpu.memref_squeeze %dma_start3A_100 : memref<1x1x125xi32, #tpu.memory_space<hbm>> -> memref<1x125xi32, #tpu.memory_space<hbm>>
        tpu.enqueue_dma source(%dma_start3A_101 : memref<1x125xi32, #tpu.memory_space<hbm>>) target(%arg8 : memref<1x125xi32, #tpu.memory_space<vmem>>) target_semaphore(%arg15 : memref<!tpu.dma_semaphore, #tpu.memory_space<semaphore_mem>>)
      } else {
      }
      %dma_wait3A_68 = arith.constant 0 : i32
      %dma_wait3A_69 = tpu.memref_slice %arg7[%mul3A_31, %dma_wait3A_68] : memref<80x125xi32, #tpu.memory_space<vmem>> -> memref<1x125xi32, #tpu.memory_space<vmem>>
      %dma_wait3A_70 = tpu.memref_squeeze %dma_wait3A_69 : memref<1x125xi32, #tpu.memory_space<vmem>> -> memref<125xi32, #tpu.memory_space<vmem>>
      %dma_wait3A_71 = arith.constant 0 : i32
      %dma_wait3A_72 = arith.constant 0 : i32
      %dma_wait3A_73 = tpu.memref_slice %arg4[%dma_wait3A_71, %dma_wait3A_72] : memref<10000x128xf32, #tpu.memory_space<hbm>> -> memref<10000x128xf32, #tpu.memory_space<hbm>>
      tpu.wait_indirect_dma semaphore(%arg14 : memref<!tpu.dma_semaphore, #tpu.memory_space<semaphore_mem>>) src(%dma_wait3A_73 : memref<10000x128xf32, #tpu.memory_space<hbm>>) dst(%arg11 : memref<125x128xf32, #tpu.memory_space<vmem>>)
      %dma_wait3A_74 = arith.constant 0 : i32
      %dma_wait3A_75 = arith.constant 0 : i32
      %dma_wait3A_76 = tpu.memref_slice %arg3[%mul3A_2, %dma_wait3A_74, %dma_wait3A_75] : memref<2560x1x125xi32, #tpu.memory_space<hbm>> -> memref<1x1x125xi32, #tpu.memory_space<hbm>>
      %dma_wait3A_77 = tpu.memref_squeeze %dma_wait3A_76 : memref<1x1x125xi32, #tpu.memory_space<hbm>> -> memref<1x125xi32, #tpu.memory_space<hbm>>
      %dma_wait3A_78 = arith.constant 0 : i32
      %dma_wait3A_79 = arith.constant 0 : i32
      %dma_wait3A_80 = tpu.memref_slice %arg3[%mul3A_2, %dma_wait3A_78, %dma_wait3A_79] : memref<2560x1x125xi32, #tpu.memory_space<hbm>> -> memref<1x1x125xi32, #tpu.memory_space<hbm>>
      %dma_wait3A_81 = tpu.memref_squeeze %dma_wait3A_80 : memref<1x1x125xi32, #tpu.memory_space<hbm>> -> memref<1x125xi32, #tpu.memory_space<hbm>>
      tpu.wait_dma2 semaphore(%arg16 : memref<!tpu.dma_semaphore, #tpu.memory_space<semaphore_mem>>) src(%dma_wait3A_81 : memref<1x125xi32, #tpu.memory_space<hbm>>) dst(%arg9 : memref<1x125xi32, #tpu.memory_space<vmem>>)
      %run_scoped3A_82 = arith.constant 0 : i32
      "tpu.region"() ({
        %run_scoped3A_83 = tpu.sem_alloc : memref<!tpu.dma_semaphore, #tpu.memory_space<semaphore_mem>>
        %dma_start3A_84 = arith.constant 0 : i32
        %dma_start3A_85 = tpu.memref_slice %arg9[%run_scoped3A_82, %dma_start3A_84] : memref<1x125xi32, #tpu.memory_space<vmem>> -> memref<1x125xi32, #tpu.memory_space<vmem>>
        %dma_start3A_86 = tpu.memref_squeeze %dma_start3A_85 : memref<1x125xi32, #tpu.memory_space<vmem>> -> memref<125xi32, #tpu.memory_space<vmem>>
        %dma_start3A_87 = arith.constant 0 : i32
        %dma_start3A_88 = arith.constant 0 : i32
        %dma_start3A_89 = tpu.memref_slice %arg12[%dma_start3A_87, %dma_start3A_88] : memref<10240x128xf32, #tpu.memory_space<vmem_shared>> -> memref<10240x128xf32, #tpu.memory_space<vmem_shared>>
        tpu.enqueue_indirect_dma source(%arg11 : memref<125x128xf32, #tpu.memory_space<vmem>>) target(%dma_start3A_89 : memref<10240x128xf32, #tpu.memory_space<vmem_shared>>) offsets(%dma_start3A_86 : memref<125xi32, #tpu.memory_space<vmem>>) semaphore(%run_scoped3A_83 : memref<!tpu.dma_semaphore, #tpu.memory_space<semaphore_mem>>) {add = true}
        %dma_wait3A_90 = arith.constant 0 : i32
        %dma_wait3A_91 = tpu.memref_slice %arg9[%run_scoped3A_82, %dma_wait3A_90] : memref<1x125xi32, #tpu.memory_space<vmem>> -> memref<1x125xi32, #tpu.memory_space<vmem>>
        %dma_wait3A_92 = tpu.memref_squeeze %dma_wait3A_91 : memref<1x125xi32, #tpu.memory_space<vmem>> -> memref<125xi32, #tpu.memory_space<vmem>>
        %dma_wait3A_93 = arith.constant 0 : i32
        %dma_wait3A_94 = arith.constant 0 : i32
        %dma_wait3A_95 = tpu.memref_slice %arg12[%dma_wait3A_93, %dma_wait3A_94] : memref<10240x128xf32, #tpu.memory_space<vmem_shared>> -> memref<10240x128xf32, #tpu.memory_space<vmem_shared>>
        tpu.wait_indirect_dma semaphore(%run_scoped3A_83 : memref<!tpu.dma_semaphore, #tpu.memory_space<semaphore_mem>>) src(%arg11 : memref<125x128xf32, #tpu.memory_space<vmem>>) dst(%dma_wait3A_95 : memref<10240x128xf32, #tpu.memory_space<vmem_shared>>)
        tpu.yield
      }) : () -> ()
    }
    %scan3A_23 = arith.constant 40 : i32
    %barrier3A_24 = arith.constant 0 : index
    tpu.barrier barrier_id(%barrier3A_24)
    %mul3A_25 = arith.constant 640 : i32
    %mul3A_26 = arith.muli %arg1, %mul3A_25 : i32
    %mul3A_27 = arith.constant 640 : i32
    %mul3A_28 = arith.muli %arg1, %mul3A_27 : i32
    "tpu.region"() ({
      %run_scoped3A = tpu.sem_alloc : memref<!tpu.dma_semaphore, #tpu.memory_space<semaphore_mem>>
      %dma_start3A_29 = arith.constant 0 : i32
      %dma_start3A_30 = tpu.memref_slice %arg6[%arg0, %mul3A_28, %dma_start3A_29] : memref<2x10240x128xf32, #tpu.memory_space<hbm>> -> memref<1x640x128xf32, #tpu.memory_space<hbm>>
      %dma_start3A_31 = tpu.memref_squeeze %dma_start3A_30 : memref<1x640x128xf32, #tpu.memory_space<hbm>> -> memref<640x128xf32, #tpu.memory_space<hbm>>
      %dma_start3A_32 = arith.constant 0 : i32
      %dma_start3A_33 = tpu.memref_slice %arg12[%mul3A_26, %dma_start3A_32] : memref<10240x128xf32, #tpu.memory_space<vmem_shared>> -> memref<640x128xf32, #tpu.memory_space<vmem_shared>>
      tpu.enqueue_dma source(%dma_start3A_33 : memref<640x128xf32, #tpu.memory_space<vmem_shared>>) target(%dma_start3A_31 : memref<640x128xf32, #tpu.memory_space<hbm>>) target_semaphore(%run_scoped3A : memref<!tpu.dma_semaphore, #tpu.memory_space<semaphore_mem>>)
      %dma_wait3A = arith.constant 0 : i32
      %dma_wait3A_34 = tpu.memref_slice %arg6[%arg0, %mul3A_28, %dma_wait3A] : memref<2x10240x128xf32, #tpu.memory_space<hbm>> -> memref<1x640x128xf32, #tpu.memory_space<hbm>>
      %dma_wait3A_35 = tpu.memref_squeeze %dma_wait3A_34 : memref<1x640x128xf32, #tpu.memory_space<hbm>> -> memref<640x128xf32, #tpu.memory_space<hbm>>
      %dma_wait3A_36 = arith.constant 0 : i32
      %dma_wait3A_37 = tpu.memref_slice %arg12[%mul3A_26, %dma_wait3A_36] : memref<10240x128xf32, #tpu.memory_space<vmem_shared>> -> memref<640x128xf32, #tpu.memory_space<vmem_shared>>
      tpu.wait_dma2 semaphore(%run_scoped3A : memref<!tpu.dma_semaphore, #tpu.memory_space<semaphore_mem>>) src(%dma_wait3A_37 : memref<640x128xf32, #tpu.memory_space<vmem_shared>>) dst(%dma_wait3A_35 : memref<640x128xf32, #tpu.memory_space<hbm>>)
      tpu.yield
    }) : () -> ()
    return
  }
}

#map = affine_map<(d0, d1) -> (0, 0, 0)>
#map1 = affine_map<(d0, d1) -> (0, 0)>
module attributes {stable_mosaic.version = 14 : i64} {
  func.func @_sc_agg(%arg0: i32, %arg1: i32, %arg2: memref<32x80x125xi32, #tpu.memory_space<hbm>>, %arg3: memref<2560x1x125xi32, #tpu.memory_space<hbm>>, %arg4: memref<10000x128xf32, #tpu.memory_space<hbm>>, %arg5: memref<640x128xf32, #tpu.memory_space<hbm>>, %arg6: memref<2x10240x128xf32, #tpu.memory_space<hbm>>, %arg7: memref<80x125xi32, #tpu.memory_space<vmem>>, %arg8: memref<1x125xi32, #tpu.memory_space<vmem>>, %arg9: memref<1x125xi32, #tpu.memory_space<vmem>>, %arg10: memref<125x128xf32, #tpu.memory_space<vmem>>, %arg11: memref<125x128xf32, #tpu.memory_space<vmem>>, %arg12: memref<10240x128xf32, #tpu.memory_space<vmem_shared>>, %arg13: memref<!tpu.dma_semaphore, #tpu.memory_space<semaphore_mem>>, %arg14: memref<!tpu.dma_semaphore, #tpu.memory_space<semaphore_mem>>, %arg15: memref<!tpu.dma_semaphore, #tpu.memory_space<semaphore_mem>>, %arg16: memref<!tpu.dma_semaphore, #tpu.memory_space<semaphore_mem>>) attributes {dimension_semantics = [#tpu.dimension_semantics<core_parallel>, #tpu.dimension_semantics<subcore_parallel>], iteration_bounds = array<i64: 2, 16>, scalar_prefetch = 0 : i64, scratch_operands = 10 : i64, tpu.core_type = #tpu.core_type<sc_vector_subcore>, window_params = [{transform_indices = #map}, {transform_indices = #map}, {transform_indices = #map1}, {transform_indices = #map1}, {transform_indices = #map}]} {
    %mul3A = arith.constant 16 : i32
    %mul3A_0 = arith.muli %arg0, %mul3A : i32
    %add3A = arith.addi %mul3A_0, %arg1 : i32
    %mul3A_1 = arith.constant 80 : i32
    %mul3A_2 = arith.muli %add3A, %mul3A_1 : i32
    "tpu.region"() ({
      %run_scoped3A = tpu.sem_alloc : memref<!tpu.dma_semaphore, #tpu.memory_space<semaphore_mem>>
      %dma_start3A_29 = arith.constant 0 : i32
      %dma_start3A_30 = arith.constant 0 : i32
      %dma_start3A_31 = tpu.memref_slice %arg2[%add3A, %dma_start3A_29, %dma_start3A_30] : memref<32x80x125xi32, #tpu.memory_space<hbm>> -> memref<1x80x125xi32, #tpu.memory_space<hbm>>
      %dma_start3A_32 = tpu.memref_squeeze %dma_start3A_31 : memref<1x80x125xi32, #tpu.memory_space<hbm>> -> memref<80x125xi32, #tpu.memory_space<hbm>>
      %dma_start3A_33 = arith.constant 0 : i32
      %dma_start3A_34 = arith.constant 0 : i32
      %dma_start3A_35 = tpu.memref_slice %arg2[%add3A, %dma_start3A_33, %dma_start3A_34] : memref<32x80x125xi32, #tpu.memory_space<hbm>> -> memref<1x80x125xi32, #tpu.memory_space<hbm>>
      %dma_start3A_36 = tpu.memref_squeeze %dma_start3A_35 : memref<1x80x125xi32, #tpu.memory_space<hbm>> -> memref<80x125xi32, #tpu.memory_space<hbm>>
      tpu.enqueue_dma source(%dma_start3A_36 : memref<80x125xi32, #tpu.memory_space<hbm>>) target(%arg7 : memref<80x125xi32, #tpu.memory_space<vmem>>) target_semaphore(%run_scoped3A : memref<!tpu.dma_semaphore, #tpu.memory_space<semaphore_mem>>)
      %dma_wait3A = arith.constant 0 : i32
      %dma_wait3A_37 = arith.constant 0 : i32
      %dma_wait3A_38 = tpu.memref_slice %arg2[%add3A, %dma_wait3A, %dma_wait3A_37] : memref<32x80x125xi32, #tpu.memory_space<hbm>> -> memref<1x80x125xi32, #tpu.memory_space<hbm>>
      %dma_wait3A_39 = tpu.memref_squeeze %dma_wait3A_38 : memref<1x80x125xi32, #tpu.memory_space<hbm>> -> memref<80x125xi32, #tpu.memory_space<hbm>>
      %dma_wait3A_40 = arith.constant 0 : i32
      %dma_wait3A_41 = arith.constant 0 : i32
      %dma_wait3A_42 = tpu.memref_slice %arg2[%add3A, %dma_wait3A_40, %dma_wait3A_41] : memref<32x80x125xi32, #tpu.memory_space<hbm>> -> memref<1x80x125xi32, #tpu.memory_space<hbm>>
      %dma_wait3A_43 = tpu.memref_squeeze %dma_wait3A_42 : memref<1x80x125xi32, #tpu.memory_space<hbm>> -> memref<80x125xi32, #tpu.memory_space<hbm>>
      tpu.wait_dma2 semaphore(%run_scoped3A : memref<!tpu.dma_semaphore, #tpu.memory_space<semaphore_mem>>) src(%dma_wait3A_43 : memref<80x125xi32, #tpu.memory_space<hbm>>) dst(%arg7 : memref<80x125xi32, #tpu.memory_space<vmem>>)
      tpu.yield
    }) : () -> ()
    %dma_start3A = arith.constant 0 : i32
    %dma_start3A_3 = arith.constant 0 : i32
    %dma_start3A_4 = tpu.memref_slice %arg7[%dma_start3A, %dma_start3A_3] : memref<80x125xi32, #tpu.memory_space<vmem>> -> memref<1x125xi32, #tpu.memory_space<vmem>>
    %dma_start3A_5 = tpu.memref_squeeze %dma_start3A_4 : memref<1x125xi32, #tpu.memory_space<vmem>> -> memref<125xi32, #tpu.memory_space<vmem>>
    %dma_start3A_6 = arith.constant 0 : i32
    %dma_start3A_7 = arith.constant 0 : i32
    %dma_start3A_8 = tpu.memref_slice %arg4[%dma_start3A_6, %dma_start3A_7] : memref<10000x128xf32, #tpu.memory_space<hbm>> -> memref<10000x128xf32, #tpu.memory_space<hbm>>
    tpu.enqueue_indirect_dma source(%dma_start3A_8 : memref<10000x128xf32, #tpu.memory_space<hbm>>) target(%arg10 : memref<125x128xf32, #tpu.memory_space<vmem>>) offsets(%dma_start3A_5 : memref<125xi32, #tpu.memory_space<vmem>>) semaphore(%arg13 : memref<!tpu.dma_semaphore, #tpu.memory_space<semaphore_mem>>)
    %dma_start3A_9 = arith.constant 0 : i32
    %dma_start3A_10 = arith.constant 0 : i32
    %dma_start3A_11 = tpu.memref_slice %arg3[%mul3A_2, %dma_start3A_9, %dma_start3A_10] : memref<2560x1x125xi32, #tpu.memory_space<hbm>> -> memref<1x1x125xi32, #tpu.memory_space<hbm>>
    %dma_start3A_12 = tpu.memref_squeeze %dma_start3A_11 : memref<1x1x125xi32, #tpu.memory_space<hbm>> -> memref<1x125xi32, #tpu.memory_space<hbm>>
    %dma_start3A_13 = arith.constant 0 : i32
    %dma_start3A_14 = arith.constant 0 : i32
    %dma_start3A_15 = tpu.memref_slice %arg3[%mul3A_2, %dma_start3A_13, %dma_start3A_14] : memref<2560x1x125xi32, #tpu.memory_space<hbm>> -> memref<1x1x125xi32, #tpu.memory_space<hbm>>
    %dma_start3A_16 = tpu.memref_squeeze %dma_start3A_15 : memref<1x1x125xi32, #tpu.memory_space<hbm>> -> memref<1x125xi32, #tpu.memory_space<hbm>>
    tpu.enqueue_dma source(%dma_start3A_16 : memref<1x125xi32, #tpu.memory_space<hbm>>) target(%arg8 : memref<1x125xi32, #tpu.memory_space<vmem>>) target_semaphore(%arg15 : memref<!tpu.dma_semaphore, #tpu.memory_space<semaphore_mem>>)
    %mul3A_17 = arith.constant 640 : i32
    %mul3A_18 = arith.muli %arg1, %mul3A_17 : i32
    "tpu.region"() ({
      %run_scoped3A = tpu.sem_alloc : memref<!tpu.dma_semaphore, #tpu.memory_space<semaphore_mem>>
      %dma_start3A_29 = arith.constant 0 : i32
      %dma_start3A_30 = tpu.memref_slice %arg12[%mul3A_18, %dma_start3A_29] : memref<10240x128xf32, #tpu.memory_space<vmem_shared>> -> memref<640x128xf32, #tpu.memory_space<vmem_shared>>
      tpu.enqueue_dma source(%arg5 : memref<640x128xf32, #tpu.memory_space<hbm>>) target(%dma_start3A_30 : memref<640x128xf32, #tpu.memory_space<vmem_shared>>) target_semaphore(%run_scoped3A : memref<!tpu.dma_semaphore, #tpu.memory_space<semaphore_mem>>)
      %dma_wait3A = arith.constant 0 : i32
      %dma_wait3A_31 = tpu.memref_slice %arg12[%mul3A_18, %dma_wait3A] : memref<10240x128xf32, #tpu.memory_space<vmem_shared>> -> memref<640x128xf32, #tpu.memory_space<vmem_shared>>
      tpu.wait_dma2 semaphore(%run_scoped3A : memref<!tpu.dma_semaphore, #tpu.memory_space<semaphore_mem>>) src(%arg5 : memref<640x128xf32, #tpu.memory_space<hbm>>) dst(%dma_wait3A_31 : memref<640x128xf32, #tpu.memory_space<vmem_shared>>)
      tpu.yield
    }) : () -> ()
    %barrier3A = arith.constant 0 : index
    tpu.barrier barrier_id(%barrier3A)
    %scan3A = arith.constant 0 : i32
    %scan3A_19 = arith.constant 0 : i32
    %scan3A_20 = arith.constant 40 : i32
    %scan3A_21 = arith.addi %scan3A_19, %scan3A_20 : i32
    %scan3A_22 = arith.constant 1 : i32
    scf.for %scan3A_29 = %scan3A_19 to %scan3A_21 step %scan3A_22  : i32 {
      %mul3A_30 = arith.constant 2 : i32
      %mul3A_31 = arith.muli %mul3A_30, %scan3A_29 : i32
      %add3A_32 = arith.constant 1 : i32
      %add3A_33 = arith.addi %mul3A_31, %add3A_32 : i32
      %dma_start3A_34 = arith.constant 0 : i32
      %dma_start3A_35 = tpu.memref_slice %arg7[%add3A_33, %dma_start3A_34] : memref<80x125xi32, #tpu.memory_space<vmem>> -> memref<1x125xi32, #tpu.memory_space<vmem>>
      %dma_start3A_36 = tpu.memref_squeeze %dma_start3A_35 : memref<1x125xi32, #tpu.memory_space<vmem>> -> memref<125xi32, #tpu.memory_space<vmem>>
      %dma_start3A_37 = arith.constant 0 : i32
      %dma_start3A_38 = arith.constant 0 : i32
      %dma_start3A_39 = tpu.memref_slice %arg4[%dma_start3A_37, %dma_start3A_38] : memref<10000x128xf32, #tpu.memory_space<hbm>> -> memref<10000x128xf32, #tpu.memory_space<hbm>>
      tpu.enqueue_indirect_dma source(%dma_start3A_39 : memref<10000x128xf32, #tpu.memory_space<hbm>>) target(%arg11 : memref<125x128xf32, #tpu.memory_space<vmem>>) offsets(%dma_start3A_36 : memref<125xi32, #tpu.memory_space<vmem>>) semaphore(%arg14 : memref<!tpu.dma_semaphore, #tpu.memory_space<semaphore_mem>>)
      %add3A_40 = arith.addi %mul3A_2, %mul3A_31 : i32
      %add3A_41 = arith.constant 1 : i32
      %add3A_42 = arith.addi %add3A_40, %add3A_41 : i32
      %dma_start3A_43 = arith.constant 0 : i32
      %dma_start3A_44 = arith.constant 0 : i32
      %dma_start3A_45 = tpu.memref_slice %arg3[%add3A_42, %dma_start3A_43, %dma_start3A_44] : memref<2560x1x125xi32, #tpu.memory_space<hbm>> -> memref<1x1x125xi32, #tpu.memory_space<hbm>>
      %dma_start3A_46 = tpu.memref_squeeze %dma_start3A_45 : memref<1x1x125xi32, #tpu.memory_space<hbm>> -> memref<1x125xi32, #tpu.memory_space<hbm>>
      %dma_start3A_47 = arith.constant 0 : i32
      %dma_start3A_48 = arith.constant 0 : i32
      %dma_start3A_49 = tpu.memref_slice %arg3[%add3A_42, %dma_start3A_47, %dma_start3A_48] : memref<2560x1x125xi32, #tpu.memory_space<hbm>> -> memref<1x1x125xi32, #tpu.memory_space<hbm>>
      %dma_start3A_50 = tpu.memref_squeeze %dma_start3A_49 : memref<1x1x125xi32, #tpu.memory_space<hbm>> -> memref<1x125xi32, #tpu.memory_space<hbm>>
      tpu.enqueue_dma source(%dma_start3A_50 : memref<1x125xi32, #tpu.memory_space<hbm>>) target(%arg9 : memref<1x125xi32, #tpu.memory_space<vmem>>) target_semaphore(%arg16 : memref<!tpu.dma_semaphore, #tpu.memory_space<semaphore_mem>>)
      %dma_wait3A = arith.constant 0 : i32
      %dma_wait3A_51 = tpu.memref_slice %arg7[%mul3A_31, %dma_wait3A] : memref<80x125xi32, #tpu.memory_space<vmem>> -> memref<1x125xi32, #tpu.memory_space<vmem>>
      %dma_wait3A_52 = tpu.memref_squeeze %dma_wait3A_51 : memref<1x125xi32, #tpu.memory_space<vmem>> -> memref<125xi32, #tpu.memory_space<vmem>>
      %dma_wait3A_53 = arith.constant 0 : i32
      %dma_wait3A_54 = arith.constant 0 : i32
      %dma_wait3A_55 = tpu.memref_slice %arg4[%dma_wait3A_53, %dma_wait3A_54] : memref<10000x128xf32, #tpu.memory_space<hbm>> -> memref<10000x128xf32, #tpu.memory_space<hbm>>
      tpu.wait_indirect_dma semaphore(%arg13 : memref<!tpu.dma_semaphore, #tpu.memory_space<semaphore_mem>>) src(%dma_wait3A_55 : memref<10000x128xf32, #tpu.memory_space<hbm>>) dst(%arg10 : memref<125x128xf32, #tpu.memory_space<vmem>>)
      %dma_wait3A_56 = arith.constant 0 : i32
      %dma_wait3A_57 = arith.constant 0 : i32
      %dma_wait3A_58 = tpu.memref_slice %arg3[%mul3A_2, %dma_wait3A_56, %dma_wait3A_57] : memref<2560x1x125xi32, #tpu.memory_space<hbm>> -> memref<1x1x125xi32, #tpu.memory_space<hbm>>
      %dma_wait3A_59 = tpu.memref_squeeze %dma_wait3A_58 : memref<1x1x125xi32, #tpu.memory_space<hbm>> -> memref<1x125xi32, #tpu.memory_space<hbm>>
      %dma_wait3A_60 = arith.constant 0 : i32
      %dma_wait3A_61 = arith.constant 0 : i32
      %dma_wait3A_62 = tpu.memref_slice %arg3[%mul3A_2, %dma_wait3A_60, %dma_wait3A_61] : memref<2560x1x125xi32, #tpu.memory_space<hbm>> -> memref<1x1x125xi32, #tpu.memory_space<hbm>>
      %dma_wait3A_63 = tpu.memref_squeeze %dma_wait3A_62 : memref<1x1x125xi32, #tpu.memory_space<hbm>> -> memref<1x125xi32, #tpu.memory_space<hbm>>
      tpu.wait_dma2 semaphore(%arg15 : memref<!tpu.dma_semaphore, #tpu.memory_space<semaphore_mem>>) src(%dma_wait3A_63 : memref<1x125xi32, #tpu.memory_space<hbm>>) dst(%arg8 : memref<1x125xi32, #tpu.memory_space<vmem>>)
      %run_scoped3A = arith.constant 0 : i32
      "tpu.region"() ({
        %run_scoped3A_83 = tpu.sem_alloc : memref<!tpu.dma_semaphore, #tpu.memory_space<semaphore_mem>>
        %dma_start3A_84 = arith.constant 0 : i32
        %dma_start3A_85 = tpu.memref_slice %arg8[%run_scoped3A, %dma_start3A_84] : memref<1x125xi32, #tpu.memory_space<vmem>> -> memref<1x125xi32, #tpu.memory_space<vmem>>
        %dma_start3A_86 = tpu.memref_squeeze %dma_start3A_85 : memref<1x125xi32, #tpu.memory_space<vmem>> -> memref<125xi32, #tpu.memory_space<vmem>>
        %dma_start3A_87 = arith.constant 0 : i32
        %dma_start3A_88 = arith.constant 0 : i32
        %dma_start3A_89 = tpu.memref_slice %arg12[%dma_start3A_87, %dma_start3A_88] : memref<10240x128xf32, #tpu.memory_space<vmem_shared>> -> memref<10240x128xf32, #tpu.memory_space<vmem_shared>>
        tpu.enqueue_indirect_dma source(%arg10 : memref<125x128xf32, #tpu.memory_space<vmem>>) target(%dma_start3A_89 : memref<10240x128xf32, #tpu.memory_space<vmem_shared>>) offsets(%dma_start3A_86 : memref<125xi32, #tpu.memory_space<vmem>>) semaphore(%run_scoped3A_83 : memref<!tpu.dma_semaphore, #tpu.memory_space<semaphore_mem>>) {add = true}
        %dma_wait3A_90 = arith.constant 0 : i32
        %dma_wait3A_91 = tpu.memref_slice %arg8[%run_scoped3A, %dma_wait3A_90] : memref<1x125xi32, #tpu.memory_space<vmem>> -> memref<1x125xi32, #tpu.memory_space<vmem>>
        %dma_wait3A_92 = tpu.memref_squeeze %dma_wait3A_91 : memref<1x125xi32, #tpu.memory_space<vmem>> -> memref<125xi32, #tpu.memory_space<vmem>>
        %dma_wait3A_93 = arith.constant 0 : i32
        %dma_wait3A_94 = arith.constant 0 : i32
        %dma_wait3A_95 = tpu.memref_slice %arg12[%dma_wait3A_93, %dma_wait3A_94] : memref<10240x128xf32, #tpu.memory_space<vmem_shared>> -> memref<10240x128xf32, #tpu.memory_space<vmem_shared>>
        tpu.wait_indirect_dma semaphore(%run_scoped3A_83 : memref<!tpu.dma_semaphore, #tpu.memory_space<semaphore_mem>>) src(%arg10 : memref<125x128xf32, #tpu.memory_space<vmem>>) dst(%dma_wait3A_95 : memref<10240x128xf32, #tpu.memory_space<vmem_shared>>)
        tpu.yield
      }) : () -> ()
      %add3A_64 = arith.constant 2 : i32
      %add3A_65 = arith.addi %mul3A_31, %add3A_64 : i32
      %lt3A = arith.constant 80 : i32
      %lt3A_66 = arith.cmpi slt, %add3A_65, %lt3A : i32
      %convert_element_type3A = arith.extui %lt3A_66 : i1 to i32
      %cond3A = arith.constant 0 : i32
      %cond3A_67 = arith.cmpi ne, %convert_element_type3A, %cond3A : i32
      scf.if %cond3A_67 {
        %add3A_83 = arith.constant 2 : i32
        %add3A_84 = arith.addi %mul3A_31, %add3A_83 : i32
        %dma_start3A_85 = arith.constant 0 : i32
        %dma_start3A_86 = tpu.memref_slice %arg7[%add3A_84, %dma_start3A_85] : memref<80x125xi32, #tpu.memory_space<vmem>> -> memref<1x125xi32, #tpu.memory_space<vmem>>
        %dma_start3A_87 = tpu.memref_squeeze %dma_start3A_86 : memref<1x125xi32, #tpu.memory_space<vmem>> -> memref<125xi32, #tpu.memory_space<vmem>>
        %dma_start3A_88 = arith.constant 0 : i32
        %dma_start3A_89 = arith.constant 0 : i32
        %dma_start3A_90 = tpu.memref_slice %arg4[%dma_start3A_88, %dma_start3A_89] : memref<10000x128xf32, #tpu.memory_space<hbm>> -> memref<10000x128xf32, #tpu.memory_space<hbm>>
        tpu.enqueue_indirect_dma source(%dma_start3A_90 : memref<10000x128xf32, #tpu.memory_space<hbm>>) target(%arg10 : memref<125x128xf32, #tpu.memory_space<vmem>>) offsets(%dma_start3A_87 : memref<125xi32, #tpu.memory_space<vmem>>) semaphore(%arg13 : memref<!tpu.dma_semaphore, #tpu.memory_space<semaphore_mem>>)
        %add3A_91 = arith.addi %mul3A_2, %mul3A_31 : i32
        %add3A_92 = arith.constant 2 : i32
        %add3A_93 = arith.addi %add3A_91, %add3A_92 : i32
        %dma_start3A_94 = arith.constant 0 : i32
        %dma_start3A_95 = arith.constant 0 : i32
        %dma_start3A_96 = tpu.memref_slice %arg3[%add3A_93, %dma_start3A_94, %dma_start3A_95] : memref<2560x1x125xi32, #tpu.memory_space<hbm>> -> memref<1x1x125xi32, #tpu.memory_space<hbm>>
        %dma_start3A_97 = tpu.memref_squeeze %dma_start3A_96 : memref<1x1x125xi32, #tpu.memory_space<hbm>> -> memref<1x125xi32, #tpu.memory_space<hbm>>
        %dma_start3A_98 = arith.constant 0 : i32
        %dma_start3A_99 = arith.constant 0 : i32
        %dma_start3A_100 = tpu.memref_slice %arg3[%add3A_93, %dma_start3A_98, %dma_start3A_99] : memref<2560x1x125xi32, #tpu.memory_space<hbm>> -> memref<1x1x125xi32, #tpu.memory_space<hbm>>
        %dma_start3A_101 = tpu.memref_squeeze %dma_start3A_100 : memref<1x1x125xi32, #tpu.memory_space<hbm>> -> memref<1x125xi32, #tpu.memory_space<hbm>>
        tpu.enqueue_dma source(%dma_start3A_101 : memref<1x125xi32, #tpu.memory_space<hbm>>) target(%arg8 : memref<1x125xi32, #tpu.memory_space<vmem>>) target_semaphore(%arg15 : memref<!tpu.dma_semaphore, #tpu.memory_space<semaphore_mem>>)
      } else {
      }
      %dma_wait3A_68 = arith.constant 0 : i32
      %dma_wait3A_69 = tpu.memref_slice %arg7[%mul3A_31, %dma_wait3A_68] : memref<80x125xi32, #tpu.memory_space<vmem>> -> memref<1x125xi32, #tpu.memory_space<vmem>>
      %dma_wait3A_70 = tpu.memref_squeeze %dma_wait3A_69 : memref<1x125xi32, #tpu.memory_space<vmem>> -> memref<125xi32, #tpu.memory_space<vmem>>
      %dma_wait3A_71 = arith.constant 0 : i32
      %dma_wait3A_72 = arith.constant 0 : i32
      %dma_wait3A_73 = tpu.memref_slice %arg4[%dma_wait3A_71, %dma_wait3A_72] : memref<10000x128xf32, #tpu.memory_space<hbm>> -> memref<10000x128xf32, #tpu.memory_space<hbm>>
      tpu.wait_indirect_dma semaphore(%arg14 : memref<!tpu.dma_semaphore, #tpu.memory_space<semaphore_mem>>) src(%dma_wait3A_73 : memref<10000x128xf32, #tpu.memory_space<hbm>>) dst(%arg11 : memref<125x128xf32, #tpu.memory_space<vmem>>)
      %dma_wait3A_74 = arith.constant 0 : i32
      %dma_wait3A_75 = arith.constant 0 : i32
      %dma_wait3A_76 = tpu.memref_slice %arg3[%mul3A_2, %dma_wait3A_74, %dma_wait3A_75] : memref<2560x1x125xi32, #tpu.memory_space<hbm>> -> memref<1x1x125xi32, #tpu.memory_space<hbm>>
      %dma_wait3A_77 = tpu.memref_squeeze %dma_wait3A_76 : memref<1x1x125xi32, #tpu.memory_space<hbm>> -> memref<1x125xi32, #tpu.memory_space<hbm>>
      %dma_wait3A_78 = arith.constant 0 : i32
      %dma_wait3A_79 = arith.constant 0 : i32
      %dma_wait3A_80 = tpu.memref_slice %arg3[%mul3A_2, %dma_wait3A_78, %dma_wait3A_79] : memref<2560x1x125xi32, #tpu.memory_space<hbm>> -> memref<1x1x125xi32, #tpu.memory_space<hbm>>
      %dma_wait3A_81 = tpu.memref_squeeze %dma_wait3A_80 : memref<1x1x125xi32, #tpu.memory_space<hbm>> -> memref<1x125xi32, #tpu.memory_space<hbm>>
      tpu.wait_dma2 semaphore(%arg16 : memref<!tpu.dma_semaphore, #tpu.memory_space<semaphore_mem>>) src(%dma_wait3A_81 : memref<1x125xi32, #tpu.memory_space<hbm>>) dst(%arg9 : memref<1x125xi32, #tpu.memory_space<vmem>>)
      %run_scoped3A_82 = arith.constant 0 : i32
      "tpu.region"() ({
        %run_scoped3A_83 = tpu.sem_alloc : memref<!tpu.dma_semaphore, #tpu.memory_space<semaphore_mem>>
        %dma_start3A_84 = arith.constant 0 : i32
        %dma_start3A_85 = tpu.memref_slice %arg9[%run_scoped3A_82, %dma_start3A_84] : memref<1x125xi32, #tpu.memory_space<vmem>> -> memref<1x125xi32, #tpu.memory_space<vmem>>
        %dma_start3A_86 = tpu.memref_squeeze %dma_start3A_85 : memref<1x125xi32, #tpu.memory_space<vmem>> -> memref<125xi32, #tpu.memory_space<vmem>>
        %dma_start3A_87 = arith.constant 0 : i32
        %dma_start3A_88 = arith.constant 0 : i32
        %dma_start3A_89 = tpu.memref_slice %arg12[%dma_start3A_87, %dma_start3A_88] : memref<10240x128xf32, #tpu.memory_space<vmem_shared>> -> memref<10240x128xf32, #tpu.memory_space<vmem_shared>>
        tpu.enqueue_indirect_dma source(%arg11 : memref<125x128xf32, #tpu.memory_space<vmem>>) target(%dma_start3A_89 : memref<10240x128xf32, #tpu.memory_space<vmem_shared>>) offsets(%dma_start3A_86 : memref<125xi32, #tpu.memory_space<vmem>>) semaphore(%run_scoped3A_83 : memref<!tpu.dma_semaphore, #tpu.memory_space<semaphore_mem>>) {add = true}
        %dma_wait3A_90 = arith.constant 0 : i32
        %dma_wait3A_91 = tpu.memref_slice %arg9[%run_scoped3A_82, %dma_wait3A_90] : memref<1x125xi32, #tpu.memory_space<vmem>> -> memref<1x125xi32, #tpu.memory_space<vmem>>
        %dma_wait3A_92 = tpu.memref_squeeze %dma_wait3A_91 : memref<1x125xi32, #tpu.memory_space<vmem>> -> memref<125xi32, #tpu.memory_space<vmem>>
        %dma_wait3A_93 = arith.constant 0 : i32
        %dma_wait3A_94 = arith.constant 0 : i32
        %dma_wait3A_95 = tpu.memref_slice %arg12[%dma_wait3A_93, %dma_wait3A_94] : memref<10240x128xf32, #tpu.memory_space<vmem_shared>> -> memref<10240x128xf32, #tpu.memory_space<vmem_shared>>
        tpu.wait_indirect_dma semaphore(%run_scoped3A_83 : memref<!tpu.dma_semaphore, #tpu.memory_space<semaphore_mem>>) src(%arg11 : memref<125x128xf32, #tpu.memory_space<vmem>>) dst(%dma_wait3A_95 : memref<10240x128xf32, #tpu.memory_space<vmem_shared>>)
        tpu.yield
      }) : () -> ()
    }
    %scan3A_23 = arith.constant 40 : i32
    %barrier3A_24 = arith.constant 0 : index
    tpu.barrier barrier_id(%barrier3A_24)
    %mul3A_25 = arith.constant 640 : i32
    %mul3A_26 = arith.muli %arg1, %mul3A_25 : i32
    %mul3A_27 = arith.constant 640 : i32
    %mul3A_28 = arith.muli %arg1, %mul3A_27 : i32
    "tpu.region"() ({
      %run_scoped3A = tpu.sem_alloc : memref<!tpu.dma_semaphore, #tpu.memory_space<semaphore_mem>>
      %dma_start3A_29 = arith.constant 0 : i32
      %dma_start3A_30 = tpu.memref_slice %arg6[%arg0, %mul3A_28, %dma_start3A_29] : memref<2x10240x128xf32, #tpu.memory_space<hbm>> -> memref<1x640x128xf32, #tpu.memory_space<hbm>>
      %dma_start3A_31 = tpu.memref_squeeze %dma_start3A_30 : memref<1x640x128xf32, #tpu.memory_space<hbm>> -> memref<640x128xf32, #tpu.memory_space<hbm>>
      %dma_start3A_32 = arith.constant 0 : i32
      %dma_start3A_33 = tpu.memref_slice %arg12[%mul3A_26, %dma_start3A_32] : memref<10240x128xf32, #tpu.memory_space<vmem_shared>> -> memref<640x128xf32, #tpu.memory_space<vmem_shared>>
      tpu.enqueue_dma source(%dma_start3A_33 : memref<640x128xf32, #tpu.memory_space<vmem_shared>>) target(%dma_start3A_31 : memref<640x128xf32, #tpu.memory_space<hbm>>) target_semaphore(%run_scoped3A : memref<!tpu.dma_semaphore, #tpu.memory_space<semaphore_mem>>)
      %dma_wait3A = arith.constant 0 : i32
      %dma_wait3A_34 = tpu.memref_slice %arg6[%arg0, %mul3A_28, %dma_wait3A] : memref<2x10240x128xf32, #tpu.memory_space<hbm>> -> memref<1x640x128xf32, #tpu.memory_space<hbm>>
      %dma_wait3A_35 = tpu.memref_squeeze %dma_wait3A_34 : memref<1x640x128xf32, #tpu.memory_space<hbm>> -> memref<640x128xf32, #tpu.memory_space<hbm>>
      %dma_wait3A_36 = arith.constant 0 : i32
      %dma_wait3A_37 = tpu.memref_slice %arg12[%mul3A_26, %dma_wait3A_36] : memref<10240x128xf32, #tpu.memory_space<vmem_shared>> -> memref<640x128xf32, #tpu.memory_space<vmem_shared>>
      tpu.wait_dma2 semaphore(%run_scoped3A : memref<!tpu.dma_semaphore, #tpu.memory_space<semaphore_mem>>) src(%dma_wait3A_37 : memref<640x128xf32, #tpu.memory_space<vmem_shared>>) dst(%dma_wait3A_35 : memref<640x128xf32, #tpu.memory_space<hbm>>)
      tpu.yield
    }) : () -> ()
    return
  }
}

#map = affine_map<(d0, d1) -> (0, 0, 0)>
#map1 = affine_map<(d0, d1) -> (0, 0)>
module attributes {stable_mosaic.version = 14 : i64} {
  func.func @_sc_agg(%arg0: i32, %arg1: i32, %arg2: memref<32x80x125xi32, #tpu.memory_space<hbm>>, %arg3: memref<2560x1x125xi32, #tpu.memory_space<hbm>>, %arg4: memref<10000x128xf32, #tpu.memory_space<hbm>>, %arg5: memref<640x128xf32, #tpu.memory_space<hbm>>, %arg6: memref<2x10240x128xf32, #tpu.memory_space<hbm>>, %arg7: memref<80x125xi32, #tpu.memory_space<vmem>>, %arg8: memref<1x125xi32, #tpu.memory_space<vmem>>, %arg9: memref<1x125xi32, #tpu.memory_space<vmem>>, %arg10: memref<125x128xf32, #tpu.memory_space<vmem>>, %arg11: memref<125x128xf32, #tpu.memory_space<vmem>>, %arg12: memref<10240x128xf32, #tpu.memory_space<vmem_shared>>, %arg13: memref<!tpu.dma_semaphore, #tpu.memory_space<semaphore_mem>>, %arg14: memref<!tpu.dma_semaphore, #tpu.memory_space<semaphore_mem>>, %arg15: memref<!tpu.dma_semaphore, #tpu.memory_space<semaphore_mem>>, %arg16: memref<!tpu.dma_semaphore, #tpu.memory_space<semaphore_mem>>) attributes {dimension_semantics = [#tpu.dimension_semantics<core_parallel>, #tpu.dimension_semantics<subcore_parallel>], iteration_bounds = array<i64: 2, 16>, scalar_prefetch = 0 : i64, scratch_operands = 10 : i64, tpu.core_type = #tpu.core_type<sc_vector_subcore>, window_params = [{transform_indices = #map}, {transform_indices = #map}, {transform_indices = #map1}, {transform_indices = #map1}, {transform_indices = #map}]} {
    %mul3A = arith.constant 16 : i32
    %mul3A_0 = arith.muli %arg0, %mul3A : i32
    %add3A = arith.addi %mul3A_0, %arg1 : i32
    %mul3A_1 = arith.constant 80 : i32
    %mul3A_2 = arith.muli %add3A, %mul3A_1 : i32
    "tpu.region"() ({
      %run_scoped3A = tpu.sem_alloc : memref<!tpu.dma_semaphore, #tpu.memory_space<semaphore_mem>>
      %dma_start3A_29 = arith.constant 0 : i32
      %dma_start3A_30 = arith.constant 0 : i32
      %dma_start3A_31 = tpu.memref_slice %arg2[%add3A, %dma_start3A_29, %dma_start3A_30] : memref<32x80x125xi32, #tpu.memory_space<hbm>> -> memref<1x80x125xi32, #tpu.memory_space<hbm>>
      %dma_start3A_32 = tpu.memref_squeeze %dma_start3A_31 : memref<1x80x125xi32, #tpu.memory_space<hbm>> -> memref<80x125xi32, #tpu.memory_space<hbm>>
      %dma_start3A_33 = arith.constant 0 : i32
      %dma_start3A_34 = arith.constant 0 : i32
      %dma_start3A_35 = tpu.memref_slice %arg2[%add3A, %dma_start3A_33, %dma_start3A_34] : memref<32x80x125xi32, #tpu.memory_space<hbm>> -> memref<1x80x125xi32, #tpu.memory_space<hbm>>
      %dma_start3A_36 = tpu.memref_squeeze %dma_start3A_35 : memref<1x80x125xi32, #tpu.memory_space<hbm>> -> memref<80x125xi32, #tpu.memory_space<hbm>>
      tpu.enqueue_dma source(%dma_start3A_36 : memref<80x125xi32, #tpu.memory_space<hbm>>) target(%arg7 : memref<80x125xi32, #tpu.memory_space<vmem>>) target_semaphore(%run_scoped3A : memref<!tpu.dma_semaphore, #tpu.memory_space<semaphore_mem>>)
      %dma_wait3A = arith.constant 0 : i32
      %dma_wait3A_37 = arith.constant 0 : i32
      %dma_wait3A_38 = tpu.memref_slice %arg2[%add3A, %dma_wait3A, %dma_wait3A_37] : memref<32x80x125xi32, #tpu.memory_space<hbm>> -> memref<1x80x125xi32, #tpu.memory_space<hbm>>
      %dma_wait3A_39 = tpu.memref_squeeze %dma_wait3A_38 : memref<1x80x125xi32, #tpu.memory_space<hbm>> -> memref<80x125xi32, #tpu.memory_space<hbm>>
      %dma_wait3A_40 = arith.constant 0 : i32
      %dma_wait3A_41 = arith.constant 0 : i32
      %dma_wait3A_42 = tpu.memref_slice %arg2[%add3A, %dma_wait3A_40, %dma_wait3A_41] : memref<32x80x125xi32, #tpu.memory_space<hbm>> -> memref<1x80x125xi32, #tpu.memory_space<hbm>>
      %dma_wait3A_43 = tpu.memref_squeeze %dma_wait3A_42 : memref<1x80x125xi32, #tpu.memory_space<hbm>> -> memref<80x125xi32, #tpu.memory_space<hbm>>
      tpu.wait_dma2 semaphore(%run_scoped3A : memref<!tpu.dma_semaphore, #tpu.memory_space<semaphore_mem>>) src(%dma_wait3A_43 : memref<80x125xi32, #tpu.memory_space<hbm>>) dst(%arg7 : memref<80x125xi32, #tpu.memory_space<vmem>>)
      tpu.yield
    }) : () -> ()
    %dma_start3A = arith.constant 0 : i32
    %dma_start3A_3 = arith.constant 0 : i32
    %dma_start3A_4 = tpu.memref_slice %arg7[%dma_start3A, %dma_start3A_3] : memref<80x125xi32, #tpu.memory_space<vmem>> -> memref<1x125xi32, #tpu.memory_space<vmem>>
    %dma_start3A_5 = tpu.memref_squeeze %dma_start3A_4 : memref<1x125xi32, #tpu.memory_space<vmem>> -> memref<125xi32, #tpu.memory_space<vmem>>
    %dma_start3A_6 = arith.constant 0 : i32
    %dma_start3A_7 = arith.constant 0 : i32
    %dma_start3A_8 = tpu.memref_slice %arg4[%dma_start3A_6, %dma_start3A_7] : memref<10000x128xf32, #tpu.memory_space<hbm>> -> memref<10000x128xf32, #tpu.memory_space<hbm>>
    tpu.enqueue_indirect_dma source(%dma_start3A_8 : memref<10000x128xf32, #tpu.memory_space<hbm>>) target(%arg10 : memref<125x128xf32, #tpu.memory_space<vmem>>) offsets(%dma_start3A_5 : memref<125xi32, #tpu.memory_space<vmem>>) semaphore(%arg13 : memref<!tpu.dma_semaphore, #tpu.memory_space<semaphore_mem>>)
    %dma_start3A_9 = arith.constant 0 : i32
    %dma_start3A_10 = arith.constant 0 : i32
    %dma_start3A_11 = tpu.memref_slice %arg3[%mul3A_2, %dma_start3A_9, %dma_start3A_10] : memref<2560x1x125xi32, #tpu.memory_space<hbm>> -> memref<1x1x125xi32, #tpu.memory_space<hbm>>
    %dma_start3A_12 = tpu.memref_squeeze %dma_start3A_11 : memref<1x1x125xi32, #tpu.memory_space<hbm>> -> memref<1x125xi32, #tpu.memory_space<hbm>>
    %dma_start3A_13 = arith.constant 0 : i32
    %dma_start3A_14 = arith.constant 0 : i32
    %dma_start3A_15 = tpu.memref_slice %arg3[%mul3A_2, %dma_start3A_13, %dma_start3A_14] : memref<2560x1x125xi32, #tpu.memory_space<hbm>> -> memref<1x1x125xi32, #tpu.memory_space<hbm>>
    %dma_start3A_16 = tpu.memref_squeeze %dma_start3A_15 : memref<1x1x125xi32, #tpu.memory_space<hbm>> -> memref<1x125xi32, #tpu.memory_space<hbm>>
    tpu.enqueue_dma source(%dma_start3A_16 : memref<1x125xi32, #tpu.memory_space<hbm>>) target(%arg8 : memref<1x125xi32, #tpu.memory_space<vmem>>) target_semaphore(%arg15 : memref<!tpu.dma_semaphore, #tpu.memory_space<semaphore_mem>>)
    %mul3A_17 = arith.constant 640 : i32
    %mul3A_18 = arith.muli %arg1, %mul3A_17 : i32
    "tpu.region"() ({
      %run_scoped3A = tpu.sem_alloc : memref<!tpu.dma_semaphore, #tpu.memory_space<semaphore_mem>>
      %dma_start3A_29 = arith.constant 0 : i32
      %dma_start3A_30 = tpu.memref_slice %arg12[%mul3A_18, %dma_start3A_29] : memref<10240x128xf32, #tpu.memory_space<vmem_shared>> -> memref<640x128xf32, #tpu.memory_space<vmem_shared>>
      tpu.enqueue_dma source(%arg5 : memref<640x128xf32, #tpu.memory_space<hbm>>) target(%dma_start3A_30 : memref<640x128xf32, #tpu.memory_space<vmem_shared>>) target_semaphore(%run_scoped3A : memref<!tpu.dma_semaphore, #tpu.memory_space<semaphore_mem>>)
      %dma_wait3A = arith.constant 0 : i32
      %dma_wait3A_31 = tpu.memref_slice %arg12[%mul3A_18, %dma_wait3A] : memref<10240x128xf32, #tpu.memory_space<vmem_shared>> -> memref<640x128xf32, #tpu.memory_space<vmem_shared>>
      tpu.wait_dma2 semaphore(%run_scoped3A : memref<!tpu.dma_semaphore, #tpu.memory_space<semaphore_mem>>) src(%arg5 : memref<640x128xf32, #tpu.memory_space<hbm>>) dst(%dma_wait3A_31 : memref<640x128xf32, #tpu.memory_space<vmem_shared>>)
      tpu.yield
    }) : () -> ()
    %barrier3A = arith.constant 0 : index
    tpu.barrier barrier_id(%barrier3A)
    %scan3A = arith.constant 0 : i32
    %scan3A_19 = arith.constant 0 : i32
    %scan3A_20 = arith.constant 40 : i32
    %scan3A_21 = arith.addi %scan3A_19, %scan3A_20 : i32
    %scan3A_22 = arith.constant 1 : i32
    scf.for %scan3A_29 = %scan3A_19 to %scan3A_21 step %scan3A_22  : i32 {
      %mul3A_30 = arith.constant 2 : i32
      %mul3A_31 = arith.muli %mul3A_30, %scan3A_29 : i32
      %add3A_32 = arith.constant 1 : i32
      %add3A_33 = arith.addi %mul3A_31, %add3A_32 : i32
      %dma_start3A_34 = arith.constant 0 : i32
      %dma_start3A_35 = tpu.memref_slice %arg7[%add3A_33, %dma_start3A_34] : memref<80x125xi32, #tpu.memory_space<vmem>> -> memref<1x125xi32, #tpu.memory_space<vmem>>
      %dma_start3A_36 = tpu.memref_squeeze %dma_start3A_35 : memref<1x125xi32, #tpu.memory_space<vmem>> -> memref<125xi32, #tpu.memory_space<vmem>>
      %dma_start3A_37 = arith.constant 0 : i32
      %dma_start3A_38 = arith.constant 0 : i32
      %dma_start3A_39 = tpu.memref_slice %arg4[%dma_start3A_37, %dma_start3A_38] : memref<10000x128xf32, #tpu.memory_space<hbm>> -> memref<10000x128xf32, #tpu.memory_space<hbm>>
      tpu.enqueue_indirect_dma source(%dma_start3A_39 : memref<10000x128xf32, #tpu.memory_space<hbm>>) target(%arg11 : memref<125x128xf32, #tpu.memory_space<vmem>>) offsets(%dma_start3A_36 : memref<125xi32, #tpu.memory_space<vmem>>) semaphore(%arg14 : memref<!tpu.dma_semaphore, #tpu.memory_space<semaphore_mem>>)
      %add3A_40 = arith.addi %mul3A_2, %mul3A_31 : i32
      %add3A_41 = arith.constant 1 : i32
      %add3A_42 = arith.addi %add3A_40, %add3A_41 : i32
      %dma_start3A_43 = arith.constant 0 : i32
      %dma_start3A_44 = arith.constant 0 : i32
      %dma_start3A_45 = tpu.memref_slice %arg3[%add3A_42, %dma_start3A_43, %dma_start3A_44] : memref<2560x1x125xi32, #tpu.memory_space<hbm>> -> memref<1x1x125xi32, #tpu.memory_space<hbm>>
      %dma_start3A_46 = tpu.memref_squeeze %dma_start3A_45 : memref<1x1x125xi32, #tpu.memory_space<hbm>> -> memref<1x125xi32, #tpu.memory_space<hbm>>
      %dma_start3A_47 = arith.constant 0 : i32
      %dma_start3A_48 = arith.constant 0 : i32
      %dma_start3A_49 = tpu.memref_slice %arg3[%add3A_42, %dma_start3A_47, %dma_start3A_48] : memref<2560x1x125xi32, #tpu.memory_space<hbm>> -> memref<1x1x125xi32, #tpu.memory_space<hbm>>
      %dma_start3A_50 = tpu.memref_squeeze %dma_start3A_49 : memref<1x1x125xi32, #tpu.memory_space<hbm>> -> memref<1x125xi32, #tpu.memory_space<hbm>>
      tpu.enqueue_dma source(%dma_start3A_50 : memref<1x125xi32, #tpu.memory_space<hbm>>) target(%arg9 : memref<1x125xi32, #tpu.memory_space<vmem>>) target_semaphore(%arg16 : memref<!tpu.dma_semaphore, #tpu.memory_space<semaphore_mem>>)
      %dma_wait3A = arith.constant 0 : i32
      %dma_wait3A_51 = tpu.memref_slice %arg7[%mul3A_31, %dma_wait3A] : memref<80x125xi32, #tpu.memory_space<vmem>> -> memref<1x125xi32, #tpu.memory_space<vmem>>
      %dma_wait3A_52 = tpu.memref_squeeze %dma_wait3A_51 : memref<1x125xi32, #tpu.memory_space<vmem>> -> memref<125xi32, #tpu.memory_space<vmem>>
      %dma_wait3A_53 = arith.constant 0 : i32
      %dma_wait3A_54 = arith.constant 0 : i32
      %dma_wait3A_55 = tpu.memref_slice %arg4[%dma_wait3A_53, %dma_wait3A_54] : memref<10000x128xf32, #tpu.memory_space<hbm>> -> memref<10000x128xf32, #tpu.memory_space<hbm>>
      tpu.wait_indirect_dma semaphore(%arg13 : memref<!tpu.dma_semaphore, #tpu.memory_space<semaphore_mem>>) src(%dma_wait3A_55 : memref<10000x128xf32, #tpu.memory_space<hbm>>) dst(%arg10 : memref<125x128xf32, #tpu.memory_space<vmem>>)
      %dma_wait3A_56 = arith.constant 0 : i32
      %dma_wait3A_57 = arith.constant 0 : i32
      %dma_wait3A_58 = tpu.memref_slice %arg3[%mul3A_2, %dma_wait3A_56, %dma_wait3A_57] : memref<2560x1x125xi32, #tpu.memory_space<hbm>> -> memref<1x1x125xi32, #tpu.memory_space<hbm>>
      %dma_wait3A_59 = tpu.memref_squeeze %dma_wait3A_58 : memref<1x1x125xi32, #tpu.memory_space<hbm>> -> memref<1x125xi32, #tpu.memory_space<hbm>>
      %dma_wait3A_60 = arith.constant 0 : i32
      %dma_wait3A_61 = arith.constant 0 : i32
      %dma_wait3A_62 = tpu.memref_slice %arg3[%mul3A_2, %dma_wait3A_60, %dma_wait3A_61] : memref<2560x1x125xi32, #tpu.memory_space<hbm>> -> memref<1x1x125xi32, #tpu.memory_space<hbm>>
      %dma_wait3A_63 = tpu.memref_squeeze %dma_wait3A_62 : memref<1x1x125xi32, #tpu.memory_space<hbm>> -> memref<1x125xi32, #tpu.memory_space<hbm>>
      tpu.wait_dma2 semaphore(%arg15 : memref<!tpu.dma_semaphore, #tpu.memory_space<semaphore_mem>>) src(%dma_wait3A_63 : memref<1x125xi32, #tpu.memory_space<hbm>>) dst(%arg8 : memref<1x125xi32, #tpu.memory_space<vmem>>)
      %run_scoped3A = arith.constant 0 : i32
      "tpu.region"() ({
        %run_scoped3A_83 = tpu.sem_alloc : memref<!tpu.dma_semaphore, #tpu.memory_space<semaphore_mem>>
        %dma_start3A_84 = arith.constant 0 : i32
        %dma_start3A_85 = tpu.memref_slice %arg8[%run_scoped3A, %dma_start3A_84] : memref<1x125xi32, #tpu.memory_space<vmem>> -> memref<1x125xi32, #tpu.memory_space<vmem>>
        %dma_start3A_86 = tpu.memref_squeeze %dma_start3A_85 : memref<1x125xi32, #tpu.memory_space<vmem>> -> memref<125xi32, #tpu.memory_space<vmem>>
        %dma_start3A_87 = arith.constant 0 : i32
        %dma_start3A_88 = arith.constant 0 : i32
        %dma_start3A_89 = tpu.memref_slice %arg12[%dma_start3A_87, %dma_start3A_88] : memref<10240x128xf32, #tpu.memory_space<vmem_shared>> -> memref<10240x128xf32, #tpu.memory_space<vmem_shared>>
        tpu.enqueue_indirect_dma source(%arg10 : memref<125x128xf32, #tpu.memory_space<vmem>>) target(%dma_start3A_89 : memref<10240x128xf32, #tpu.memory_space<vmem_shared>>) offsets(%dma_start3A_86 : memref<125xi32, #tpu.memory_space<vmem>>) semaphore(%run_scoped3A_83 : memref<!tpu.dma_semaphore, #tpu.memory_space<semaphore_mem>>) {add = true}
        %dma_wait3A_90 = arith.constant 0 : i32
        %dma_wait3A_91 = tpu.memref_slice %arg8[%run_scoped3A, %dma_wait3A_90] : memref<1x125xi32, #tpu.memory_space<vmem>> -> memref<1x125xi32, #tpu.memory_space<vmem>>
        %dma_wait3A_92 = tpu.memref_squeeze %dma_wait3A_91 : memref<1x125xi32, #tpu.memory_space<vmem>> -> memref<125xi32, #tpu.memory_space<vmem>>
        %dma_wait3A_93 = arith.constant 0 : i32
        %dma_wait3A_94 = arith.constant 0 : i32
        %dma_wait3A_95 = tpu.memref_slice %arg12[%dma_wait3A_93, %dma_wait3A_94] : memref<10240x128xf32, #tpu.memory_space<vmem_shared>> -> memref<10240x128xf32, #tpu.memory_space<vmem_shared>>
        tpu.wait_indirect_dma semaphore(%run_scoped3A_83 : memref<!tpu.dma_semaphore, #tpu.memory_space<semaphore_mem>>) src(%arg10 : memref<125x128xf32, #tpu.memory_space<vmem>>) dst(%dma_wait3A_95 : memref<10240x128xf32, #tpu.memory_space<vmem_shared>>)
        tpu.yield
      }) : () -> ()
      %add3A_64 = arith.constant 2 : i32
      %add3A_65 = arith.addi %mul3A_31, %add3A_64 : i32
      %lt3A = arith.constant 80 : i32
      %lt3A_66 = arith.cmpi slt, %add3A_65, %lt3A : i32
      %convert_element_type3A = arith.extui %lt3A_66 : i1 to i32
      %cond3A = arith.constant 0 : i32
      %cond3A_67 = arith.cmpi ne, %convert_element_type3A, %cond3A : i32
      scf.if %cond3A_67 {
        %add3A_83 = arith.constant 2 : i32
        %add3A_84 = arith.addi %mul3A_31, %add3A_83 : i32
        %dma_start3A_85 = arith.constant 0 : i32
        %dma_start3A_86 = tpu.memref_slice %arg7[%add3A_84, %dma_start3A_85] : memref<80x125xi32, #tpu.memory_space<vmem>> -> memref<1x125xi32, #tpu.memory_space<vmem>>
        %dma_start3A_87 = tpu.memref_squeeze %dma_start3A_86 : memref<1x125xi32, #tpu.memory_space<vmem>> -> memref<125xi32, #tpu.memory_space<vmem>>
        %dma_start3A_88 = arith.constant 0 : i32
        %dma_start3A_89 = arith.constant 0 : i32
        %dma_start3A_90 = tpu.memref_slice %arg4[%dma_start3A_88, %dma_start3A_89] : memref<10000x128xf32, #tpu.memory_space<hbm>> -> memref<10000x128xf32, #tpu.memory_space<hbm>>
        tpu.enqueue_indirect_dma source(%dma_start3A_90 : memref<10000x128xf32, #tpu.memory_space<hbm>>) target(%arg10 : memref<125x128xf32, #tpu.memory_space<vmem>>) offsets(%dma_start3A_87 : memref<125xi32, #tpu.memory_space<vmem>>) semaphore(%arg13 : memref<!tpu.dma_semaphore, #tpu.memory_space<semaphore_mem>>)
        %add3A_91 = arith.addi %mul3A_2, %mul3A_31 : i32
        %add3A_92 = arith.constant 2 : i32
        %add3A_93 = arith.addi %add3A_91, %add3A_92 : i32
        %dma_start3A_94 = arith.constant 0 : i32
        %dma_start3A_95 = arith.constant 0 : i32
        %dma_start3A_96 = tpu.memref_slice %arg3[%add3A_93, %dma_start3A_94, %dma_start3A_95] : memref<2560x1x125xi32, #tpu.memory_space<hbm>> -> memref<1x1x125xi32, #tpu.memory_space<hbm>>
        %dma_start3A_97 = tpu.memref_squeeze %dma_start3A_96 : memref<1x1x125xi32, #tpu.memory_space<hbm>> -> memref<1x125xi32, #tpu.memory_space<hbm>>
        %dma_start3A_98 = arith.constant 0 : i32
        %dma_start3A_99 = arith.constant 0 : i32
        %dma_start3A_100 = tpu.memref_slice %arg3[%add3A_93, %dma_start3A_98, %dma_start3A_99] : memref<2560x1x125xi32, #tpu.memory_space<hbm>> -> memref<1x1x125xi32, #tpu.memory_space<hbm>>
        %dma_start3A_101 = tpu.memref_squeeze %dma_start3A_100 : memref<1x1x125xi32, #tpu.memory_space<hbm>> -> memref<1x125xi32, #tpu.memory_space<hbm>>
        tpu.enqueue_dma source(%dma_start3A_101 : memref<1x125xi32, #tpu.memory_space<hbm>>) target(%arg8 : memref<1x125xi32, #tpu.memory_space<vmem>>) target_semaphore(%arg15 : memref<!tpu.dma_semaphore, #tpu.memory_space<semaphore_mem>>)
      } else {
      }
      %dma_wait3A_68 = arith.constant 0 : i32
      %dma_wait3A_69 = tpu.memref_slice %arg7[%mul3A_31, %dma_wait3A_68] : memref<80x125xi32, #tpu.memory_space<vmem>> -> memref<1x125xi32, #tpu.memory_space<vmem>>
      %dma_wait3A_70 = tpu.memref_squeeze %dma_wait3A_69 : memref<1x125xi32, #tpu.memory_space<vmem>> -> memref<125xi32, #tpu.memory_space<vmem>>
      %dma_wait3A_71 = arith.constant 0 : i32
      %dma_wait3A_72 = arith.constant 0 : i32
      %dma_wait3A_73 = tpu.memref_slice %arg4[%dma_wait3A_71, %dma_wait3A_72] : memref<10000x128xf32, #tpu.memory_space<hbm>> -> memref<10000x128xf32, #tpu.memory_space<hbm>>
      tpu.wait_indirect_dma semaphore(%arg14 : memref<!tpu.dma_semaphore, #tpu.memory_space<semaphore_mem>>) src(%dma_wait3A_73 : memref<10000x128xf32, #tpu.memory_space<hbm>>) dst(%arg11 : memref<125x128xf32, #tpu.memory_space<vmem>>)
      %dma_wait3A_74 = arith.constant 0 : i32
      %dma_wait3A_75 = arith.constant 0 : i32
      %dma_wait3A_76 = tpu.memref_slice %arg3[%mul3A_2, %dma_wait3A_74, %dma_wait3A_75] : memref<2560x1x125xi32, #tpu.memory_space<hbm>> -> memref<1x1x125xi32, #tpu.memory_space<hbm>>
      %dma_wait3A_77 = tpu.memref_squeeze %dma_wait3A_76 : memref<1x1x125xi32, #tpu.memory_space<hbm>> -> memref<1x125xi32, #tpu.memory_space<hbm>>
      %dma_wait3A_78 = arith.constant 0 : i32
      %dma_wait3A_79 = arith.constant 0 : i32
      %dma_wait3A_80 = tpu.memref_slice %arg3[%mul3A_2, %dma_wait3A_78, %dma_wait3A_79] : memref<2560x1x125xi32, #tpu.memory_space<hbm>> -> memref<1x1x125xi32, #tpu.memory_space<hbm>>
      %dma_wait3A_81 = tpu.memref_squeeze %dma_wait3A_80 : memref<1x1x125xi32, #tpu.memory_space<hbm>> -> memref<1x125xi32, #tpu.memory_space<hbm>>
      tpu.wait_dma2 semaphore(%arg16 : memref<!tpu.dma_semaphore, #tpu.memory_space<semaphore_mem>>) src(%dma_wait3A_81 : memref<1x125xi32, #tpu.memory_space<hbm>>) dst(%arg9 : memref<1x125xi32, #tpu.memory_space<vmem>>)
      %run_scoped3A_82 = arith.constant 0 : i32
      "tpu.region"() ({
        %run_scoped3A_83 = tpu.sem_alloc : memref<!tpu.dma_semaphore, #tpu.memory_space<semaphore_mem>>
        %dma_start3A_84 = arith.constant 0 : i32
        %dma_start3A_85 = tpu.memref_slice %arg9[%run_scoped3A_82, %dma_start3A_84] : memref<1x125xi32, #tpu.memory_space<vmem>> -> memref<1x125xi32, #tpu.memory_space<vmem>>
        %dma_start3A_86 = tpu.memref_squeeze %dma_start3A_85 : memref<1x125xi32, #tpu.memory_space<vmem>> -> memref<125xi32, #tpu.memory_space<vmem>>
        %dma_start3A_87 = arith.constant 0 : i32
        %dma_start3A_88 = arith.constant 0 : i32
        %dma_start3A_89 = tpu.memref_slice %arg12[%dma_start3A_87, %dma_start3A_88] : memref<10240x128xf32, #tpu.memory_space<vmem_shared>> -> memref<10240x128xf32, #tpu.memory_space<vmem_shared>>
        tpu.enqueue_indirect_dma source(%arg11 : memref<125x128xf32, #tpu.memory_space<vmem>>) target(%dma_start3A_89 : memref<10240x128xf32, #tpu.memory_space<vmem_shared>>) offsets(%dma_start3A_86 : memref<125xi32, #tpu.memory_space<vmem>>) semaphore(%run_scoped3A_83 : memref<!tpu.dma_semaphore, #tpu.memory_space<semaphore_mem>>) {add = true}
        %dma_wait3A_90 = arith.constant 0 : i32
        %dma_wait3A_91 = tpu.memref_slice %arg9[%run_scoped3A_82, %dma_wait3A_90] : memref<1x125xi32, #tpu.memory_space<vmem>> -> memref<1x125xi32, #tpu.memory_space<vmem>>
        %dma_wait3A_92 = tpu.memref_squeeze %dma_wait3A_91 : memref<1x125xi32, #tpu.memory_space<vmem>> -> memref<125xi32, #tpu.memory_space<vmem>>
        %dma_wait3A_93 = arith.constant 0 : i32
        %dma_wait3A_94 = arith.constant 0 : i32
        %dma_wait3A_95 = tpu.memref_slice %arg12[%dma_wait3A_93, %dma_wait3A_94] : memref<10240x128xf32, #tpu.memory_space<vmem_shared>> -> memref<10240x128xf32, #tpu.memory_space<vmem_shared>>
        tpu.wait_indirect_dma semaphore(%run_scoped3A_83 : memref<!tpu.dma_semaphore, #tpu.memory_space<semaphore_mem>>) src(%arg11 : memref<125x128xf32, #tpu.memory_space<vmem>>) dst(%dma_wait3A_95 : memref<10240x128xf32, #tpu.memory_space<vmem_shared>>)
        tpu.yield
      }) : () -> ()
    }
    %scan3A_23 = arith.constant 40 : i32
    %barrier3A_24 = arith.constant 0 : index
    tpu.barrier barrier_id(%barrier3A_24)
    %mul3A_25 = arith.constant 640 : i32
    %mul3A_26 = arith.muli %arg1, %mul3A_25 : i32
    %mul3A_27 = arith.constant 640 : i32
    %mul3A_28 = arith.muli %arg1, %mul3A_27 : i32
    "tpu.region"() ({
      %run_scoped3A = tpu.sem_alloc : memref<!tpu.dma_semaphore, #tpu.memory_space<semaphore_mem>>
      %dma_start3A_29 = arith.constant 0 : i32
      %dma_start3A_30 = tpu.memref_slice %arg6[%arg0, %mul3A_28, %dma_start3A_29] : memref<2x10240x128xf32, #tpu.memory_space<hbm>> -> memref<1x640x128xf32, #tpu.memory_space<hbm>>
      %dma_start3A_31 = tpu.memref_squeeze %dma_start3A_30 : memref<1x640x128xf32, #tpu.memory_space<hbm>> -> memref<640x128xf32, #tpu.memory_space<hbm>>
      %dma_start3A_32 = arith.constant 0 : i32
      %dma_start3A_33 = tpu.memref_slice %arg12[%mul3A_26, %dma_start3A_32] : memref<10240x128xf32, #tpu.memory_space<vmem_shared>> -> memref<640x128xf32, #tpu.memory_space<vmem_shared>>
      tpu.enqueue_dma source(%dma_start3A_33 : memref<640x128xf32, #tpu.memory_space<vmem_shared>>) target(%dma_start3A_31 : memref<640x128xf32, #tpu.memory_space<hbm>>) target_semaphore(%run_scoped3A : memref<!tpu.dma_semaphore, #tpu.memory_space<semaphore_mem>>)
      %dma_wait3A = arith.constant 0 : i32
      %dma_wait3A_34 = tpu.memref_slice %arg6[%arg0, %mul3A_28, %dma_wait3A] : memref<2x10240x128xf32, #tpu.memory_space<hbm>> -> memref<1x640x128xf32, #tpu.memory_space<hbm>>
      %dma_wait3A_35 = tpu.memref_squeeze %dma_wait3A_34 : memref<1x640x128xf32, #tpu.memory_space<hbm>> -> memref<640x128xf32, #tpu.memory_space<hbm>>
      %dma_wait3A_36 = arith.constant 0 : i32
      %dma_wait3A_37 = tpu.memref_slice %arg12[%mul3A_26, %dma_wait3A_36] : memref<10240x128xf32, #tpu.memory_space<vmem_shared>> -> memref<640x128xf32, #tpu.memory_space<vmem_shared>>
      tpu.wait_dma2 semaphore(%run_scoped3A : memref<!tpu.dma_semaphore, #tpu.memory_space<semaphore_mem>>) src(%dma_wait3A_37 : memref<640x128xf32, #tpu.memory_space<vmem_shared>>) dst(%dma_wait3A_35 : memref<640x128xf32, #tpu.memory_space<hbm>>)
      tpu.yield
    }) : () -> ()
    return
  }
}

module attributes {stable_mosaic.version = 14 : i64} {
  func.func @_tc_prep_body(%arg0: i32, %arg1: memref<2000x128xf32, #tpu.memory_space<vmem>>, %arg2: memref<2000x1xi32, #tpu.memory_space<vmem>>, %arg3: memref<8x32xf32, #tpu.memory_space<vmem>>, %arg4: memref<160x128xf32, #tpu.memory_space<vmem>>, %arg5: memref<160x128xf32, #tpu.memory_space<vmem>>, %arg6: memref<1x128xf32, #tpu.memory_space<vmem>>, %arg7: memref<2000x128xf32, #tpu.memory_space<vmem>>, %arg8: memref<2000x128xf32, #tpu.memory_space<vmem>>) attributes {dimension_semantics = [#tpu.dimension_semantics<arbitrary>], iteration_bounds = array<i64: 5>, scalar_prefetch = 0 : i64, scratch_operands = 0 : i64, tpu.core_type = #tpu.core_type<tc>, window_params = [{transform_indices = @transform_0, window_bounds = array<i64: 2000, 128>}, {transform_indices = @transform_1, window_bounds = array<i64: 2000, 1>}, {pipeline_mode = #tpu.pipeline_mode<synchronous>, transform_indices = @transform_2, window_bounds = array<i64: 8, 32>}, {pipeline_mode = #tpu.pipeline_mode<synchronous>, transform_indices = @transform_3, window_bounds = array<i64: 160, 128>}, {pipeline_mode = #tpu.pipeline_mode<synchronous>, transform_indices = @transform_4, window_bounds = array<i64: 160, 128>}, {pipeline_mode = #tpu.pipeline_mode<synchronous>, transform_indices = @transform_5, window_bounds = array<i64: 1, 128>}, {transform_indices = @transform_6, window_bounds = array<i64: 2000, 128>}, {transform_indices = @transform_7, window_bounds = array<i64: 2000, 128>}]} {
    %get3A = arith.constant 0 : index
    %get3A_0 = arith.constant 0 : index
    %get3A_1 = vector.load %arg1[%get3A, %get3A_0] : memref<2000x128xf32, #tpu.memory_space<vmem>>, vector<2000x128xf32>
    %get3A_2 = arith.constant 0 : index
    %get3A_3 = arith.constant 0 : index
    %get3A_4 = vector.load %arg2[%get3A_2, %get3A_3] : memref<2000x1xi32, #tpu.memory_space<vmem>>, vector<2000x1xi32>
    %iota3A = tpu.iota {dimensions = array<i32: 1>} : vector<2000x8xi32>
    %eq3A = vector.broadcast %get3A_4 : vector<2000x1xi32> to vector<2000x8xi32>
    %eq3A_5 = arith.cmpi eq, %eq3A, %iota3A : vector<2000x8xi32>
    %convert_element_type3A = arith.extui %eq3A_5 : vector<2000x8xi1> to vector<2000x8xi32>
    %convert_element_type3A_6 = arith.sitofp %convert_element_type3A : vector<2000x8xi32> to vector<2000x8xf32>
    %get3A_7 = arith.constant 0 : index
    %get3A_8 = arith.constant 0 : index
    %get3A_9 = vector.load %arg3[%get3A_7, %get3A_8] : memref<8x32xf32, #tpu.memory_space<vmem>>, vector<8x32xf32>
    %dot_general3A = arith.constant dense<0.000000e+00> : vector<2000x32xf32>
    %dot_general3A_10 = tpu.matmul %convert_element_type3A_6, %get3A_9, %dot_general3A {dimension_numbers = #tpu.dot_dimension_numbers<[1], [0], [0], [1], [0, 0, 1, 1], [], []>, transpose_lhs_hint = false} : vector<2000x8xf32>, vector<8x32xf32>, vector<2000x32xf32> -> vector<2000x32xf32>
    %get3A_11 = arith.constant 0 : index
    %get3A_12 = arith.constant 0 : index
    %get3A_13 = vector.load %arg4[%get3A_11, %get3A_12] : memref<160x128xf32, #tpu.memory_space<vmem>>, vector<160x128xf32>
    %get3A_14 = arith.constant 0 : index
    %get3A_15 = arith.constant 0 : index
    %get3A_16 = vector.load %arg5[%get3A_14, %get3A_15] : memref<160x128xf32, #tpu.memory_space<vmem>>, vector<160x128xf32>
    %slice3A = vector.extract_strided_slice %get3A_13 {offsets = [0, 0], sizes = [128, 128], strides = [1, 1]} : vector<160x128xf32> to vector<128x128xf32>
    %dot_general3A_17 = arith.constant dense<0.000000e+00> : vector<2000x128xf32>
    %dot_general3A_18 = tpu.matmul %get3A_1, %slice3A, %dot_general3A_17 {dimension_numbers = #tpu.dot_dimension_numbers<[1], [0], [0], [1], [0, 0, 1, 1], [], []>, transpose_lhs_hint = false} : vector<2000x128xf32>, vector<128x128xf32>, vector<2000x128xf32> -> vector<2000x128xf32>
    %slice3A_19 = vector.extract_strided_slice %get3A_13 {offsets = [128, 0], sizes = [32, 128], strides = [1, 1]} : vector<160x128xf32> to vector<32x128xf32>
    %dot_general3A_20 = arith.constant dense<0.000000e+00> : vector<2000x128xf32>
    %dot_general3A_21 = tpu.matmul %dot_general3A_10, %slice3A_19, %dot_general3A_20 {dimension_numbers = #tpu.dot_dimension_numbers<[1], [0], [0], [1], [0, 0, 1, 1], [], []>, transpose_lhs_hint = false} : vector<2000x32xf32>, vector<32x128xf32>, vector<2000x128xf32> -> vector<2000x128xf32>
    %add3A = arith.addf %dot_general3A_18, %dot_general3A_21 : vector<2000x128xf32>
    %swap3A = arith.constant 0 : index
    %swap3A_22 = arith.constant 0 : index
    %swap3A_23 = vector.load %arg7[%swap3A, %swap3A_22] : memref<2000x128xf32, #tpu.memory_space<vmem>>, vector<2000x128xf32>
    tpu.vector_store %arg7[%swap3A, %swap3A_22], %add3A {strides = array<i32>} : memref<2000x128xf32, #tpu.memory_space<vmem>>, vector<2000x128xf32>,
    %slice3A_24 = vector.extract_strided_slice %get3A_16 {offsets = [0, 0], sizes = [128, 128], strides = [1, 1]} : vector<160x128xf32> to vector<128x128xf32>
    %dot_general3A_25 = arith.constant dense<0.000000e+00> : vector<2000x128xf32>
    %dot_general3A_26 = tpu.matmul %get3A_1, %slice3A_24, %dot_general3A_25 {dimension_numbers = #tpu.dot_dimension_numbers<[1], [0], [0], [1], [0, 0, 1, 1], [], []>, transpose_lhs_hint = false} : vector<2000x128xf32>, vector<128x128xf32>, vector<2000x128xf32> -> vector<2000x128xf32>
    %slice3A_27 = vector.extract_strided_slice %get3A_16 {offsets = [128, 0], sizes = [32, 128], strides = [1, 1]} : vector<160x128xf32> to vector<32x128xf32>
    %dot_general3A_28 = arith.constant dense<0.000000e+00> : vector<2000x128xf32>
    %dot_general3A_29 = tpu.matmul %dot_general3A_10, %slice3A_27, %dot_general3A_28 {dimension_numbers = #tpu.dot_dimension_numbers<[1], [0], [0], [1], [0, 0, 1, 1], [], []>, transpose_lhs_hint = false} : vector<2000x32xf32>, vector<32x128xf32>, vector<2000x128xf32> -> vector<2000x128xf32>
    %add3A_30 = arith.addf %dot_general3A_26, %dot_general3A_29 : vector<2000x128xf32>
    %get3A_31 = arith.constant 0 : index
    %get3A_32 = arith.constant 0 : index
    %get3A_33 = vector.load %arg6[%get3A_31, %get3A_32] : memref<1x128xf32, #tpu.memory_space<vmem>>, vector<1x128xf32>
    %add3A_34 = vector.broadcast %get3A_33 : vector<1x128xf32> to vector<2000x128xf32>
    %add3A_35 = arith.addf %add3A_30, %add3A_34 : vector<2000x128xf32>
    %swap3A_36 = arith.constant 0 : index
    %swap3A_37 = arith.constant 0 : index
    %swap3A_38 = vector.load %arg8[%swap3A_36, %swap3A_37] : memref<2000x128xf32, #tpu.memory_space<vmem>>, vector<2000x128xf32>
    tpu.vector_store %arg8[%swap3A_36, %swap3A_37], %add3A_35 {strides = array<i32>} : memref<2000x128xf32, #tpu.memory_space<vmem>>, vector<2000x128xf32>,
    return
  }
  func.func @transform_0(%arg0: i32) -> (i32, i32) {
    %c0_i32 = arith.constant 0 : i32
    %c0_i32_0 = arith.constant 0 : i32
    return %arg0, %c0_i32 : i32, i32
  }
  func.func @transform_1(%arg0: i32) -> (i32, i32) {
    %c0_i32 = arith.constant 0 : i32
    %c0_i32_0 = arith.constant 0 : i32
    return %arg0, %c0_i32 : i32, i32
  }
  func.func @transform_2(%arg0: i32) -> (i32, i32) {
    %c0_i32 = arith.constant 0 : i32
    %c0_i32_0 = arith.constant 0 : i32
    %c0_i32_1 = arith.constant 0 : i32
    return %c0_i32, %c0_i32_0 : i32, i32
  }
  func.func @transform_3(%arg0: i32) -> (i32, i32) {
    %c0_i32 = arith.constant 0 : i32
    %c0_i32_0 = arith.constant 0 : i32
    %c0_i32_1 = arith.constant 0 : i32
    return %c0_i32, %c0_i32_0 : i32, i32
  }
  func.func @transform_4(%arg0: i32) -> (i32, i32) {
    %c0_i32 = arith.constant 0 : i32
    %c0_i32_0 = arith.constant 0 : i32
    %c0_i32_1 = arith.constant 0 : i32
    return %c0_i32, %c0_i32_0 : i32, i32
  }
  func.func @transform_5(%arg0: i32) -> (i32, i32) {
    %c0_i32 = arith.constant 0 : i32
    %c0_i32_0 = arith.constant 0 : i32
    %c0_i32_1 = arith.constant 0 : i32
    return %c0_i32, %c0_i32_0 : i32, i32
  }
  func.func @transform_6(%arg0: i32) -> (i32, i32) {
    %c0_i32 = arith.constant 0 : i32
    %c0_i32_0 = arith.constant 0 : i32
    return %arg0, %c0_i32 : i32, i32
  }
  func.func @transform_7(%arg0: i32) -> (i32, i32) {
    %c0_i32 = arith.constant 0 : i32
    %c0_i32_0 = arith.constant 0 : i32
    return %arg0, %c0_i32 : i32, i32
  }
}

module attributes {stable_mosaic.version = 14 : i64} {
  func.func @_tc_layer_body(%arg0: i32, %arg1: memref<2x2000x128xf32, #tpu.memory_space<vmem>>, %arg2: memref<2x2000x1xf32, #tpu.memory_space<vmem>>, %arg3: memref<2000x128xf32, #tpu.memory_space<vmem>>, %arg4: memref<128x128xf32, #tpu.memory_space<vmem>>, %arg5: memref<128x128xf32, #tpu.memory_space<vmem>>, %arg6: memref<1x128xf32, #tpu.memory_space<vmem>>, %arg7: memref<2000x128xf32, #tpu.memory_space<vmem>>, %arg8: memref<2000x128xf32, #tpu.memory_space<vmem>>) attributes {dimension_semantics = [#tpu.dimension_semantics<arbitrary>], iteration_bounds = array<i64: 5>, scalar_prefetch = 0 : i64, scratch_operands = 0 : i64, tpu.core_type = #tpu.core_type<tc>, window_params = [{transform_indices = @transform_0, window_bounds = array<i64: 2, 2000, 128>}, {transform_indices = @transform_1, window_bounds = array<i64: 2, 2000, 1>}, {transform_indices = @transform_2, window_bounds = array<i64: 2000, 128>}, {pipeline_mode = #tpu.pipeline_mode<synchronous>, transform_indices = @transform_3, window_bounds = array<i64: 128, 128>}, {pipeline_mode = #tpu.pipeline_mode<synchronous>, transform_indices = @transform_4, window_bounds = array<i64: 128, 128>}, {pipeline_mode = #tpu.pipeline_mode<synchronous>, transform_indices = @transform_5, window_bounds = array<i64: 1, 128>}, {transform_indices = @transform_6, window_bounds = array<i64: 2000, 128>}, {transform_indices = @transform_7, window_bounds = array<i64: 2000, 128>}]} {
    %get3A = arith.constant 0 : index
    %get3A_0 = arith.constant 0 : index
    %get3A_1 = arith.constant 0 : index
    %get3A_2 = vector.load %arg2[%get3A, %get3A_0, %get3A_1] : memref<2x2000x1xf32, #tpu.memory_space<vmem>>, vector<1x2000x1xf32>
    %get3A_3 = vector.shape_cast %get3A_2 : vector<1x2000x1xf32> to vector<2000x1xf32>
    %get3A_4 = arith.constant 1 : index
    %get3A_5 = arith.constant 0 : index
    %get3A_6 = arith.constant 0 : index
    %get3A_7 = vector.load %arg2[%get3A_4, %get3A_5, %get3A_6] : memref<2x2000x1xf32, #tpu.memory_space<vmem>>, vector<1x2000x1xf32>
    %get3A_8 = vector.shape_cast %get3A_7 : vector<1x2000x1xf32> to vector<2000x1xf32>
    %add3A = arith.addf %get3A_3, %get3A_8 : vector<2000x1xf32>
    %max3A = arith.constant 1.000000e+00 : f32
    %max3A_9 = vector.broadcast %max3A : f32 to vector<2000x1xf32>
    %max3A_10 = arith.maximumf %add3A, %max3A_9 : vector<2000x1xf32>
    %div3A = arith.constant 1.000000e+00 : f32
    %div3A_11 = vector.broadcast %div3A : f32 to vector<2000x1xf32>
    %div3A_12 = arith.divf %div3A_11, %max3A_10 : vector<2000x1xf32>
    %get3A_13 = arith.constant 0 : index
    %get3A_14 = arith.constant 0 : index
    %get3A_15 = arith.constant 0 : index
    %get3A_16 = vector.load %arg1[%get3A_13, %get3A_14, %get3A_15] : memref<2x2000x128xf32, #tpu.memory_space<vmem>>, vector<1x2000x128xf32>
    %get3A_17 = vector.shape_cast %get3A_16 : vector<1x2000x128xf32> to vector<2000x128xf32>
    %get3A_18 = arith.constant 1 : index
    %get3A_19 = arith.constant 0 : index
    %get3A_20 = arith.constant 0 : index
    %get3A_21 = vector.load %arg1[%get3A_18, %get3A_19, %get3A_20] : memref<2x2000x128xf32, #tpu.memory_space<vmem>>, vector<1x2000x128xf32>
    %get3A_22 = vector.shape_cast %get3A_21 : vector<1x2000x128xf32> to vector<2000x128xf32>
    %add3A_23 = arith.addf %get3A_17, %get3A_22 : vector<2000x128xf32>
    %mul3A = vector.broadcast %div3A_12 : vector<2000x1xf32> to vector<2000x128xf32>
    %mul3A_24 = arith.mulf %add3A_23, %mul3A : vector<2000x128xf32>
    %get3A_25 = arith.constant 0 : index
    %get3A_26 = arith.constant 0 : index
    %get3A_27 = vector.load %arg3[%get3A_25, %get3A_26] : memref<2000x128xf32, #tpu.memory_space<vmem>>, vector<2000x128xf32>
    %add3A_28 = arith.addf %mul3A_24, %get3A_27 : vector<2000x128xf32>
    %max3A_29 = arith.constant 0.000000e+00 : f32
    %max3A_30 = vector.broadcast %max3A_29 : f32 to vector<2000x128xf32>
    %max3A_31 = arith.maximumf %add3A_28, %max3A_30 : vector<2000x128xf32>
    %get3A_32 = arith.constant 0 : index
    %get3A_33 = arith.constant 0 : index
    %get3A_34 = vector.load %arg4[%get3A_32, %get3A_33] : memref<128x128xf32, #tpu.memory_space<vmem>>, vector<128x128xf32>
    %dot_general3A = arith.constant dense<0.000000e+00> : vector<2000x128xf32>
    %dot_general3A_35 = tpu.matmul %max3A_31, %get3A_34, %dot_general3A {dimension_numbers = #tpu.dot_dimension_numbers<[1], [0], [0], [1], [0, 0, 1, 1], [], []>, transpose_lhs_hint = false} : vector<2000x128xf32>, vector<128x128xf32>, vector<2000x128xf32> -> vector<2000x128xf32>
    %swap3A = arith.constant 0 : index
    %swap3A_36 = arith.constant 0 : index
    %swap3A_37 = vector.load %arg7[%swap3A, %swap3A_36] : memref<2000x128xf32, #tpu.memory_space<vmem>>, vector<2000x128xf32>
    tpu.vector_store %arg7[%swap3A, %swap3A_36], %dot_general3A_35 {strides = array<i32>} : memref<2000x128xf32, #tpu.memory_space<vmem>>, vector<2000x128xf32>,
    %get3A_38 = arith.constant 0 : index
    %get3A_39 = arith.constant 0 : index
    %get3A_40 = vector.load %arg5[%get3A_38, %get3A_39] : memref<128x128xf32, #tpu.memory_space<vmem>>, vector<128x128xf32>
    %dot_general3A_41 = arith.constant dense<0.000000e+00> : vector<2000x128xf32>
    %dot_general3A_42 = tpu.matmul %max3A_31, %get3A_40, %dot_general3A_41 {dimension_numbers = #tpu.dot_dimension_numbers<[1], [0], [0], [1], [0, 0, 1, 1], [], []>, transpose_lhs_hint = false} : vector<2000x128xf32>, vector<128x128xf32>, vector<2000x128xf32> -> vector<2000x128xf32>
    %get3A_43 = arith.constant 0 : index
    %get3A_44 = arith.constant 0 : index
    %get3A_45 = vector.load %arg6[%get3A_43, %get3A_44] : memref<1x128xf32, #tpu.memory_space<vmem>>, vector<1x128xf32>
    %add3A_46 = vector.broadcast %get3A_45 : vector<1x128xf32> to vector<2000x128xf32>
    %add3A_47 = arith.addf %dot_general3A_42, %add3A_46 : vector<2000x128xf32>
    %swap3A_48 = arith.constant 0 : index
    %swap3A_49 = arith.constant 0 : index
    %swap3A_50 = vector.load %arg8[%swap3A_48, %swap3A_49] : memref<2000x128xf32, #tpu.memory_space<vmem>>, vector<2000x128xf32>
    tpu.vector_store %arg8[%swap3A_48, %swap3A_49], %add3A_47 {strides = array<i32>} : memref<2000x128xf32, #tpu.memory_space<vmem>>, vector<2000x128xf32>,
    return
  }
  func.func @transform_0(%arg0: i32) -> (i32, i32, i32) {
    %c0_i32 = arith.constant 0 : i32
    %c0_i32_0 = arith.constant 0 : i32
    %c0_i32_1 = arith.constant 0 : i32
    return %c0_i32, %arg0, %c0_i32_0 : i32, i32, i32
  }
  func.func @transform_1(%arg0: i32) -> (i32, i32, i32) {
    %c0_i32 = arith.constant 0 : i32
    %c0_i32_0 = arith.constant 0 : i32
    %c0_i32_1 = arith.constant 0 : i32
    return %c0_i32, %arg0, %c0_i32_0 : i32, i32, i32
  }
  func.func @transform_2(%arg0: i32) -> (i32, i32) {
    %c0_i32 = arith.constant 0 : i32
    %c0_i32_0 = arith.constant 0 : i32
    return %arg0, %c0_i32 : i32, i32
  }
  func.func @transform_3(%arg0: i32) -> (i32, i32) {
    %c0_i32 = arith.constant 0 : i32
    %c0_i32_0 = arith.constant 0 : i32
    %c0_i32_1 = arith.constant 0 : i32
    return %c0_i32, %c0_i32_0 : i32, i32
  }
  func.func @transform_4(%arg0: i32) -> (i32, i32) {
    %c0_i32 = arith.constant 0 : i32
    %c0_i32_0 = arith.constant 0 : i32
    %c0_i32_1 = arith.constant 0 : i32
    return %c0_i32, %c0_i32_0 : i32, i32
  }
  func.func @transform_5(%arg0: i32) -> (i32, i32) {
    %c0_i32 = arith.constant 0 : i32
    %c0_i32_0 = arith.constant 0 : i32
    %c0_i32_1 = arith.constant 0 : i32
    return %c0_i32, %c0_i32_0 : i32, i32
  }
  func.func @transform_6(%arg0: i32) -> (i32, i32) {
    %c0_i32 = arith.constant 0 : i32
    %c0_i32_0 = arith.constant 0 : i32
    return %arg0, %c0_i32 : i32, i32
  }
  func.func @transform_7(%arg0: i32) -> (i32, i32) {
    %c0_i32 = arith.constant 0 : i32
    %c0_i32_0 = arith.constant 0 : i32
    return %arg0, %c0_i32 : i32, i32
  }
}

module attributes {stable_mosaic.version = 14 : i64} {
  func.func @_tc_final_body(%arg0: i32, %arg1: memref<2x2000x128xf32, #tpu.memory_space<vmem>>, %arg2: memref<2x2000x1xf32, #tpu.memory_space<vmem>>, %arg3: memref<2000x128xf32, #tpu.memory_space<vmem>>, %arg4: memref<2000x128xf32, #tpu.memory_space<vmem>>) attributes {dimension_semantics = [#tpu.dimension_semantics<arbitrary>], iteration_bounds = array<i64: 5>, scalar_prefetch = 0 : i64, scratch_operands = 0 : i64, tpu.core_type = #tpu.core_type<tc>, window_params = [{transform_indices = @transform_0, window_bounds = array<i64: 2, 2000, 128>}, {transform_indices = @transform_1, window_bounds = array<i64: 2, 2000, 1>}, {transform_indices = @transform_2, window_bounds = array<i64: 2000, 128>}, {transform_indices = @transform_3, window_bounds = array<i64: 2000, 128>}]} {
    %get3A = arith.constant 0 : index
    %get3A_0 = arith.constant 0 : index
    %get3A_1 = arith.constant 0 : index
    %get3A_2 = vector.load %arg2[%get3A, %get3A_0, %get3A_1] : memref<2x2000x1xf32, #tpu.memory_space<vmem>>, vector<1x2000x1xf32>
    %get3A_3 = vector.shape_cast %get3A_2 : vector<1x2000x1xf32> to vector<2000x1xf32>
    %get3A_4 = arith.constant 1 : index
    %get3A_5 = arith.constant 0 : index
    %get3A_6 = arith.constant 0 : index
    %get3A_7 = vector.load %arg2[%get3A_4, %get3A_5, %get3A_6] : memref<2x2000x1xf32, #tpu.memory_space<vmem>>, vector<1x2000x1xf32>
    %get3A_8 = vector.shape_cast %get3A_7 : vector<1x2000x1xf32> to vector<2000x1xf32>
    %add3A = arith.addf %get3A_3, %get3A_8 : vector<2000x1xf32>
    %max3A = arith.constant 1.000000e+00 : f32
    %max3A_9 = vector.broadcast %max3A : f32 to vector<2000x1xf32>
    %max3A_10 = arith.maximumf %add3A, %max3A_9 : vector<2000x1xf32>
    %div3A = arith.constant 1.000000e+00 : f32
    %div3A_11 = vector.broadcast %div3A : f32 to vector<2000x1xf32>
    %div3A_12 = arith.divf %div3A_11, %max3A_10 : vector<2000x1xf32>
    %get3A_13 = arith.constant 0 : index
    %get3A_14 = arith.constant 0 : index
    %get3A_15 = arith.constant 0 : index
    %get3A_16 = vector.load %arg1[%get3A_13, %get3A_14, %get3A_15] : memref<2x2000x128xf32, #tpu.memory_space<vmem>>, vector<1x2000x128xf32>
    %get3A_17 = vector.shape_cast %get3A_16 : vector<1x2000x128xf32> to vector<2000x128xf32>
    %get3A_18 = arith.constant 1 : index
    %get3A_19 = arith.constant 0 : index
    %get3A_20 = arith.constant 0 : index
    %get3A_21 = vector.load %arg1[%get3A_18, %get3A_19, %get3A_20] : memref<2x2000x128xf32, #tpu.memory_space<vmem>>, vector<1x2000x128xf32>
    %get3A_22 = vector.shape_cast %get3A_21 : vector<1x2000x128xf32> to vector<2000x128xf32>
    %add3A_23 = arith.addf %get3A_17, %get3A_22 : vector<2000x128xf32>
    %mul3A = vector.broadcast %div3A_12 : vector<2000x1xf32> to vector<2000x128xf32>
    %mul3A_24 = arith.mulf %add3A_23, %mul3A : vector<2000x128xf32>
    %get3A_25 = arith.constant 0 : index
    %get3A_26 = arith.constant 0 : index
    %get3A_27 = vector.load %arg3[%get3A_25, %get3A_26] : memref<2000x128xf32, #tpu.memory_space<vmem>>, vector<2000x128xf32>
    %add3A_28 = arith.addf %mul3A_24, %get3A_27 : vector<2000x128xf32>
    %swap3A = arith.constant 0 : index
    %swap3A_29 = arith.constant 0 : index
    %swap3A_30 = vector.load %arg4[%swap3A, %swap3A_29] : memref<2000x128xf32, #tpu.memory_space<vmem>>, vector<2000x128xf32>
    tpu.vector_store %arg4[%swap3A, %swap3A_29], %add3A_28 {strides = array<i32>} : memref<2000x128xf32, #tpu.memory_space<vmem>>, vector<2000x128xf32>,
    return
  }
  func.func @transform_0(%arg0: i32) -> (i32, i32, i32) {
    %c0_i32 = arith.constant 0 : i32
    %c0_i32_0 = arith.constant 0 : i32
    %c0_i32_1 = arith.constant 0 : i32
    return %c0_i32, %arg0, %c0_i32_0 : i32, i32, i32
  }
  func.func @transform_1(%arg0: i32) -> (i32, i32, i32) {
    %c0_i32 = arith.constant 0 : i32
    %c0_i32_0 = arith.constant 0 : i32
    %c0_i32_1 = arith.constant 0 : i32
    return %c0_i32, %arg0, %c0_i32_0 : i32, i32, i32
  }
  func.func @transform_2(%arg0: i32) -> (i32, i32) {
    %c0_i32 = arith.constant 0 : i32
    %c0_i32_0 = arith.constant 0 : i32
    return %arg0, %c0_i32 : i32, i32
  }
  func.func @transform_3(%arg0: i32) -> (i32, i32) {
    %c0_i32 = arith.constant 0 : i32
    %c0_i32_0 = arith.constant 0 : i32
    return %arg0, %c0_i32 : i32, i32
  }
}

</mosaic_0001>

<sc_bundles>
// kernel: kernel.10.cloned.1.call-start
scs
__scs_entry_jumppad:
0x0: {  	(pc) =	sbr.rel $0x88, $3  }
0x1: {  	(tag) =	ssettag $0x0;
	lr =	simm.s32 $0x1  }
0x2: {  	[smem:$0x3F94] =	sst lr;
	_ =	strace $0xD0000000  }
0x3: {  	_ = 	snop  }
0x4: {  	_ = 	snop  }
0x5: {  	_ = 	snop  }
0x6: {  	_ = 	snop  }
0x7: {  	_ = 	snop  }
__scs_overlays_trampoline_lowered:
0x8: {  	[smem:$0x3FA3] =	sst s0  }
0x9: {  	[smem:$0x3FA4] =	sst s1  }
0xa: {  	[smem:$0x3FA5] =	sst s2  }
0xb: {  	[smem:$0x3FA6] =	sst s3  }
0xc: {  	[smem:$0x3FA7] =	sst s4  }
0xd: {  	[smem:$0x3FA8] =	sst s5  }
0xe: {  	[smem:$0x3FA9] =	sst s6  }
0xf: {  	[smem:$0x3FAA] =	sst s7  }
0x10: {  	[smem:$0x3FAB] =	sst s8  }
0x11: {  	[smem:$0x3FAC] =	sst s9;
	s0 =	simm.s32 @!p0 $0x0  }
0x12: {  	s1 =	sld [smem:$0x3F92];
	s0 =	simm.s32 @p0 $0x1  }
0x13: {  	[smem:$0x3FAD] =	sst s0;
	s0 =	simm.s32 @!p1 $0x0  }
0x14: {  	s2 =	sld [smem:$0x3F91];
	s0 =	simm.s32 @p1 $0x1  }
0x15: {  	[smem:$0x3FAE] =	sst s0;
	s0 =	simm.s32 @!p2 $0x0  }
0x16: {  	s3 =	sld [smem:$0x3FDB];
	s0 =	simm.s32 @p2 $0x1  }
0x17: {  	s4 =	simm.s32 $0x1BF5;
	[smem:$0x3FB0] =	sst s0  }
0x18: {  	s0 =	sld [smem:$0x3F93];
	_ =	swait.ge [sflag:s4], $0x0  }
0x19: {  	s7 =	sld [smem:$0x3F94]  }
0x1a: {  	s8 =	sadd.s32 $0xFFFFE003, lr  }
0x1b: {  	s9 =	sadd.s32 $0xFFFFFEF7, lr;
	s5 =	simm.s32 $0xFFFFFFFF;
	p2 =	slt.u32 s8, $0xFFFFF086  }
0x1c: {  	p1 =	slt.u32 s9, $0xF7A;
	s5 =	simm.s32 @!p2 $0x0  }
0x1d: {  	s5 =	simm.s32 @p1 $0x1;
	p0 =	seq.s32 s7, s2  }
0x1e: {  	s7 =	smul.u32 @!p0 $0xF7A, s2;
	p2 =	seq.s32 @!p0 s5, $0x0  }
0x1f: {  	s9 =	smul.u32 $0xF7A, s1;
	s8 =	simm.s32 @!p0 $0x1BF5;
	p2 =	por !p2, p0  }
0x20: {  	[sflag:s8] =	ssyncset.s32 @!p0 $0xFFFFF086;
	s6 =	sadd.s32 @!p0 s3, s7;
	s7 =	simm.s32 @!p0 $0x108  }
0x21: {  	s3 =	sadd.s32 s3, s9;
	s6 =	sadd.s32 @!p0 $0x88, s6;
	s7 =	simm.s32 @p2 $0x1082  }
0x22: {  	[simem:s7], [sflag:s8] =	dma.local @!p0 [hbm:s6], $0xF7A  }
0x23: {  	s9 =	sor.u32 $0xD0000000, s2;
	s6 =	simm.s32 $0x108;
	_ =	swait.ge @!p0 [sflag:s8], $0x0  }
0x24: {  	s3 =	sadd.s32 $0x88, s3;
	s6 =	simm.s32 @!p1 $0x1082;
	[sflag:s4] =	ssyncset.s32 $0xFFFFF086  }
0x25: {  	[simem:s6], [sflag:s4] =	dma.local [hbm:s3], $0xF7A  }
0x26: {  	[smem:$0x3F94] =	sst s1;
	(tag) =	ssettag s2;
	_ =	strace s9  }
0x27: {  	s1 =	sld [smem:$0x3FA4]  }
0x28: {  	s2 =	sld [smem:$0x3FA5]  }
0x29: {  	s4 =	sld [smem:$0x3FA7]  }
0x2a: {  	p0 =	seq.s32 s5, $0x0;
	s5 =	sld [smem:$0x3FA8]  }
0x2b: {  	s6 =	sld [smem:$0x3FA9]  }
0x2c: {  	s7 =	sld [smem:$0x3FAA]  }
0x2d: {  	s3 =	simm.s32 $0x108;
	s8 =	sld [smem:$0x3FAB]  }
0x2e: {  	s3 =	simm.s32 @!p0 $0x1082;
	s9 =	sld [smem:$0x3FAC]  }
0x2f: {  	lr =	sadd.s32 s0, s3;
	s0 =	sld [smem:$0x3FA3]  }
0x30: {  	s3 =	sld [smem:$0x3FA6]  }
0x31: {  	[smem:$0x3FAF] =	sst s10  }
0x32: {  	s10 =	sld [smem:$0x3FAD];
	_ =	sdelay $0x3  }
0x33: {  	p0 =	seq.s32 s10, $0x1;
	s10 =	sld [smem:$0x3FAF];
	_ =	sdelay $0x3  }
0x34: {  	[smem:$0x3FAF] =	sst s10  }
0x35: {  	s10 =	sld [smem:$0x3FAE];
	_ =	sdelay $0x3  }
0x36: {  	p1 =	seq.s32 s10, $0x1;
	s10 =	sld [smem:$0x3FAF];
	_ =	sdelay $0x3  }
0x37: {  	[smem:$0x3FAF] =	sst s10  }
0x38: {  	s10 =	sld [smem:$0x3FB0]  }
0x39: {  	_ = 	snop;
	(pc) =	sbr.ind lr, $3  }
0x3a: {  	_ = 	snop  }
0x3b: {  	_ = 	snop  }
0x3c: {  	p2 =	seq.s32 s10, $0x1;
	s10 =	sld [smem:$0x3FAF]  }
0x3d: {  	_ =	shalt  }
0x3e: {  	_ =	shalt  }
0x3f: {  	_ =	shalt  }
0x40: {  	_ =	shalt  }
0x41: {  	_ =	shalt  }
0x42: {  	_ =	shalt  }
0x43: {  	_ =	shalt  }
0x44: {  	_ =	shalt  }
0x45: {  	_ =	shalt  }
0x46: {  	_ =	shalt  }
0x47: {  	_ =	shalt  }
0x48: {  	_ =	shalt  }
0x49: {  	_ =	shalt  }
0x4a: {  	_ =	shalt  }
0x4b: {  	_ =	shalt  }
0x4c: {  	_ =	shalt  }
0x4d: {  	_ =	shalt  }
0x4e: {  	_ =	shalt  }
0x4f: {  	_ =	shalt  }
0x50: {  	_ =	shalt  }
0x51: {  	_ =	shalt  }
0x52: {  	_ =	shalt  }
0x53: {  	_ =	shalt  }
0x54: {  	_ =	shalt  }
0x55: {  	_ =	shalt  }
0x56: {  	_ =	shalt  }
0x57: {  	_ =	shalt  }
0x58: {  	_ =	shalt  }
0x59: {  	_ =	shalt  }
0x5a: {  	_ =	shalt  }
0x5b: {  	_ =	shalt  }
0x5c: {  	_ =	shalt  }
0x5d: {  	_ =	shalt  }
0x5e: {  	_ =	shalt  }
0x5f: {  	_ =	shalt  }
0x60: {  	_ =	shalt  }
0x61: {  	_ =	shalt  }
0x62: {  	_ =	shalt  }
0x63: {  	_ =	shalt  }
0x64: {  	_ =	shalt  }
0x65: {  	_ =	shalt  }
0x66: {  	_ =	shalt  }
0x67: {  	_ =	shalt  }
0x68: {  	_ =	shalt  }
0x69: {  	_ =	shalt  }
0x6a: {  	_ =	shalt  }
0x6b: {  	_ =	shalt  }
0x6c: {  	_ =	shalt  }
0x6d: {  	_ =	shalt  }
0x6e: {  	_ =	shalt  }
0x6f: {  	_ =	shalt  }
0x70: {  	_ =	shalt  }
0x71: {  	_ =	shalt  }
0x72: {  	_ =	shalt  }
0x73: {  	_ =	shalt  }
0x74: {  	_ =	shalt  }
0x75: {  	_ =	shalt  }
0x76: {  	_ =	shalt  }
0x77: {  	_ =	shalt  }
0x78: {  	_ =	shalt  }
0x79: {  	_ =	shalt  }
0x7a: {  	_ =	shalt  }
0x7b: {  	_ =	shalt  }
0x7c: {  	_ =	shalt  }
0x7d: {  	_ =	shalt  }
0x7e: {  	_ =	shalt  }
0x7f: {  	_ =	shalt  }
0x80: {  	_ =	shalt  }
0x81: {  	_ =	shalt  }
0x82: {  	_ =	shalt  }
0x83: {  	_ =	shalt  }
0x84: {  	_ =	shalt  }
0x85: {  	_ =	shalt  }
0x86: {  	_ =	shalt  }
0x87: {  	_ =	shalt  }
.Lfunc_end0:
.L_simem_size_0:
called_computation_lowered:
.L_overlay_start_0:
0x88: {  	s2 =	sld [smem:$0x3FD9]  }
0x89: {  	s3 =	sld [smem:$0x3FFE];
	_ =	sdelay $0x1  }
0x8a: {  	s1 =	srdreg.scid  }
0x8b: {  	s0 =	sand.u32 $0x1, s1  }
0x8c: {  	s16 =	sshll.u32 s0, $0xA;
	s2 =	sadd.s32 s3, s2  }
0x8d: {  	s2 =	sadd.s32 s2, s16  }
0x8e: {  	[smem:$0x3FBB] =	sst s2  }
0x8f: {  	_ = 	snop  }
0x90: {  	(tm) =	ssettm $0x1  }
0x91: {  	s17 =	sld [smem:$0x3FFB];
	_ =	sdelay $0x3  }
0x92: {  	_ =	strace s17  }
0x93: {  	s2 =	sld [smem:$0x3FFC];
	_ =	sdelay $0x3  }
0x94: {  	_ =	strace s2  }
0x95: {  	s2 =	sld [smem:$0x3FFD];
	_ =	sdelay $0x3  }
0x96: {  	_ =	strace s2  }
0x97: {  	_ =	strace $0x8FFFFFFF  }
0x98: {  	s18 =	sld [smem:$0x3FDB];
	_ =	sdelay $0x1  }
0x99: {  	s19 =	simm.s32 $_scs_section_size  }
0x9a: {  	s4 =	simm.s32 $_size__tile_overlayer_lowered;
	s5 =	simm.s32 $_tile_overlayer_lowered  }
0x9b: {  	s22 =	simm.s32 $0x1BFF;
	s21 =	sshll.u32 s5, $0x1;
	s2 =	sadd.s32 s19, s18  }
0x9c: {  	s6 =	simm.s32 $0x0;
	s20 =	sshll.u32 s4, $0x1;
	s4 =	sadd.s32 s21, s2  }
0x9d: {  	[timem:s6], [sflag:s22] =	dma.local [hbm:s4], s20  }
0x9e: {  	_ =	swait.ge [sflag:s22], s20  }
0x9f: {  	s3 =	ssub.s32 $0x0, s20;
	[sflag:s22] =	ssyncset.done $0x0  }
0xa0: {  	[sflag:s22] =	ssyncadd.s32 s3;
	_ =	sdelay $0x1  }
0xa1: {  	s23 =	simm.s32 $0x1B8B  }
0xa2: {  	_ =	swait.ge [sflag:s23], $0x1  }
0xa3: {  	[sflag:s23] =	ssyncset.done $0x0  }
0xa4: {  	s25 =	simm.s32 $0x1B8E;
	s24 =	sld [smem:$0x3FFE];
	[sflag:s23] =	ssyncadd.s32 $0xFFFFFFFF  }
0xa5: {  	s26 =	simm.s32 $execute0_lowered;
	[smem:$0x3FD2] =	sst s25  }
0xa6: {  	s4 =	sshll.u32 s26, $0x1;
	_ =	strace $0x80000046;
	[dreg:$0x1] =	wrdreg $0xFFFFFFFF  }
0xa7: {  	s28 =	simm.s32 $_size_execute0_lowered;
	s2 =	sadd.s32 s2, s4;
	[dreg:$0x0] =	wrdreg $0x0  }
0xa8: {  	s4 =	sshll.u32 s28, $0x1;
	[dreg:$0x2] =	wrdreg s2  }
0xa9: {  	[dreg:$0x3] =	wrdreg s4  }
0xaa: {  	[dreg:$0x4] =	wrdreg $0xC0  }
0xab: {  	_ =	task [dreg:s6], $0x5FFFF  }
0xac: {  	[dreg:$0x1] =	wrdreg $0xFFFFFFFF  }
0xad: {  	[dreg:$0x0] =	wrdreg $0x60  }
0xae: {  	[dreg:$0x2] =	wrdreg s24  }
0xaf: {  	[dreg:$0x3] =	wrdreg $0x4F800  }
0xb0: {  	[dreg:$0x4] =	wrdreg $0x9  }
0xb1: {  	_ =	task.clear_ibuf [dreg:s6], $0x5FFFF;
	_ =	strace $0x90000046  }
0xb2: {  	s29 =	simm.s32 $0x9;
	_ =	strace $0x80000048  }
0xb3: {  	_ =	swait.ge [sflag:s29], $0x1  }
0xb4: {  	[sflag:s29] =	ssyncadd.s32 $0xFFFFFFFF  }
0xb5: {  	_ =	strace $0x90000048  }
0xb6: {  	_ =	sfence  }
0xb7: {  	s30 =	sld [smem:$0x0];
	_ =	sdelay $0x2  }
0xb8: {  	s31 =	sshll.u32 s1, $0xD;
	s1 =	sshrl.u32 s1, $0x2  }
0xb9: {  	s3 =	sand.u32 $0x4000, s31;
	s1 =	sadd.s32 s1, s30  }
0xba: {  	s0 =	sor.u32 s3, s0;
	s1 =	sshll.u32 s1, $0x11  }
0xbb: {  	s0 =	sor.u32 s1, s0  }
0xbc: {  	s0 =	sadd.s32 $0x8F2B, s0  }
0xbd: {  	[sflag:s0] =	ssyncadd.remote.s32 $0x1  }
0xbe: {  	_ =	sfence.sel $0xFFFF  }
0xbf: {  	[dreg:$0x0] =	wrdreg $0xFFFFFFFF;
	(pc) =	sbr.abs _section_cstart, $3  }
0xc0: {  	[dreg:$0x1] =	wrdreg $0xFFFFFFFF  }
0xc1: {  	_ =	task.clear_ibuf [dreg:s6], $0x2FFFF;
	_ =	strace $0x9FFFFFFF  }
0xc2: {  	(tm) =	ssettm $0x7FFFFFFF  }
0xc3: {  	_ =	shalt  }
tec
execute0_lowered:
.L_overlay_start_1:
0x0: {  	(tag) =	ssettag $0x1  }
0x1: {  	s0 =	srdreg.scid;
	s2 =	rddreg [dreg:$0x0]  }
0x2: {  	s8 =	stileid.u32;
	s3 =	rddreg [dreg:$0x1];
	s5 =	simm.s32 $0x0  }
0x3: {  	s0 =	sand.u32 $0x1, s0;
	s4 =	sshll.u32 s8, $0x7;
	[smem:$0x7FF] =	sst s5  }
0x4: {  	s26 =	smul.u32 $0x500, s8;
	s7 =	sshrl.u32 s8, $0x3;
	s9 =	sadd.s32 $0xD200, s2  }
0x5: {  	s1 =	sshll.u32 s0, $0x4;
	_ =	strace $0x80000047;
	s6 =	sshll.u32 s0, $0x7  }
0x6: {  	[dreg:$0x3] =	wrdreg s9;
	s9 =	smul.u32 $0x50000, s7;
	s0 =	ssub.s32 $0x2, s0  }
0x7: {  	s10 =	smul.u32 $0x5000, s8;
	s4 =	sand.u32 $0x380, s4;
	s11 =	sshrl.u32 s0, $0x1  }
0x8: {  	s5 =	sor.u32 s6, s26;
	s6 =	sshrl.u32 s9, $0x2;
	s0 =	ssub.s32 s0, s11  }
0x9: {  	s13 =	sshrl.u32 s10, $0x2;
	s12 =	sadd.s32 s6, s3;
	s0 =	smax.u32 s0, $0x1  }
0xa: {  	s6 =	sadd.s32 s13, s3;
	s14 =	sadd.s32 s4, s12;
	[dreg:$0x16] =	wrdreg s0  }
0xb: {  	s15 =	sadd.s32 $0x80, s6;
	[dreg:$0x5] =	wrdreg s14  }
0xc: {  	s16 =	sadd.s32 $0x100, s6;
	[dreg:$0x6] =	wrdreg s15  }
0xd: {  	s17 =	sadd.s32 $0x180, s6;
	[dreg:$0x7] =	wrdreg s16  }
0xe: {  	s18 =	sadd.s32 $0x200, s6;
	[dreg:$0x8] =	wrdreg s17  }
0xf: {  	s19 =	sadd.s32 $0x280, s6;
	[dreg:$0x9] =	wrdreg s18  }
0x10: {  	s20 =	sadd.s32 $0x300, s6;
	[dreg:$0xa] =	wrdreg s19  }
0x11: {  	s21 =	sadd.s32 $0x380, s6;
	[dreg:$0xb] =	wrdreg s20  }
0x12: {  	s22 =	sadd.s32 $0x14000, s6;
	[dreg:$0xc] =	wrdreg s21  }
0x13: {  	s23 =	sadd.s32 $0x14080, s6;
	[dreg:$0xd] =	wrdreg s22  }
0x14: {  	s24 =	sadd.s32 $0x14100, s6;
	[dreg:$0xe] =	wrdreg s23  }
0x15: {  	s25 =	sadd.s32 $0x14180, s6;
	[dreg:$0xf] =	wrdreg s24  }
0x16: {  	s26 =	sadd.s32 $0x14200, s6;
	[dreg:$0x10] =	wrdreg s25  }
0x17: {  	s3 =	sadd.s32 $0x14280, s6;
	[dreg:$0x11] =	wrdreg s26  }
0x18: {  	s1 =	sor.u32 s8, s1;
	s8 =	sadd.s32 $0x400, s6;
	[dreg:$0x12] =	wrdreg s3  }
0x19: {  	s9 =	sadd.s32 $0x800, s6;
	[dreg:$0x17] =	wrdreg s8  }
0x1a: {  	s10 =	sadd.s32 $0xC00, s6;
	[dreg:$0x18] =	wrdreg s9  }
0x1b: {  	s1 =	sshrl.u32 s1, $0x3;
	s11 =	sadd.s32 $0x1000, s6;
	[dreg:$0x19] =	wrdreg s10  }
0x1c: {  	s1 =	smul.u32 $0x13C00, s1;
	s12 =	sadd.s32 $0x480, s6;
	[dreg:$0x1a] =	wrdreg s11  }
0x1d: {  	s13 =	sadd.s32 $0x880, s6;
	[dreg:$0x1b] =	wrdreg s12  }
0x1e: {  	s1 =	sor.u32 s4, s1;
	s4 =	sadd.s32 $0x14300, s6;
	[dreg:$0x1c] =	wrdreg s13  }
0x1f: {  	s14 =	sadd.s32 $0xC80, s6;
	[dreg:$0x13] =	wrdreg s4  }
0x20: {  	s15 =	sadd.s32 $0x1080, s6;
	[dreg:$0x1d] =	wrdreg s14  }
0x21: {  	s16 =	sadd.s32 $0x500, s6;
	[dreg:$0x1e] =	wrdreg s15  }
0x22: {  	s17 =	sadd.s32 $0x900, s6;
	[dreg:$0x1f] =	wrdreg s16  }
0x23: {  	s18 =	sadd.s32 $0xD00, s6;
	[smem:$0x7DB] =	sst s17  }
0x24: {  	s19 =	sadd.s32 $0x1100, s6;
	[smem:$0x7DC] =	sst s18  }
0x25: {  	s20 =	sadd.s32 $0x580, s6;
	[smem:$0x7DD] =	sst s19  }
0x26: {  	s21 =	sadd.s32 $0x980, s6;
	[smem:$0x7DE] =	sst s20  }
0x27: {  	s22 =	sadd.s32 $0xD80, s6;
	[smem:$0x7DF] =	sst s21  }
0x28: {  	s23 =	sadd.s32 $0x1180, s6;
	[smem:$0x7E0] =	sst s22  }
0x29: {  	s24 =	sadd.s32 $0x600, s6;
	[smem:$0x7E1] =	sst s23  }
0x2a: {  	s25 =	sadd.s32 $0xA00, s6;
	[smem:$0x7E2] =	sst s24  }
0x2b: {  	s26 =	sadd.s32 $0xE00, s6;
	[smem:$0x7E3] =	sst s25  }
0x2c: {  	s3 =	sadd.s32 $0xA80, s6;
	[smem:$0x7E4] =	sst s26  }
0x2d: {  	s8 =	sadd.s32 $0xB00, s6;
	[smem:$0x7E7] =	sst s3  }
0x2e: {  	s9 =	sadd.s32 $0xF00, s6;
	[smem:$0x7EB] =	sst s8  }
0x2f: {  	s10 =	sadd.s32 $0x1300, s6;
	[smem:$0x7EC] =	sst s9  }
0x30: {  	s11 =	sadd.s32 $0x780, s6;
	[smem:$0x7ED] =	sst s10  }
0x31: {  	s12 =	sadd.s32 $0xB80, s6;
	[smem:$0x7EE] =	sst s11  }
0x32: {  	s13 =	sadd.s32 $0xF80, s6;
	[smem:$0x7EF] =	sst s12  }
0x33: {  	s29 =	simm.s32 $0x80;
	s4 =	sadd.s32 $0xE80, s6;
	[smem:$0x7F0] =	sst s13  }
0x34: {  	s30 =	simm.s32 $0x400;
	s14 =	sadd.s32 $0x1380, s6;
	[smem:$0x7E8] =	sst s4  }
0x35: {  	s31 =	simm.s32 $0x1;
	s15 =	sadd.s32 $0x14400, s6;
	[smem:$0x7F1] =	sst s14  }
0x36: {  	s5 =	sshrl.u32 s5, $0x3;
	s16 =	sadd.s32 $0x14800, s6;
	[smem:$0x7F2] =	sst s15  }
0x37: {  	s28 =	sadd.s32 $0x15380, s6;
	s17 =	sadd.s32 $0x14C00, s6;
	[smem:$0x7F3] =	sst s16  }
0x38: {  	s0 =	simm.s32 $0x0;
	s18 =	sadd.s32 $0x15000, s6;
	[smem:$0x7F4] =	sst s17  }
0x39: {  	s1 =	sshrl.u32 s1, $0x3;
	s19 =	sadd.s32 $0x14480, s6;
	[smem:$0x7F5] =	sst s18  }
0x3a: {  	s20 =	sadd.s32 $0x14880, s6;
	s21 =	sadd.s32 $0x14C80, s6;
	[smem:$0x7F6] =	sst s19  }
0x3b: {  	s22 =	sadd.s32 $0x15080, s6;
	s23 =	sadd.s32 $0x14500, s6;
	[smem:$0x7F7] =	sst s20  }
0x3c: {  	s24 =	sadd.s32 $0x14900, s6;
	s25 =	sadd.s32 $0x14D00, s6;
	[smem:$0x7F8] =	sst s21  }
0x3d: {  	s26 =	sadd.s32 $0x15100, s6;
	s8 =	sadd.s32 $0x14580, s6;
	[smem:$0x7F9] =	sst s22  }
0x3e: {  	s9 =	sadd.s32 $0x14980, s6;
	s10 =	sadd.s32 $0x14D80, s6;
	[smem:$0x7FA] =	sst s23  }
0x3f: {  	s11 =	sadd.s32 $0x15180, s6;
	s12 =	sadd.s32 $0x14600, s6;
	[smem:$0x7FB] =	sst s24  }
0x40: {  	s13 =	sadd.s32 $0x14A00, s6;
	s1 =	sadd.s32 s1, s2;
	[smem:$0x7FC] =	sst s25  }
0x41: {  	s2 =	sadd.s32 s5, s2;
	s5 =	sadd.s32 $0x14380, s6;
	[smem:$0x7FD] =	sst s26  }
0x42: {  	s14 =	sadd.s32 $0x14E00, s6;
	s15 =	sadd.s32 $0x15200, s6;
	s16 =	sadd.s32 $0x14680, s6  }
0x43: {  	s17 =	sadd.s32 $0x14A80, s6;
	s18 =	sadd.s32 $0x14E80, s6;
	s19 =	sadd.s32 $0x15280, s6  }
0x44: {  	s20 =	sadd.s32 $0x14700, s6;
	s1 =	sadd.s32 $0x3400, s1;
	[dreg:$0x14] =	wrdreg s5  }
0x45: {  	s21 =	sadd.s32 $0x14B00, s6;
	s7 =	sadd.s32 $0xD800, s2;
	[dreg:$0x4] =	wrdreg s1  }
0x46: {  	s22 =	sadd.s32 $0x14F00, s6;
	s2 =	sadd.s32 $0x680, s6;
	[dreg:$0x15] =	wrdreg s7  }
0x47: {  	s23 =	sadd.s32 $0x15300, s6;
	s5 =	sadd.s32 $0x1280, s6;
	[smem:$0x7E6] =	sst s2  }
0x48: {  	s24 =	sadd.s32 $0x14780, s6;
	s1 =	sadd.s32 $0x1200, s6;
	[smem:$0x7E9] =	sst s5  }
0x49: {  	s25 =	sadd.s32 $0x14B80, s6;
	s7 =	sadd.s32 $0x700, s6;
	[smem:$0x7E5] =	sst s1  }
0x4a: {  	v0 =	vimm.f32 $1.000000000e+00;
	s26 =	sadd.s32 $0x14F80, s6;
	[smem:$0x7EA] =	sst s7;
	s1 =	simm.s32 $0x2780  }
.LBB2_1:
0x4b: {  	s2 =	simm.s32 $0x0;
	s3 =	rddreg [dreg:$0x4]  }
0x4c: {  	[tilespmem:s2], [sflag:$0x1] =	stream.strided.gather [hbm4b:s3+s29], $0x2780, s30, s29, $0x38;
	[tilespmem:$0xA200] =	vst v63  }
0x4d: {  	_ =	swait.ge [sflag:s31], $0x2780  }
0x4e: {  	[sflag:s31] =	ssyncset.done $0x0  }
0x4f: {  	s7 =	rddreg [dreg:$0x3];
	[sflag:s31] =	ssyncadd.s32 $0xFFFFD880  }
0x50: {  	[tilespmem:s1], [sflag:$0x1] =	stream.linear.gather [hbm4b:s7+s2], $0x2800, $0x38;
	[tilespmem:$0xA200] =	vst v63  }
0x51: {  	_ =	swait.ge [sflag:s31], $0x2800  }
0x52: {  	[sflag:s31] =	ssyncset.done $0x0  }
0x53: {  	s3 =	simm.s32 $0x0;
	s2 =	simm.s32 $0x40;
	[sflag:s31] =	ssyncadd.s32 $0xFFFFD800  }
.LBB2_2:
0x54: {  	p0 =	sne.s32 s2, $0x9C00;
	v1 =	vld [tilespmem:s3+$0x0];
	_ =	sdelay $0x3  }
.Ltmp0:
0x55: {  	(pc) =	sbr.rel @p0 .LBB2_2-.Ltmp0, $2  }
0x56: {  	_ =	sdelay $0x2  }
0x57: {  	s3 =	sshra.s32 s2, $0x2;
	s2 =	sadd.s32 $0x40, s2;
	[tilespmem:v1+s1+$0x0] =	vst.idx.add.f32.msk $0xffff, v0  }
0x58: {  	v1 =	vld [tilespmem:s3+$0x0];
	_ =	sdelay $0x7  }
0x59: {  	s2 =	rddreg [dreg:$0x5];
	[tilespmem:v1+s1+$0x0] =	vst.idx.add.f32.msk $0xffff, v0  }
0x5a: {  	[spmem:s2] =	stream.strided.scatter [tilespmem:s1], [sflag:$0x1], $0x2800, s30, s29, $0x38;
	[tilespmem:$0xA200] =	vst v63  }
0x5b: {  	_ =	swait.ge [sflag:s31], $0x2800  }
0x5c: {  	[sflag:s31] =	ssyncset.done $0x0  }
0x5d: {  	[sflag:s31] =	ssyncadd.s32 $0xFFFFD800  }
0x5e: {  	s4 =	simm.s32 $0x7780;
	[bflag:$0x0] =	sbarrier.arrive $0xFFFF  }
0x5f: {  	[tilespmem:s4], [sflag:$0x1] =	stream.linear.gather [spmem:s6], $0x80, $0x38;
	[tilespmem:$0xA200] =	vst v63  }
0x60: {  	s7 =	simm.s32 $0x7B80;
	s5 =	rddreg [dreg:$0x17]  }
0x61: {  	[tilespmem:s7], [sflag:$0x1] =	stream.linear.gather [spmem:s5], $0x80, $0x38;
	[tilespmem:$0xA200] =	vst v63  }
0x62: {  	s3 =	rddreg [dreg:$0x18];
	s4 =	simm.s32 $0x7F80  }
0x63: {  	[tilespmem:s4], [sflag:$0x1] =	stream.linear.gather [spmem:s3], $0x80, $0x38;
	[tilespmem:$0xA200] =	vst v63  }
0x64: {  	s5 =	rddreg [dreg:$0x19];
	s7 =	simm.s32 $0x8380  }
0x65: {  	[tilespmem:s7], [sflag:$0x1] =	stream.linear.gather [spmem:s5], $0x80, $0x38;
	[tilespmem:$0xA200] =	vst v63  }
0x66: {  	s3 =	rddreg [dreg:$0x1a];
	s4 =	simm.s32 $0x8780  }
0x67: {  	[tilespmem:s4], [sflag:$0x1] =	stream.linear.gather [spmem:s3], $0x80, $0x38;
	[tilespmem:$0xA200] =	vst v63  }
0x68: {  	_ =	swait.ge [sflag:s31], $0x280  }
0x69: {  	[sflag:s31] =	ssyncset.done $0x0  }
0x6a: {  	s7 =	simm.s32 $0x7800;
	s5 =	rddreg [dreg:$0x6];
	[sflag:s31] =	ssyncadd.s32 $0xFFFFFD80  }
0x6b: {  	[tilespmem:s7], [sflag:$0x1] =	stream.linear.gather [spmem:s5], $0x80, $0x38;
	[tilespmem:$0xA200] =	vst v63  }
0x6c: {  	s4 =	simm.s32 $0x7C00;
	s3 =	rddreg [dreg:$0x1b]  }
0x6d: {  	[tilespmem:s4], [sflag:$0x1] =	stream.linear.gather [spmem:s3], $0x80, $0x38;
	[tilespmem:$0xA200] =	vst v63  }
0x6e: {  	s5 =	rddreg [dreg:$0x1c];
	s7 =	simm.s32 $0x8000  }
0x6f: {  	[tilespmem:s7], [sflag:$0x1] =	stream.linear.gather [spmem:s5], $0x80, $0x38;
	[tilespmem:$0xA200] =	vst v63  }
0x70: {  	s3 =	rddreg [dreg:$0x1d];
	s4 =	simm.s32 $0x8400  }
0x71: {  	[tilespmem:s4], [sflag:$0x1] =	stream.linear.gather [spmem:s3], $0x80, $0x38;
	[tilespmem:$0xA200] =	vst v63  }
0x72: {  	s5 =	rddreg [dreg:$0x1e];
	s7 =	simm.s32 $0x8800  }
0x73: {  	[tilespmem:s7], [sflag:$0x1] =	stream.linear.gather [spmem:s5], $0x80, $0x38;
	[tilespmem:$0xA200] =	vst v63  }
0x74: {  	_ =	swait.ge [sflag:s31], $0x280  }
0x75: {  	[sflag:s31] =	ssyncset.done $0x0;
	s3 =	rddreg [dreg:$0x7]  }
0x76: {  	s4 =	simm.s32 $0x7880;
	s5 =	rddreg [dreg:$0x1f];
	[sflag:s31] =	ssyncadd.s32 $0xFFFFFD80  }
0x77: {  	[tilespmem:s4], [sflag:$0x1] =	stream.linear.gather [spmem:s3], $0x80, $0x38;
	[tilespmem:$0xA200] =	vst v63  }
0x78: {  	s7 =	simm.s32 $0x7C80;
	s3 =	sld [smem:$0x7DB]  }
0x79: {  	[tilespmem:s7], [sflag:$0x1] =	stream.linear.gather [spmem:s5], $0x80, $0x38;
	[tilespmem:$0xA200] =	vst v63  }
0x7a: {  	s4 =	simm.s32 $0x8080;
	s5 =	sld [smem:$0x7DC]  }
0x7b: {  	[tilespmem:s4], [sflag:$0x1] =	stream.linear.gather [spmem:s3], $0x80, $0x38;
	[tilespmem:$0xA200] =	vst v63  }
0x7c: {  	s7 =	simm.s32 $0x8480;
	s3 =	sld [smem:$0x7DD]  }
0x7d: {  	[tilespmem:s7], [sflag:$0x1] =	stream.linear.gather [spmem:s5], $0x80, $0x38;
	[tilespmem:$0xA200] =	vst v63  }
0x7e: {  	s4 =	simm.s32 $0x8880  }
0x7f: {  	[tilespmem:s4], [sflag:$0x1] =	stream.linear.gather [spmem:s3], $0x80, $0x38;
	[tilespmem:$0xA200] =	vst v63  }
0x80: {  	_ =	swait.ge [sflag:s31], $0x280  }
0x81: {  	[sflag:s31] =	ssyncset.done $0x0;
	s5 =	rddreg [dreg:$0x8]  }
0x82: {  	s7 =	simm.s32 $0x7900;
	s3 =	sld [smem:$0x7DE];
	[sflag:s31] =	ssyncadd.s32 $0xFFFFFD80  }
0x83: {  	[tilespmem:s7], [sflag:$0x1] =	stream.linear.gather [spmem:s5], $0x80, $0x38;
	[tilespmem:$0xA200] =	vst v63  }
0x84: {  	s4 =	simm.s32 $0x7D00;
	s5 =	sld [smem:$0x7DF]  }
0x85: {  	[tilespmem:s4], [sflag:$0x1] =	stream.linear.gather [spmem:s3], $0x80, $0x38;
	[tilespmem:$0xA200] =	vst v63  }
0x86: {  	s7 =	simm.s32 $0x8100;
	s3 =	sld [smem:$0x7E0]  }
0x87: {  	[tilespmem:s7], [sflag:$0x1] =	stream.linear.gather [spmem:s5], $0x80, $0x38;
	[tilespmem:$0xA200] =	vst v63  }
0x88: {  	s4 =	simm.s32 $0x8500;
	s5 =	sld [smem:$0x7E1]  }
0x89: {  	[tilespmem:s4], [sflag:$0x1] =	stream.linear.gather [spmem:s3], $0x80, $0x38;
	[tilespmem:$0xA200] =	vst v63  }
0x8a: {  	s7 =	simm.s32 $0x8900  }
0x8b: {  	[tilespmem:s7], [sflag:$0x1] =	stream.linear.gather [spmem:s5], $0x80, $0x38;
	[tilespmem:$0xA200] =	vst v63  }
0x8c: {  	_ =	swait.ge [sflag:s31], $0x280  }
0x8d: {  	[sflag:s31] =	ssyncset.done $0x0;
	s3 =	rddreg [dreg:$0x9]  }
0x8e: {  	s4 =	simm.s32 $0x7980;
	s5 =	sld [smem:$0x7E2];
	[sflag:s31] =	ssyncadd.s32 $0xFFFFFD80  }
0x8f: {  	[tilespmem:s4], [sflag:$0x1] =	stream.linear.gather [spmem:s3], $0x80, $0x38;
	[tilespmem:$0xA200] =	vst v63  }
0x90: {  	s7 =	simm.s32 $0x7D80;
	s3 =	sld [smem:$0x7E3]  }
0x91: {  	[tilespmem:s7], [sflag:$0x1] =	stream.linear.gather [spmem:s5], $0x80, $0x38;
	[tilespmem:$0xA200] =	vst v63  }
0x92: {  	s4 =	simm.s32 $0x8180;
	s5 =	sld [smem:$0x7E4]  }
0x93: {  	[tilespmem:s4], [sflag:$0x1] =	stream.linear.gather [spmem:s3], $0x80, $0x38;
	[tilespmem:$0xA200] =	vst v63  }
0x94: {  	s7 =	simm.s32 $0x8580;
	s3 =	sld [smem:$0x7E5]  }
0x95: {  	[tilespmem:s7], [sflag:$0x1] =	stream.linear.gather [spmem:s5], $0x80, $0x38;
	[tilespmem:$0xA200] =	vst v63  }
0x96: {  	s4 =	simm.s32 $0x8980  }
0x97: {  	[tilespmem:s4], [sflag:$0x1] =	stream.linear.gather [spmem:s3], $0x80, $0x38;
	[tilespmem:$0xA200] =	vst v63  }
0x98: {  	_ =	swait.ge [sflag:s31], $0x280  }
0x99: {  	[sflag:s31] =	ssyncset.done $0x0;
	s5 =	rddreg [dreg:$0xa]  }
0x9a: {  	s7 =	simm.s32 $0x7A00;
	s3 =	sld [smem:$0x7E6];
	[sflag:s31] =	ssyncadd.s32 $0xFFFFFD80  }
0x9b: {  	[tilespmem:s7], [sflag:$0x1] =	stream.linear.gather [spmem:s5], $0x80, $0x38;
	[tilespmem:$0xA200] =	vst v63  }
0x9c: {  	s4 =	simm.s32 $0x7E00;
	s5 =	sld [smem:$0x7E7]  }
0x9d: {  	[tilespmem:s4], [sflag:$0x1] =	stream.linear.gather [spmem:s3], $0x80, $0x38;
	[tilespmem:$0xA200] =	vst v63  }
0x9e: {  	s7 =	simm.s32 $0x8200;
	s3 =	sld [smem:$0x7E8]  }
0x9f: {  	[tilespmem:s7], [sflag:$0x1] =	stream.linear.gather [spmem:s5], $0x80, $0x38;
	[tilespmem:$0xA200] =	vst v63  }
0xa0: {  	s4 =	simm.s32 $0x8600;
	s5 =	sld [smem:$0x7E9]  }
0xa1: {  	[tilespmem:s4], [sflag:$0x1] =	stream.linear.gather [spmem:s3], $0x80, $0x38;
	[tilespmem:$0xA200] =	vst v63  }
0xa2: {  	s7 =	simm.s32 $0x8A00  }
0xa3: {  	[tilespmem:s7], [sflag:$0x1] =	stream.linear.gather [spmem:s5], $0x80, $0x38;
	[tilespmem:$0xA200] =	vst v63  }
0xa4: {  	_ =	swait.ge [sflag:s31], $0x280  }
0xa5: {  	[sflag:s31] =	ssyncset.done $0x0;
	s3 =	rddreg [dreg:$0xb]  }
0xa6: {  	s4 =	simm.s32 $0x7A80;
	s5 =	sld [smem:$0x7EA];
	[sflag:s31] =	ssyncadd.s32 $0xFFFFFD80  }
0xa7: {  	[tilespmem:s4], [sflag:$0x1] =	stream.linear.gather [spmem:s3], $0x80, $0x38;
	[tilespmem:$0xA200] =	vst v63  }
0xa8: {  	s7 =	simm.s32 $0x7E80;
	s3 =	sld [smem:$0x7EB]  }
0xa9: {  	[tilespmem:s7], [sflag:$0x1] =	stream.linear.gather [spmem:s5], $0x80, $0x38;
	[tilespmem:$0xA200] =	vst v63  }
0xaa: {  	s4 =	simm.s32 $0x8280;
	s5 =	sld [smem:$0x7EC]  }
0xab: {  	[tilespmem:s4], [sflag:$0x1] =	stream.linear.gather [spmem:s3], $0x80, $0x38;
	[tilespmem:$0xA200] =	vst v63  }
0xac: {  	s7 =	simm.s32 $0x8680;
	s3 =	sld [smem:$0x7ED]  }
0xad: {  	[tilespmem:s7], [sflag:$0x1] =	stream.linear.gather [spmem:s5], $0x80, $0x38;
	[tilespmem:$0xA200] =	vst v63  }
0xae: {  	s4 =	simm.s32 $0x8A80  }
0xaf: {  	[tilespmem:s4], [sflag:$0x1] =	stream.linear.gather [spmem:s3], $0x80, $0x38;
	[tilespmem:$0xA200] =	vst v63  }
0xb0: {  	_ =	swait.ge [sflag:s31], $0x280  }
0xb1: {  	[sflag:s31] =	ssyncset.done $0x0;
	s5 =	rddreg [dreg:$0xc]  }
0xb2: {  	s7 =	simm.s32 $0x7B00;
	s3 =	sld [smem:$0x7EE];
	[sflag:s31] =	ssyncadd.s32 $0xFFFFFD80  }
0xb3: {  	[tilespmem:s7], [sflag:$0x1] =	stream.linear.gather [spmem:s5], $0x80, $0x38;
	[tilespmem:$0xA200] =	vst v63  }
0xb4: {  	s4 =	simm.s32 $0x7F00;
	s5 =	sld [smem:$0x7EF]  }
0xb5: {  	[tilespmem:s4], [sflag:$0x1] =	stream.linear.gather [spmem:s3], $0x80, $0x38;
	[tilespmem:$0xA200] =	vst v63  }
0xb6: {  	s7 =	simm.s32 $0x8300;
	s3 =	sld [smem:$0x7F0]  }
0xb7: {  	[tilespmem:s7], [sflag:$0x1] =	stream.linear.gather [spmem:s5], $0x80, $0x38;
	[tilespmem:$0xA200] =	vst v63  }
0xb8: {  	s4 =	simm.s32 $0x8700;
	s5 =	sld [smem:$0x7F1]  }
0xb9: {  	[tilespmem:s4], [sflag:$0x1] =	stream.linear.gather [spmem:s3], $0x80, $0x38;
	[tilespmem:$0xA200] =	vst v63  }
0xba: {  	s7 =	simm.s32 $0x8B00  }
0xbb: {  	[tilespmem:s7], [sflag:$0x1] =	stream.linear.gather [spmem:s5], $0x80, $0x38;
	[tilespmem:$0xA200] =	vst v63  }
0xbc: {  	_ =	swait.ge [sflag:s31], $0x280  }
0xbd: {  	[sflag:s31] =	ssyncset.done $0x0;
	s3 =	rddreg [dreg:$0xd]  }
0xbe: {  	s4 =	simm.s32 $0x8B80;
	s5 =	sld [smem:$0x7F2];
	[sflag:s31] =	ssyncadd.s32 $0xFFFFFD80  }
0xbf: {  	[tilespmem:s4], [sflag:$0x1] =	stream.linear.gather [spmem:s3], $0x80, $0x38;
	[tilespmem:$0xA200] =	vst v63  }
0xc0: {  	s7 =	simm.s32 $0x8F80;
	s3 =	sld [smem:$0x7F3]  }
0xc1: {  	[tilespmem:s7], [sflag:$0x1] =	stream.linear.gather [spmem:s5], $0x80, $0x38;
	[tilespmem:$0xA200] =	vst v63  }
0xc2: {  	s4 =	simm.s32 $0x9380;
	s5 =	sld [smem:$0x7F4]  }
0xc3: {  	[tilespmem:s4], [sflag:$0x1] =	stream.linear.gather [spmem:s3], $0x80, $0x38;
	[tilespmem:$0xA200] =	vst v63  }
0xc4: {  	s7 =	simm.s32 $0x9780;
	s3 =	sld [smem:$0x7F5]  }
0xc5: {  	[tilespmem:s7], [sflag:$0x1] =	stream.linear.gather [spmem:s5], $0x80, $0x38;
	[tilespmem:$0xA200] =	vst v63  }
0xc6: {  	s4 =	simm.s32 $0x9B80  }
0xc7: {  	[tilespmem:s4], [sflag:$0x1] =	stream.linear.gather [spmem:s3], $0x80, $0x38;
	[tilespmem:$0xA200] =	vst v63  }
0xc8: {  	_ =	swait.ge [sflag:s31], $0x280  }
0xc9: {  	[sflag:s31] =	ssyncset.done $0x0;
	s5 =	rddreg [dreg:$0xe]  }
0xca: {  	s7 =	simm.s32 $0x8C00;
	s3 =	sld [smem:$0x7F6];
	[sflag:s31] =	ssyncadd.s32 $0xFFFFFD80  }
0xcb: {  	[tilespmem:s7], [sflag:$0x1] =	stream.linear.gather [spmem:s5], $0x80, $0x38;
	[tilespmem:$0xA200] =	vst v63  }
0xcc: {  	s4 =	simm.s32 $0x9000;
	s5 =	sld [smem:$0x7F7]  }
0xcd: {  	[tilespmem:s4], [sflag:$0x1] =	stream.linear.gather [spmem:s3], $0x80, $0x38;
	[tilespmem:$0xA200] =	vst v63  }
0xce: {  	s7 =	simm.s32 $0x9400;
	s3 =	sld [smem:$0x7F8]  }
0xcf: {  	[tilespmem:s7], [sflag:$0x1] =	stream.linear.gather [spmem:s5], $0x80, $0x38;
	[tilespmem:$0xA200] =	vst v63  }
0xd0: {  	s4 =	simm.s32 $0x9800;
	s5 =	sld [smem:$0x7F9]  }
0xd1: {  	[tilespmem:s4], [sflag:$0x1] =	stream.linear.gather [spmem:s3], $0x80, $0x38;
	[tilespmem:$0xA200] =	vst v63  }
0xd2: {  	s7 =	simm.s32 $0x9C00  }
0xd3: {  	[tilespmem:s7], [sflag:$0x1] =	stream.linear.gather [spmem:s5], $0x80, $0x38;
	[tilespmem:$0xA200] =	vst v63  }
0xd4: {  	_ =	swait.ge [sflag:s31], $0x280  }
0xd5: {  	[sflag:s31] =	ssyncset.done $0x0;
	s3 =	rddreg [dreg:$0xf]  }
0xd6: {  	s4 =	simm.s32 $0x8C80;
	s5 =	sld [smem:$0x7FA];
	[sflag:s31] =	ssyncadd.s32 $0xFFFFFD80  }
0xd7: {  	[tilespmem:s4], [sflag:$0x1] =	stream.linear.gather [spmem:s3], $0x80, $0x38;
	[tilespmem:$0xA200] =	vst v63  }
0xd8: {  	s7 =	simm.s32 $0x9080;
	s3 =	sld [smem:$0x7FB]  }
0xd9: {  	[tilespmem:s7], [sflag:$0x1] =	stream.linear.gather [spmem:s5], $0x80, $0x38;
	[tilespmem:$0xA200] =	vst v63  }
0xda: {  	s4 =	simm.s32 $0x9480;
	s5 =	sld [smem:$0x7FC]  }
0xdb: {  	[tilespmem:s4], [sflag:$0x1] =	stream.linear.gather [spmem:s3], $0x80, $0x38;
	[tilespmem:$0xA200] =	vst v63  }
0xdc: {  	s7 =	simm.s32 $0x9880;
	s3 =	sld [smem:$0x7FD]  }
0xdd: {  	[tilespmem:s7], [sflag:$0x1] =	stream.linear.gather [spmem:s5], $0x80, $0x38;
	[tilespmem:$0xA200] =	vst v63  }
0xde: {  	s4 =	simm.s32 $0x9C80  }
0xdf: {  	[tilespmem:s4], [sflag:$0x1] =	stream.linear.gather [spmem:s3], $0x80, $0x38;
	[tilespmem:$0xA200] =	vst v63  }
0xe0: {  	_ =	swait.ge [sflag:s31], $0x280  }
0xe1: {  	[sflag:s31] =	ssyncset.done $0x0  }
0xe2: {  	s7 =	simm.s32 $0x8D00;
	s5 =	rddreg [dreg:$0x10];
	[sflag:s31] =	ssyncadd.s32 $0xFFFFFD80  }
0xe3: {  	[tilespmem:s7], [sflag:$0x1] =	stream.linear.gather [spmem:s5], $0x80, $0x38;
	[tilespmem:$0xA200] =	vst v63  }
0xe4: {  	s3 =	simm.s32 $0x9100  }
0xe5: {  	[tilespmem:s3], [sflag:$0x1] =	stream.linear.gather [spmem:s8], $0x80, $0x38;
	[tilespmem:$0xA200] =	vst v63  }
0xe6: {  	s4 =	simm.s32 $0x9500  }
0xe7: {  	[tilespmem:s4], [sflag:$0x1] =	stream.linear.gather [spmem:s9], $0x80, $0x38;
	[tilespmem:$0xA200] =	vst v63  }
0xe8: {  	s5 =	simm.s32 $0x9900  }
0xe9: {  	[tilespmem:s5], [sflag:$0x1] =	stream.linear.gather [spmem:s10], $0x80, $0x38;
	[tilespmem:$0xA200] =	vst v63  }
0xea: {  	s7 =	simm.s32 $0x9D00  }
0xeb: {  	[tilespmem:s7], [sflag:$0x1] =	stream.linear.gather [spmem:s11], $0x80, $0x38;
	[tilespmem:$0xA200] =	vst v63  }
0xec: {  	_ =	swait.ge [sflag:s31], $0x280  }
0xed: {  	[sflag:s31] =	ssyncset.done $0x0  }
0xee: {  	s4 =	simm.s32 $0x8D80;
	s3 =	rddreg [dreg:$0x11];
	[sflag:s31] =	ssyncadd.s32 $0xFFFFFD80  }
0xef: {  	[tilespmem:s4], [sflag:$0x1] =	stream.linear.gather [spmem:s3], $0x80, $0x38;
	[tilespmem:$0xA200] =	vst v63  }
0xf0: {  	s5 =	simm.s32 $0x9180  }
0xf1: {  	[tilespmem:s5], [sflag:$0x1] =	stream.linear.gather [spmem:s12], $0x80, $0x38;
	[tilespmem:$0xA200] =	vst v63  }
0xf2: {  	s7 =	simm.s32 $0x9580  }
0xf3: {  	[tilespmem:s7], [sflag:$0x1] =	stream.linear.gather [spmem:s13], $0x80, $0x38;
	[tilespmem:$0xA200] =	vst v63  }
0xf4: {  	s3 =	simm.s32 $0x9980  }
0xf5: {  	[tilespmem:s3], [sflag:$0x1] =	stream.linear.gather [spmem:s14], $0x80, $0x38;
	[tilespmem:$0xA200] =	vst v63  }
0xf6: {  	s4 =	simm.s32 $0x9D80  }
0xf7: {  	[tilespmem:s4], [sflag:$0x1] =	stream.linear.gather [spmem:s15], $0x80, $0x38;
	[tilespmem:$0xA200] =	vst v63  }
0xf8: {  	_ =	swait.ge [sflag:s31], $0x280  }
0xf9: {  	[sflag:s31] =	ssyncset.done $0x0  }
0xfa: {  	s7 =	simm.s32 $0x8E00;
	s5 =	rddreg [dreg:$0x12];
	[sflag:s31] =	ssyncadd.s32 $0xFFFFFD80  }
0xfb: {  	[tilespmem:s7], [sflag:$0x1] =	stream.linear.gather [spmem:s5], $0x80, $0x38;
	[tilespmem:$0xA200] =	vst v63  }
0xfc: {  	s3 =	simm.s32 $0x9200  }
0xfd: {  	[tilespmem:s3], [sflag:$0x1] =	stream.linear.gather [spmem:s16], $0x80, $0x38;
	[tilespmem:$0xA200] =	vst v63  }
0xfe: {  	s4 =	simm.s32 $0x9600  }
0xff: {  	[tilespmem:s4], [sflag:$0x1] =	stream.linear.gather [spmem:s17], $0x80, $0x38;
	[tilespmem:$0xA200] =	vst v63  }
0x100: {  	s5 =	simm.s32 $0x9A00  }
0x101: {  	[tilespmem:s5], [sflag:$0x1] =	stream.linear.gather [spmem:s18], $0x80, $0x38;
	[tilespmem:$0xA200] =	vst v63  }
0x102: {  	s7 =	simm.s32 $0x9E00  }
0x103: {  	[tilespmem:s7], [sflag:$0x1] =	stream.linear.gather [spmem:s19], $0x80, $0x38;
	[tilespmem:$0xA200] =	vst v63  }
0x104: {  	_ =	swait.ge [sflag:s31], $0x280  }
0x105: {  	[sflag:s31] =	ssyncset.done $0x0  }
0x106: {  	s4 =	simm.s32 $0x8E80;
	s3 =	rddreg [dreg:$0x13];
	[sflag:s31] =	ssyncadd.s32 $0xFFFFFD80  }
0x107: {  	[tilespmem:s4], [sflag:$0x1] =	stream.linear.gather [spmem:s3], $0x80, $0x38;
	[tilespmem:$0xA200] =	vst v63  }
0x108: {  	s5 =	simm.s32 $0x9280  }
0x109: {  	[tilespmem:s5], [sflag:$0x1] =	stream.linear.gather [spmem:s20], $0x80, $0x38;
	[tilespmem:$0xA200] =	vst v63  }
0x10a: {  	s7 =	simm.s32 $0x9680  }
0x10b: {  	[tilespmem:s7], [sflag:$0x1] =	stream.linear.gather [spmem:s21], $0x80, $0x38;
	[tilespmem:$0xA200] =	vst v63  }
0x10c: {  	s3 =	simm.s32 $0x9A80  }
0x10d: {  	[tilespmem:s3], [sflag:$0x1] =	stream.linear.gather [spmem:s22], $0x80, $0x38;
	[tilespmem:$0xA200] =	vst v63  }
0x10e: {  	s4 =	simm.s32 $0x9E80  }
0x10f: {  	[tilespmem:s4], [sflag:$0x1] =	stream.linear.gather [spmem:s23], $0x80, $0x38;
	[tilespmem:$0xA200] =	vst v63  }
0x110: {  	_ =	swait.ge [sflag:s31], $0x280  }
0x111: {  	[sflag:s31] =	ssyncset.done $0x0  }
0x112: {  	s7 =	simm.s32 $0x8F00;
	s5 =	rddreg [dreg:$0x14];
	[sflag:s31] =	ssyncadd.s32 $0xFFFFFD80  }
0x113: {  	[tilespmem:s7], [sflag:$0x1] =	stream.linear.gather [spmem:s5], $0x80, $0x38;
	[tilespmem:$0xA200] =	vst v63  }
0x114: {  	s4 =	simm.s32 $0x9300  }
0x115: {  	[tilespmem:s4], [sflag:$0x1] =	stream.linear.gather [spmem:s24], $0x80, $0x38;
	[tilespmem:$0xA200] =	vst v63  }
0x116: {  	s5 =	simm.s32 $0x9700  }
0x117: {  	[tilespmem:s5], [sflag:$0x1] =	stream.linear.gather [spmem:s25], $0x80, $0x38;
	[tilespmem:$0xA200] =	vst v63  }
0x118: {  	s7 =	simm.s32 $0x9B00  }
0x119: {  	[tilespmem:s7], [sflag:$0x1] =	stream.linear.gather [spmem:s26], $0x80, $0x38;
	[tilespmem:$0xA200] =	vst v63  }
0x11a: {  	s3 =	simm.s32 $0x9F00  }
0x11b: {  	[tilespmem:s3], [sflag:$0x1] =	stream.linear.gather [spmem:s28], $0x80, $0x38;
	[tilespmem:$0xA200] =	vst v63  }
0x11c: {  	s4 =	simm.s32 $0x0;
	_ =	swait.ge [sflag:s31], $0x280  }
0x11d: {  	s2 =	sand.u32 $0x1C00, s4;
	s5 =	sand.u32 $0x70, s4;
	[sflag:s31] =	ssyncset.done $0x0  }
0x11e: {  	s2 =	sor.u32 s5, s2;
	[sflag:s31] =	ssyncadd.s32 $0xFFFFFD80  }
0x11f: {  	v1 =	vld [tilespmem:s2+$0x7800]  }
0x120: {  	v2 =	vld [tilespmem:s2+$0x7780];
	_ =	sdelay $0x1  }
0x121: {  	v3 =	vld [tilespmem:s2+$0x7880];
	_ =	sdelay $0x1  }
0x122: {  	v4 =	vld [tilespmem:s2+$0x7900]  }
0x123: {  	v1 =	vadd.f32 v1, v2  }
0x124: {  	v2 =	vld [tilespmem:s2+$0x7980]  }
0x125: {  	v1 =	vadd.f32 v3, v1  }
0x126: {  	v3 =	vld [tilespmem:s2+$0x7A00]  }
0x127: {  	v1 =	vadd.f32 v4, v1  }
0x128: {  	v60 =	vld [tilespmem:s2+$0x7A80]  }
0x129: {  	v1 =	vadd.f32 v2, v1  }
0x12a: {  	v2 =	vld [tilespmem:s2+$0x7B00]  }
0x12b: {  	v1 =	vadd.f32 v3, v1  }
0x12c: {  	v3 =	vld [tilespmem:s2+$0x8B80]  }
0x12d: {  	v1 =	vadd.f32 v60, v1  }
0x12e: {  	v61 =	vld [tilespmem:s2+$0x8C00]  }
0x12f: {  	v1 =	vadd.f32 v2, v1  }
0x130: {  	v2 =	vld [tilespmem:s2+$0x8C80]  }
0x131: {  	v1 =	vadd.f32 v3, v1  }
0x132: {  	v3 =	vld [tilespmem:s2+$0x8D00]  }
0x133: {  	v1 =	vadd.f32 v61, v1  }
0x134: {  	v62 =	vld [tilespmem:s2+$0x8D80]  }
0x135: {  	v1 =	vadd.f32 v2, v1  }
0x136: {  	v2 =	vld [tilespmem:s2+$0x8E00]  }
0x137: {  	v1 =	vadd.f32 v3, v1  }
0x138: {  	v3 =	vld [tilespmem:s2+$0x8E80]  }
0x139: {  	v1 =	vadd.f32 v62, v1  }
0x13a: {  	v63 =	vld [tilespmem:s2+$0x8F00]  }
0x13b: {  	v1 =	vadd.f32 v2, v1;
	_ =	sdelay $0x1  }
0x13c: {  	v1 =	vadd.f32 v3, v1;
	_ =	sdelay $0x1  }
0x13d: {  	s4 =	simm.s32 $0x80;
	s7 =	simm.s32 $0x10;
	v1 =	vadd.f32 v63, v1  }
0x13e: {  	s5 =	sand.u32 $0x1C00, s4;
	s3 =	sand.u32 $0x70, s7;
	s2 =	simm.s32 $0x9F80  }
0x13f: {  	s3 =	sor.u32 s3, s5;
	s5 =	simm.s32 $0x20;
	[tilespmem:s2+$0x0] =	vst v1  }
.LBB2_4:
0x140: {  	p0 =	sne.s32 s5, $0x270;
	v1 =	vld [tilespmem:s3+$0x7800]  }
0x141: {  	v2 =	vld [tilespmem:s3+$0x7780];
	_ =	sdelay $0x1  }
0x142: {  	v3 =	vld [tilespmem:s3+$0x7880];
	_ =	sdelay $0x1  }
0x143: {  	v4 =	vld [tilespmem:s3+$0x7900]  }
0x144: {  	v1 =	vadd.f32 v1, v2  }
0x145: {  	v2 =	vld [tilespmem:s3+$0x7980]  }
0x146: {  	v1 =	vadd.f32 v3, v1  }
0x147: {  	v3 =	vld [tilespmem:s3+$0x7A00]  }
0x148: {  	v1 =	vadd.f32 v4, v1  }
0x149: {  	v4 =	vld [tilespmem:s3+$0x7A80]  }
0x14a: {  	v1 =	vadd.f32 v2, v1  }
0x14b: {  	v2 =	vld [tilespmem:s3+$0x7B00]  }
0x14c: {  	v1 =	vadd.f32 v3, v1  }
0x14d: {  	v3 =	vld [tilespmem:s3+$0x8B80]  }
0x14e: {  	v1 =	vadd.f32 v4, v1  }
0x14f: {  	v4 =	vld [tilespmem:s3+$0x8C00]  }
0x150: {  	v1 =	vadd.f32 v2, v1  }
0x151: {  	v2 =	vld [tilespmem:s3+$0x8C80]  }
0x152: {  	v1 =	vadd.f32 v3, v1  }
0x153: {  	v3 =	vld [tilespmem:s3+$0x8D00]  }
0x154: {  	v1 =	vadd.f32 v4, v1  }
0x155: {  	v4 =	vld [tilespmem:s3+$0x8D80]  }
0x156: {  	v1 =	vadd.f32 v2, v1  }
0x157: {  	v2 =	vld [tilespmem:s3+$0x8E00]  }
0x158: {  	v1 =	vadd.f32 v3, v1  }
0x159: {  	v3 =	vld [tilespmem:s3+$0x8E80]  }
0x15a: {  	v1 =	vadd.f32 v4, v1  }
0x15b: {  	v4 =	vld [tilespmem:s3+$0x8F00]  }
0x15c: {  	v1 =	vadd.f32 v2, v1;
	_ =	sdelay $0x1  }
.Ltmp1:
0x15d: {  	v1 =	vadd.f32 v3, v1;
	(pc) =	sbr.rel @p0 .LBB2_4-.Ltmp1, $4  }
0x15e: {  	_ = 	snop  }
0x15f: {  	s4 =	sadd.s32 $0x80, s4;
	v1 =	vadd.f32 v4, v1  }
0x160: {  	s2 =	sadd.s32 $0x10, s2;
	s7 =	sand.u32 $0x1C00, s4;
	s3 =	sand.u32 $0x70, s5  }
0x161: {  	s5 =	sadd.s32 $0x10, s5;
	s3 =	sor.u32 s3, s7;
	[tilespmem:s2+$0x0] =	vst v1  }
0x162: {  	v1 =	vld [tilespmem:s3+$0x7800]  }
0x163: {  	v2 =	vld [tilespmem:s3+$0x7780];
	_ =	sdelay $0x1  }
0x164: {  	v3 =	vld [tilespmem:s3+$0x7880];
	_ =	sdelay $0x1  }
0x165: {  	v4 =	vld [tilespmem:s3+$0x7900]  }
0x166: {  	v1 =	vadd.f32 v1, v2  }
0x167: {  	v2 =	vld [tilespmem:s3+$0x7980]  }
0x168: {  	v1 =	vadd.f32 v3, v1  }
0x169: {  	v3 =	vld [tilespmem:s3+$0x7A00]  }
0x16a: {  	v1 =	vadd.f32 v4, v1  }
0x16b: {  	v60 =	vld [tilespmem:s3+$0x7A80]  }
0x16c: {  	v1 =	vadd.f32 v2, v1  }
0x16d: {  	v2 =	vld [tilespmem:s3+$0x7B00]  }
0x16e: {  	v1 =	vadd.f32 v3, v1  }
0x16f: {  	v3 =	vld [tilespmem:s3+$0x8B80]  }
0x170: {  	v1 =	vadd.f32 v60, v1  }
0x171: {  	v61 =	vld [tilespmem:s3+$0x8C00]  }
0x172: {  	v1 =	vadd.f32 v2, v1  }
0x173: {  	v2 =	vld [tilespmem:s3+$0x8C80]  }
0x174: {  	v1 =	vadd.f32 v3, v1  }
0x175: {  	v3 =	vld [tilespmem:s3+$0x8D00]  }
0x176: {  	v1 =	vadd.f32 v61, v1  }
0x177: {  	v62 =	vld [tilespmem:s3+$0x8D80]  }
0x178: {  	v1 =	vadd.f32 v2, v1  }
0x179: {  	v2 =	vld [tilespmem:s3+$0x8E00]  }
0x17a: {  	v1 =	vadd.f32 v3, v1  }
0x17b: {  	v3 =	vld [tilespmem:s3+$0x8E80]  }
0x17c: {  	v1 =	vadd.f32 v62, v1  }
0x17d: {  	v63 =	vld [tilespmem:s3+$0x8F00]  }
0x17e: {  	v1 =	vadd.f32 v2, v1;
	_ =	sdelay $0x1  }
0x17f: {  	v1 =	vadd.f32 v3, v1;
	_ =	sdelay $0x1  }
0x180: {  	v1 =	vadd.f32 v63, v1  }
0x181: {  	s2 =	sadd.s32 $0x10, s2  }
0x182: {  	s5 =	simm.s32 $0x100;
	s4 =	simm.s32 $0x9F80;
	s3 =	rddreg [dreg:$0x15];
	[tilespmem:s2+$0x0] =	vst v1  }
0x183: {  	[hbm4b:s3+s29] =	stream.strided.scatter [tilespmem:s4], [sflag:$0x1], $0x280, s5, s29, $0x38;
	[tilespmem:$0xA200] =	vst v63  }
0x184: {  	_ =	swait.ge [sflag:s31], $0x280  }
0x185: {  	s0 =	sadd.s32 $0x1, s0;
	s7 =	rddreg [dreg:$0x16]  }
0x186: {  	p0 =	sne.s32 s0, s7  }
.Ltmp2:
0x187: {  	_ = 	snop;
	(pc) =	sbr.rel @p0 .LBB2_1-.Ltmp2, $3  }
0x188: {  	_ =	sdelay $0x1  }
0x189: {  	[sflag:s31] =	ssyncset.done $0x0  }
0x18a: {  	[sflag:s31] =	ssyncadd.s32 $0xFFFFFD80  }
0x18b: {  	_ =	sfence.sel $0x180000  }
0x18c: {  	[bflag:$0x0] =	sbarrier.arrive $0xFFFF  }
0x18d: {  	_ =	strace $0x90000047  }
0x18e: {  	s0 =	stileid.u32;
	[bflag:$0x2] =	sbarrier.arrive $0xFFFF  }
0x18f: {  	p0 =	sne.s32 s0, $0x0;
	s0 =	rddreg [dreg:$0x2]  }
0x190: {  	s0 =	sadd.s32 @!p0 $0x100000, s0  }
0x191: {  	[sflag:s0] =	ssyncadd.tile.s32 @!p0 $0x1;
	_ =	shalt  }
.Lfunc_end2:
_tile_overlayer_lowered:
.L_overlay_start_2:
0x192: {  	(tag) =	ssettag $0x2  }
0x193: {  	s0 =	rddreg [dreg:$0x0];
	s2 =	stileid.u32  }
0x194: {  	s1 =	rddreg [dreg:$0x1];
	p0 =	sne.s32 s2, $0x0  }
0x195: {  	s3 =	rddreg [dreg:$0x2];
	[bflag:$0x3] =	sbarrier.arrive $0xFFFF;
	s2 =	simm.s32 @!p0 $0x1C01  }
0x196: {  	[timem:s3], [sflag:s2] =	dma.local @!p0 [hbm:s0], s1  }
0x197: {  	s0 =	simm.s32 @!p0 $0x1  }
0x198: {  	_ =	swait.ge @!p0 [sflag:s0], s1  }
0x199: {  	s1 =	ssub.s32 @!p0 $0x0, s1;
	[sflag:s0] =	ssyncset.done @!p0 $0x0  }
0x19a: {  	[sflag:s0] =	ssyncadd.s32 @!p0 s1  }
0x19b: {  	[bflag:$0x3] =	sbarrier.arrive $0xFFFF  }
0x19c: {  	_ =	shalt  }

// kernel: kernel.13.cloned.1.call-start
scs
__scs_entry_jumppad:
0x0: {  	(pc) =	sbr.rel $0x88, $3  }
0x1: {  	(tag) =	ssettag $0x0;
	lr =	simm.s32 $0x1  }
0x2: {  	[smem:$0x3F94] =	sst lr;
	_ =	strace $0xD0000000  }
0x3: {  	_ = 	snop  }
0x4: {  	_ = 	snop  }
0x5: {  	_ = 	snop  }
0x6: {  	_ = 	snop  }
0x7: {  	_ = 	snop  }
__scs_overlays_trampoline_lowered:
0x8: {  	[smem:$0x3FA3] =	sst s0  }
0x9: {  	[smem:$0x3FA4] =	sst s1  }
0xa: {  	[smem:$0x3FA5] =	sst s2  }
0xb: {  	[smem:$0x3FA6] =	sst s3  }
0xc: {  	[smem:$0x3FA7] =	sst s4  }
0xd: {  	[smem:$0x3FA8] =	sst s5  }
0xe: {  	[smem:$0x3FA9] =	sst s6  }
0xf: {  	[smem:$0x3FAA] =	sst s7  }
0x10: {  	[smem:$0x3FAB] =	sst s8  }
0x11: {  	[smem:$0x3FAC] =	sst s9;
	s0 =	simm.s32 @!p0 $0x0  }
0x12: {  	s1 =	sld [smem:$0x3F92];
	s0 =	simm.s32 @p0 $0x1  }
0x13: {  	[smem:$0x3FAD] =	sst s0;
	s0 =	simm.s32 @!p1 $0x0  }
0x14: {  	s2 =	sld [smem:$0x3F91];
	s0 =	simm.s32 @p1 $0x1  }
0x15: {  	[smem:$0x3FAE] =	sst s0;
	s0 =	simm.s32 @!p2 $0x0  }
0x16: {  	s3 =	sld [smem:$0x3FDB];
	s0 =	simm.s32 @p2 $0x1  }
0x17: {  	s4 =	simm.s32 $0x1BF5;
	[smem:$0x3FB0] =	sst s0  }
0x18: {  	s0 =	sld [smem:$0x3F93];
	_ =	swait.ge [sflag:s4], $0x0  }
0x19: {  	s7 =	sld [smem:$0x3F94]  }
0x1a: {  	s8 =	sadd.s32 $0xFFFFE003, lr  }
0x1b: {  	s9 =	sadd.s32 $0xFFFFFEF7, lr;
	s5 =	simm.s32 $0xFFFFFFFF;
	p2 =	slt.u32 s8, $0xFFFFF086  }
0x1c: {  	p1 =	slt.u32 s9, $0xF7A;
	s5 =	simm.s32 @!p2 $0x0  }
0x1d: {  	s5 =	simm.s32 @p1 $0x1;
	p0 =	seq.s32 s7, s2  }
0x1e: {  	s7 =	smul.u32 @!p0 $0xF7A, s2;
	p2 =	seq.s32 @!p0 s5, $0x0  }
0x1f: {  	s9 =	smul.u32 $0xF7A, s1;
	s8 =	simm.s32 @!p0 $0x1BF5;
	p2 =	por !p2, p0  }
0x20: {  	[sflag:s8] =	ssyncset.s32 @!p0 $0xFFFFF086;
	s6 =	sadd.s32 @!p0 s3, s7;
	s7 =	simm.s32 @!p0 $0x108  }
0x21: {  	s3 =	sadd.s32 s3, s9;
	s6 =	sadd.s32 @!p0 $0x88, s6;
	s7 =	simm.s32 @p2 $0x1082  }
0x22: {  	[simem:s7], [sflag:s8] =	dma.local @!p0 [hbm:s6], $0xF7A  }
0x23: {  	s9 =	sor.u32 $0xD0000000, s2;
	s6 =	simm.s32 $0x108;
	_ =	swait.ge @!p0 [sflag:s8], $0x0  }
0x24: {  	s3 =	sadd.s32 $0x88, s3;
	s6 =	simm.s32 @!p1 $0x1082;
	[sflag:s4] =	ssyncset.s32 $0xFFFFF086  }
0x25: {  	[simem:s6], [sflag:s4] =	dma.local [hbm:s3], $0xF7A  }
0x26: {  	[smem:$0x3F94] =	sst s1;
	(tag) =	ssettag s2;
	_ =	strace s9  }
0x27: {  	s1 =	sld [smem:$0x3FA4]  }
0x28: {  	s2 =	sld [smem:$0x3FA5]  }
0x29: {  	s4 =	sld [smem:$0x3FA7]  }
0x2a: {  	p0 =	seq.s32 s5, $0x0;
	s5 =	sld [smem:$0x3FA8]  }
0x2b: {  	s6 =	sld [smem:$0x3FA9]  }
0x2c: {  	s7 =	sld [smem:$0x3FAA]  }
0x2d: {  	s3 =	simm.s32 $0x108;
	s8 =	sld [smem:$0x3FAB]  }
0x2e: {  	s3 =	simm.s32 @!p0 $0x1082;
	s9 =	sld [smem:$0x3FAC]  }
0x2f: {  	lr =	sadd.s32 s0, s3;
	s0 =	sld [smem:$0x3FA3]  }
0x30: {  	s3 =	sld [smem:$0x3FA6]  }
0x31: {  	[smem:$0x3FAF] =	sst s10  }
0x32: {  	s10 =	sld [smem:$0x3FAD];
	_ =	sdelay $0x3  }
0x33: {  	p0 =	seq.s32 s10, $0x1;
	s10 =	sld [smem:$0x3FAF];
	_ =	sdelay $0x3  }
0x34: {  	[smem:$0x3FAF] =	sst s10  }
0x35: {  	s10 =	sld [smem:$0x3FAE];
	_ =	sdelay $0x3  }
0x36: {  	p1 =	seq.s32 s10, $0x1;
	s10 =	sld [smem:$0x3FAF];
	_ =	sdelay $0x3  }
0x37: {  	[smem:$0x3FAF] =	sst s10  }
0x38: {  	s10 =	sld [smem:$0x3FB0]  }
0x39: {  	_ = 	snop;
	(pc) =	sbr.ind lr, $3  }
0x3a: {  	_ = 	snop  }
0x3b: {  	_ = 	snop  }
0x3c: {  	p2 =	seq.s32 s10, $0x1;
	s10 =	sld [smem:$0x3FAF]  }
0x3d: {  	_ =	shalt  }
0x3e: {  	_ =	shalt  }
0x3f: {  	_ =	shalt  }
0x40: {  	_ =	shalt  }
0x41: {  	_ =	shalt  }
0x42: {  	_ =	shalt  }
0x43: {  	_ =	shalt  }
0x44: {  	_ =	shalt  }
0x45: {  	_ =	shalt  }
0x46: {  	_ =	shalt  }
0x47: {  	_ =	shalt  }
0x48: {  	_ =	shalt  }
0x49: {  	_ =	shalt  }
0x4a: {  	_ =	shalt  }
0x4b: {  	_ =	shalt  }
0x4c: {  	_ =	shalt  }
0x4d: {  	_ =	shalt  }
0x4e: {  	_ =	shalt  }
0x4f: {  	_ =	shalt  }
0x50: {  	_ =	shalt  }
0x51: {  	_ =	shalt  }
0x52: {  	_ =	shalt  }
0x53: {  	_ =	shalt  }
0x54: {  	_ =	shalt  }
0x55: {  	_ =	shalt  }
0x56: {  	_ =	shalt  }
0x57: {  	_ =	shalt  }
0x58: {  	_ =	shalt  }
0x59: {  	_ =	shalt  }
0x5a: {  	_ =	shalt  }
0x5b: {  	_ =	shalt  }
0x5c: {  	_ =	shalt  }
0x5d: {  	_ =	shalt  }
0x5e: {  	_ =	shalt  }
0x5f: {  	_ =	shalt  }
0x60: {  	_ =	shalt  }
0x61: {  	_ =	shalt  }
0x62: {  	_ =	shalt  }
0x63: {  	_ =	shalt  }
0x64: {  	_ =	shalt  }
0x65: {  	_ =	shalt  }
0x66: {  	_ =	shalt  }
0x67: {  	_ =	shalt  }
0x68: {  	_ =	shalt  }
0x69: {  	_ =	shalt  }
0x6a: {  	_ =	shalt  }
0x6b: {  	_ =	shalt  }
0x6c: {  	_ =	shalt  }
0x6d: {  	_ =	shalt  }
0x6e: {  	_ =	shalt  }
0x6f: {  	_ =	shalt  }
0x70: {  	_ =	shalt  }
0x71: {  	_ =	shalt  }
0x72: {  	_ =	shalt  }
0x73: {  	_ =	shalt  }
0x74: {  	_ =	shalt  }
0x75: {  	_ =	shalt  }
0x76: {  	_ =	shalt  }
0x77: {  	_ =	shalt  }
0x78: {  	_ =	shalt  }
0x79: {  	_ =	shalt  }
0x7a: {  	_ =	shalt  }
0x7b: {  	_ =	shalt  }
0x7c: {  	_ =	shalt  }
0x7d: {  	_ =	shalt  }
0x7e: {  	_ =	shalt  }
0x7f: {  	_ =	shalt  }
0x80: {  	_ =	shalt  }
0x81: {  	_ =	shalt  }
0x82: {  	_ =	shalt  }
0x83: {  	_ =	shalt  }
0x84: {  	_ =	shalt  }
0x85: {  	_ =	shalt  }
0x86: {  	_ =	shalt  }
0x87: {  	_ =	shalt  }
.Lfunc_end0:
.L_simem_size_0:
called_computation.1_lowered:
.L_overlay_start_0:
0x88: {  	s2 =	sld [smem:$0x3FD9]  }
0x89: {  	s3 =	sld [smem:$0x3FFE];
	_ =	sdelay $0x1  }
0x8a: {  	s1 =	srdreg.scid  }
0x8b: {  	s0 =	sand.u32 $0x1, s1  }
0x8c: {  	s17 =	sshll.u32 s0, $0xA;
	s2 =	sadd.s32 s3, s2  }
0x8d: {  	s2 =	sadd.s32 s2, s17  }
0x8e: {  	[smem:$0x3FBB] =	sst s2  }
0x8f: {  	_ = 	snop  }
0x90: {  	s18 =	sld [smem:$0x3FD0];
	(tm) =	ssettm $0x1  }
0x91: {  	s19 =	sld [smem:$0x3FFB];
	_ =	sdelay $0x3  }
0x92: {  	_ =	strace s19  }
0x93: {  	s2 =	sld [smem:$0x3FFC];
	_ =	sdelay $0x3  }
0x94: {  	_ =	strace s2  }
0x95: {  	s2 =	sld [smem:$0x3FFD];
	_ =	sdelay $0x3  }
0x96: {  	_ =	strace s2  }
0x97: {  	_ =	strace $0x8FFFFFFF  }
0x98: {  	s20 =	sld [smem:$0x3FDB];
	_ =	sdelay $0x1  }
0x99: {  	s4 =	simm.s32 $_scs_section_size  }
0x9a: {  	s5 =	simm.s32 $_size__tile_overlayer_lowered;
	s6 =	simm.s32 $_tile_overlayer_lowered  }
0x9b: {  	s7 =	simm.s32 $0x1BFF;
	s21 =	sshll.u32 s6, $0x1;
	s4 =	sadd.s32 s4, s20  }
0x9c: {  	s22 =	simm.s32 $0x0;
	s5 =	sshll.u32 s5, $0x1;
	s6 =	sadd.s32 s21, s4  }
0x9d: {  	[timem:s22], [sflag:s7] =	dma.local [hbm:s6], s5  }
0x9e: {  	_ =	swait.ge [sflag:s7], s5  }
0x9f: {  	s5 =	ssub.s32 $0x0, s5;
	[sflag:s7] =	ssyncset.done $0x0  }
0xa0: {  	[sflag:s7] =	ssyncadd.s32 s5;
	_ =	sdelay $0x1  }
0xa1: {  	s23 =	simm.s32 $0x1B8B  }
0xa2: {  	_ =	swait.ge [sflag:s23], $0x1  }
0xa3: {  	[sflag:s23] =	ssyncset.done $0x0  }
0xa4: {  	[sflag:s23] =	ssyncadd.s32 $0xFFFFFFFF  }
0xa5: {  	s5 =	sld [smem:$0x0]  }
0xa6: {  	s6 =	sand.u32 $0xFFFFFFFE, s1  }
0xa7: {  	p0 =	sne.s32 s1, s6  }
0xa8: {  	s6 =	sshll.u32 @p0 s6, $0xE  }
0xa9: {  	s6 =	sadd.s32 @p0 $0x11B8D, s6;
	s7 =	sshll.u32 @p0 s5, $0x11  }
0xaa: {  	s6 =	sor.u32 @p0 s7, s6  }
0xab: {  	[sflag:s6] =	ssyncadd.remote.s32 @p0 $0x1;
	_ =	sdelay $0x1  }
0xac: {  	s6 =	simm.s32 @p0 $0x1B8D  }
0xad: {  	_ =	swait.eq @p0 [sflag:s6], $0x1  }
0xae: {  	[sflag:s6] =	ssyncadd.s32 @p0 $0xFFFFFFFF  }
0xaf: {  	s7 =	sshll.u32 @!p0 s1, $0xE  }
0xb0: {  	s7 =	sor.u32 @!p0 $0x4000, s7;
	s6 =	simm.s32 @!p0 $0x1B8D  }
0xb1: {  	s5 =	sshll.u32 @!p0 s5, $0x11;
	s7 =	sadd.s32 @!p0 $0x11B8D, s7;
	_ =	swait.eq @!p0 [sflag:s6], $0x1  }
0xb2: {  	s5 =	sor.u32 @!p0 s5, s7;
	[sflag:s6] =	ssyncadd.s32 @!p0 $0xFFFFFFFF  }
0xb3: {  	s25 =	simm.s32 $0x1B8E;
	s24 =	sld [smem:$0x3FFE];
	[sflag:s5] =	ssyncadd.remote.s32 @!p0 $0x1  }
0xb4: {  	s26 =	simm.s32 $execute0_lowered;
	[smem:$0x3FD2] =	sst s25  }
0xb5: {  	s6 =	sshll.u32 s26, $0x1;
	_ =	strace $0x80000049;
	[dreg:$0x1] =	wrdreg $0xFFFFFFFF  }
0xb6: {  	s28 =	simm.s32 $_size_execute0_lowered;
	s4 =	sadd.s32 s4, s6;
	[dreg:$0x0] =	wrdreg $0x0  }
0xb7: {  	s6 =	sshll.u32 s28, $0x1;
	[dreg:$0x2] =	wrdreg s4  }
0xb8: {  	[dreg:$0x3] =	wrdreg s6  }
0xb9: {  	[dreg:$0x4] =	wrdreg $0xC0  }
0xba: {  	_ =	task [dreg:s22], $0x5FFFF  }
0xbb: {  	[dreg:$0x1] =	wrdreg $0xFFFFFFFF  }
0xbc: {  	[dreg:$0x0] =	wrdreg $0x60  }
0xbd: {  	[dreg:$0x2] =	wrdreg s24  }
0xbe: {  	[dreg:$0x3] =	wrdreg s18  }
0xbf: {  	[dreg:$0x4] =	wrdreg $0xA9000  }
0xc0: {  	[dreg:$0x5] =	wrdreg $0xA  }
0xc1: {  	_ =	task.clear_ibuf [dreg:s22], $0x6FFFF;
	_ =	strace $0x90000049  }
0xc2: {  	s29 =	simm.s32 $0xA;
	_ =	strace $0x8000004B  }
0xc3: {  	_ =	swait.ge [sflag:s29], $0x1  }
0xc4: {  	[sflag:s29] =	ssyncadd.s32 $0xFFFFFFFF  }
0xc5: {  	_ =	strace $0x9000004B  }
0xc6: {  	_ =	sfence  }
0xc7: {  	s30 =	sld [smem:$0x0];
	_ =	sdelay $0x2  }
0xc8: {  	s31 =	sshll.u32 s1, $0xD;
	s1 =	sshrl.u32 s1, $0x2  }
0xc9: {  	s4 =	sand.u32 $0x4000, s31;
	s1 =	sadd.s32 s1, s30  }
0xca: {  	s0 =	sor.u32 s4, s0;
	s1 =	sshll.u32 s1, $0x11  }
0xcb: {  	s0 =	sor.u32 s1, s0  }
0xcc: {  	s0 =	sadd.s32 $0x8F2B, s0  }
0xcd: {  	[sflag:s0] =	ssyncadd.remote.s32 $0x1  }
0xce: {  	_ =	sfence.sel $0xFFFF  }
0xcf: {  	[dreg:$0x0] =	wrdreg $0xFFFFFFFF;
	(pc) =	sbr.abs _section_cstart, $3  }
0xd0: {  	[dreg:$0x1] =	wrdreg $0xFFFFFFFF  }
0xd1: {  	_ =	task.clear_ibuf [dreg:s22], $0x2FFFF;
	_ =	strace $0x9FFFFFFF  }
0xd2: {  	(tm) =	ssettm $0x7FFFFFFF  }
0xd3: {  	_ =	shalt  }
tec
execute0_lowered:
.L_overlay_start_1:
0x0: {  	(tag) =	ssettag $0x1  }
0x1: {  	s7 =	rddreg [dreg:$0x0]  }
0x2: {  	s0 =	srdreg.scid;
	s2 =	rddreg [dreg:$0x1]  }
0x3: {  	s3 =	rddreg [dreg:$0x2];
	s4 =	simm.s32 $0x0;
	s15 =	simm.s32 $0x2800  }
0x4: {  	s18 =	simm.s32 $0x6900;
	s19 =	simm.s32 $0x2880;
	s20 =	simm.s32 $0x1  }
0x5: {  	s21 =	simm.s32 $0x3;
	s22 =	simm.s32 $0x2;
	s6 =	sand.u32 $0x1, s0  }
0x6: {  	s23 =	simm.s32 $0x4;
	s0 =	stileid.u32;
	s9 =	smul.u32 $0x140000, s6  }
0x7: {  	s24 =	simm.s32 $0x2780;
	s25 =	simm.s32 $0x0;
	s10 =	smul.u32 $0x14000, s0  }
0x8: {  	[smem:$0x7FF] =	sst s4;
	s12 =	sadd.s32 $0xE200, s7;
	s13 =	smul.u32 $0x50000, s0  }
0x9: {  	s5 =	sadd.s32 $0x22200, s7;
	s1 =	sshll.u32 s6, $0x4;
	s14 =	smul.u32 $0x5000, s6  }
0xa: {  	_ =	strace $0x8000004A;
	s28 =	ssub.s32 $0x2, s6;
	s30 =	smul.u32 $0x500, s0  }
0xb: {  	s16 =	sshll.u32 s0, $0x6;
	s1 =	sor.u32 s0, s1;
	s29 =	sshrl.u32 s28, $0x1  }
0xc: {  	s16 =	sor.u32 $0x1C05, s16;
	s8 =	smul.u32 $0x500, s1;
	s9 =	sadd.s32 s10, s9  }
0xd: {  	s10 =	ssub.s32 s28, s29;
	s31 =	sshrl.u32 s13, $0x2;
	s13 =	simm.s32 $0x7D  }
0xe: {  	s9 =	sshrl.u32 s9, $0x3;
	s17 =	sadd.s32 s31, s3;
	s11 =	sadd.s32 s8, s7  }
0xf: {  	s9 =	sadd.s32 s9, s7;
	s7 =	sadd.s32 s12, s8;
	s12 =	sadd.s32 s14, s12  }
0x10: {  	s14 =	simm.s32 $0x2900;
	s17 =	sshrl.u32 s17, $0x3;
	s6 =	sadd.s32 $0x18200, s11  }
0x11: {  	s8 =	sadd.s32 $0x24A00, s9;
	s11 =	sadd.s32 s30, s12;
	s9 =	smax.u32 s10, $0x1  }
0x12: {  	s10 =	sadd.s32 $0x4F0, s7;
	s12 =	simm.s32 $0x5;
	s11 =	sadd.s32 $0x20, s11  }
.LBB2_1:
0x13: {  	[tilespmem:s4], [sflag:$0x5] =	stream.linear.gather [hbm4b:s6+s4], $0x2800, $0x38;
	[tilespmem:$0x1E900] =	vst v63  }
0x14: {  	_ =	swait.ge [sflag:s12], $0x2800  }
0x15: {  	[sflag:s12] =	ssyncset.done $0x0  }
0x16: {  	[sflag:s12] =	ssyncadd.s32 $0xFFFFD800  }
0x17: {  	[tilespmem:s14], [sflag:$0x1] =	stream.indirect.gather [hbm4b:s2+s13], $0x80, s4, s13, $0xb8;
	[tilespmem:$0x1E900] =	vst v63  }
0x18: {  	_ = 	snop  }
0x19: {  	[tilespmem:s15], [sflag:$0x3] =	stream.linear.gather [hbm4b:s7+s4], $0x80, $0x38;
	[tilespmem:$0x1E900] =	vst v63  }
0x1a: {  	[spmem:s17], [sflag:s16] =	dma.local [hbm:s5], $0x2800  }
0x1b: {  	_ =	swait.ge [sflag:s12], $0x2800  }
0x1c: {  	[sflag:s12] =	ssyncset.done $0x0  }
0x1d: {  	[sflag:s12] =	ssyncadd.s32 $0xFFFFD800  }
0x1e: {  	s26 =	simm.s32 $0x80;
	[bflag:$0x0] =	sbarrier.arrive $0xFFFF  }
0x1f: {  	[tilespmem:s18], [sflag:$0x2] =	stream.indirect.gather [hbm4b:s2+s13], $0x80, s26, s13, $0xb8;
	[tilespmem:$0x1E900] =	vst v63  }
0x20: {  	s30 =	sadd.s32 $0xFFFFFFF0, s11  }
0x21: {  	[tilespmem:s19], [sflag:$0x4] =	stream.linear.gather [hbm4b:s30+s4], $0x80, $0x38;
	[tilespmem:$0x1E900] =	vst v63  }
0x22: {  	_ =	swait.ge [sflag:s20], $0x3E80  }
0x23: {  	[sflag:s20] =	ssyncset.done $0x0  }
0x24: {  	[sflag:s20] =	ssyncadd.s32 $0xFFFFC180  }
0x25: {  	_ =	swait.ge [sflag:s21], $0x80  }
0x26: {  	[sflag:s21] =	ssyncset.done $0x0  }
0x27: {  	[sflag:s21] =	ssyncadd.s32 $0xFFFFFF80  }
0x28: {  	[spmem:s3] =	stream.indirect.scatter.add.f32 [tilespmem:s14], [sflag:$0x5], $0x80, s15, s13, $0xb8;
	[tilespmem:$0x1E900] =	vst v63  }
0x29: {  	_ =	swait.ge [sflag:s12], $0x3E80  }
0x2a: {  	[sflag:s12] =	ssyncset.done $0x0  }
0x2b: {  	s31 =	simm.s32 $0x100;
	[sflag:s12] =	ssyncadd.s32 $0xFFFFC180  }
0x2c: {  	[tilespmem:s14], [sflag:$0x1] =	stream.indirect.gather [hbm4b:s2+s13], $0x80, s31, s13, $0xb8;
	[tilespmem:$0x1E900] =	vst v63  }
0x2d: {  	_ = 	snop  }
0x2e: {  	[tilespmem:s15], [sflag:$0x3] =	stream.linear.gather [hbm4b:s11+s4], $0x80, $0x38;
	[tilespmem:$0x1E900] =	vst v63  }
0x2f: {  	_ =	swait.ge [sflag:s22], $0x3E80  }
0x30: {  	[sflag:s22] =	ssyncset.done $0x0  }
0x31: {  	[sflag:s22] =	ssyncadd.s32 $0xFFFFC180  }
0x32: {  	_ =	swait.ge [sflag:s23], $0x80  }
0x33: {  	[sflag:s23] =	ssyncset.done $0x0  }
0x34: {  	[sflag:s23] =	ssyncadd.s32 $0xFFFFFF80  }
0x35: {  	[spmem:s3] =	stream.indirect.scatter.add.f32 [tilespmem:s18], [sflag:$0x5], $0x80, s19, s13, $0xb8;
	[tilespmem:$0x1E900] =	vst v63  }
0x36: {  	s29 =	simm.s32 $0x800;
	_ =	swait.ge [sflag:s12], $0x3E80  }
0x37: {  	s28 =	simm.s32 $0x100;
	s26 =	sadd.s32 $0x20, s11;
	[sflag:s12] =	ssyncset.done $0x0  }
.LBB2_2:
0x38: {  	s30 =	sadd.s32 $0x80, s28  }
0x39: {  	[sflag:s12] =	ssyncadd.s32 $0xFFFFC180;
	s31 =	smov.u32 s29;
	s1 =	sadd.s32 $0x400, s29  }
0x3a: {  	[tilespmem:s18], [sflag:$0x2] =	stream.indirect.gather [hbm4b:s2+s13], $0x80, s30, s13, $0xb8;
	[tilespmem:$0x1E900] =	vst v63  }
0x3b: {  	p0 =	sne.s32 s29, $0x9800;
	s29 =	sadd.s32 $0xFFFFFFF0, s26  }
0x3c: {  	[tilespmem:s19], [sflag:$0x4] =	stream.linear.gather [hbm4b:s29+s4], $0x80, $0x38;
	[tilespmem:$0x1E900] =	vst v63  }
0x3d: {  	_ =	swait.ge [sflag:s20], $0x3E80  }
0x3e: {  	[sflag:s20] =	ssyncset.done $0x0  }
0x3f: {  	[sflag:s20] =	ssyncadd.s32 $0xFFFFC180  }
0x40: {  	_ =	swait.ge [sflag:s21], $0x80  }
0x41: {  	[sflag:s21] =	ssyncset.done $0x0  }
0x42: {  	[sflag:s21] =	ssyncadd.s32 $0xFFFFFF80  }
0x43: {  	[spmem:s3] =	stream.indirect.scatter.add.f32 [tilespmem:s14], [sflag:$0x5], $0x80, s15, s13, $0xb8;
	[tilespmem:$0x1E900] =	vst v63  }
0x44: {  	_ =	swait.ge [sflag:s12], $0x3E80  }
0x45: {  	[sflag:s12] =	ssyncset.done $0x0  }
0x46: {  	s28 =	sadd.s32 $0x100, s28;
	[sflag:s12] =	ssyncadd.s32 $0xFFFFC180  }
0x47: {  	[tilespmem:s14], [sflag:$0x1] =	stream.indirect.gather [hbm4b:s2+s13], $0x80, s28, s13, $0xb8;
	[tilespmem:$0x1E900] =	vst v63  }
0x48: {  	_ = 	snop  }
0x49: {  	[tilespmem:s15], [sflag:$0x3] =	stream.linear.gather [hbm4b:s26+s4], $0x80, $0x38;
	[tilespmem:$0x1E900] =	vst v63  }
0x4a: {  	_ =	swait.ge [sflag:s22], $0x3E80  }
0x4b: {  	[sflag:s22] =	ssyncset.done $0x0  }
0x4c: {  	[sflag:s22] =	ssyncadd.s32 $0xFFFFC180  }
0x4d: {  	_ =	swait.ge [sflag:s23], $0x80  }
.Ltmp0:
0x4e: {  	[sflag:s23] =	ssyncset.done $0x0;
	(pc) =	sbr.rel @p0 .LBB2_2-.Ltmp0, $4  }
0x4f: {  	[sflag:s23] =	ssyncadd.s32 $0xFFFFFF80  }
0x50: {  	[spmem:s3] =	stream.indirect.scatter.add.f32 [tilespmem:s18], [sflag:$0x5], $0x80, s19, s13, $0xb8;
	[tilespmem:$0x1E900] =	vst v63  }
0x51: {  	s29 =	smov.u32 s1;
	_ =	swait.ge [sflag:s12], $0x3E80  }
0x52: {  	s28 =	sshra.s32 s31, $0x2;
	s26 =	sadd.s32 $0x20, s26;
	[sflag:s12] =	ssyncset.done $0x0  }
0x53: {  	s1 =	sadd.s32 $0x80, s28;
	[sflag:s12] =	ssyncadd.s32 $0xFFFFC180  }
0x54: {  	[tilespmem:s18], [sflag:$0x2] =	stream.indirect.gather [hbm4b:s2+s13], $0x80, s1, s13, $0xb8;
	[tilespmem:$0x1E900] =	vst v63  }
0x55: {  	s30 =	sadd.s32 $0xFFFFFFF0, s26  }
0x56: {  	[tilespmem:s19], [sflag:$0x4] =	stream.linear.gather [hbm4b:s30+s4], $0x80, $0x38;
	[tilespmem:$0x1E900] =	vst v63  }
0x57: {  	_ =	swait.ge [sflag:s20], $0x3E80  }
0x58: {  	[sflag:s20] =	ssyncset.done $0x0  }
0x59: {  	[sflag:s20] =	ssyncadd.s32 $0xFFFFC180  }
0x5a: {  	_ =	swait.ge [sflag:s21], $0x80  }
0x5b: {  	[sflag:s21] =	ssyncset.done $0x0  }
0x5c: {  	[sflag:s21] =	ssyncadd.s32 $0xFFFFFF80  }
0x5d: {  	[spmem:s3] =	stream.indirect.scatter.add.f32 [tilespmem:s14], [sflag:$0x5], $0x80, s15, s13, $0xb8;
	[tilespmem:$0x1E900] =	vst v63  }
0x5e: {  	_ =	swait.ge [sflag:s12], $0x3E80  }
0x5f: {  	[sflag:s12] =	ssyncset.done $0x0  }
0x60: {  	s31 =	sadd.s32 $0x100, s28;
	[sflag:s12] =	ssyncadd.s32 $0xFFFFC180  }
0x61: {  	[tilespmem:s14], [sflag:$0x1] =	stream.indirect.gather [hbm4b:s2+s13], $0x80, s31, s13, $0xb8;
	[tilespmem:$0x1E900] =	vst v63  }
0x62: {  	_ = 	snop  }
0x63: {  	[tilespmem:s15], [sflag:$0x3] =	stream.linear.gather [hbm4b:s26+s4], $0x80, $0x38;
	[tilespmem:$0x1E900] =	vst v63  }
0x64: {  	_ =	swait.ge [sflag:s22], $0x3E80  }
0x65: {  	[sflag:s22] =	ssyncset.done $0x0  }
0x66: {  	[sflag:s22] =	ssyncadd.s32 $0xFFFFC180  }
0x67: {  	_ =	swait.ge [sflag:s23], $0x80  }
0x68: {  	[sflag:s23] =	ssyncset.done $0x0  }
0x69: {  	[sflag:s23] =	ssyncadd.s32 $0xFFFFFF80  }
0x6a: {  	[spmem:s3] =	stream.indirect.scatter.add.f32 [tilespmem:s18], [sflag:$0x5], $0x80, s19, s13, $0xb8;
	[tilespmem:$0x1E900] =	vst v63  }
0x6b: {  	_ =	swait.ge [sflag:s12], $0x3E80  }
0x6c: {  	[sflag:s12] =	ssyncset.done $0x0  }
0x6d: {  	[sflag:s12] =	ssyncadd.s32 $0xFFFFC180  }
0x6e: {  	[tilespmem:s18], [sflag:$0x2] =	stream.indirect.gather [hbm4b:s2+s13], $0x80, s24, s13, $0xb8;
	[tilespmem:$0x1E900] =	vst v63  }
0x6f: {  	_ = 	snop  }
0x70: {  	[tilespmem:s19], [sflag:$0x4] =	stream.linear.gather [hbm4b:s10+s4], $0x80, $0x38;
	[tilespmem:$0x1E900] =	vst v63  }
0x71: {  	_ =	swait.ge [sflag:s20], $0x3E80  }
0x72: {  	[sflag:s20] =	ssyncset.done $0x0  }
0x73: {  	[sflag:s20] =	ssyncadd.s32 $0xFFFFC180  }
0x74: {  	_ =	swait.ge [sflag:s21], $0x80  }
0x75: {  	[sflag:s21] =	ssyncset.done $0x0  }
0x76: {  	[sflag:s21] =	ssyncadd.s32 $0xFFFFFF80  }
0x77: {  	[spmem:s3] =	stream.indirect.scatter.add.f32 [tilespmem:s14], [sflag:$0x5], $0x80, s15, s13, $0xb8;
	[tilespmem:$0x1E900] =	vst v63  }
0x78: {  	_ =	swait.ge [sflag:s12], $0x3E80  }
0x79: {  	[sflag:s12] =	ssyncset.done $0x0  }
0x7a: {  	[sflag:s12] =	ssyncadd.s32 $0xFFFFC180  }
0x7b: {  	_ =	swait.ge [sflag:s22], $0x3E80  }
0x7c: {  	[sflag:s22] =	ssyncset.done $0x0  }
0x7d: {  	[sflag:s22] =	ssyncadd.s32 $0xFFFFC180  }
0x7e: {  	_ =	swait.ge [sflag:s23], $0x80  }
0x7f: {  	[sflag:s23] =	ssyncset.done $0x0  }
0x80: {  	[sflag:s23] =	ssyncadd.s32 $0xFFFFFF80  }
0x81: {  	[spmem:s3] =	stream.indirect.scatter.add.f32 [tilespmem:s18], [sflag:$0x5], $0x80, s19, s13, $0xb8;
	[tilespmem:$0x1E900] =	vst v63  }
0x82: {  	_ =	swait.ge [sflag:s12], $0x3E80  }
0x83: {  	s25 =	sadd.s32 $0x1, s25;
	[sflag:s12] =	ssyncset.done $0x0  }
0x84: {  	p0 =	sne.s32 s25, s9;
	[sflag:s12] =	ssyncadd.s32 $0xFFFFC180  }
.Ltmp1:
0x85: {  	[bflag:$0x0] =	sbarrier.arrive $0xFFFF;
	(pc) =	sbr.rel @p0 .LBB2_1-.Ltmp1, $4  }
0x86: {  	[hbm:s8], [sflag:s16] =	dma.local [spmem:s17], $0x2800  }
0x87: {  	_ =	swait.ge [sflag:s12], $0x2800  }
0x88: {  	[sflag:s12] =	ssyncset.done $0x0  }
0x89: {  	[sflag:s12] =	ssyncadd.s32 $0xFFFFD800  }
0x8a: {  	_ =	sfence.sel $0x180000  }
0x8b: {  	[bflag:$0x0] =	sbarrier.arrive $0xFFFF  }
0x8c: {  	_ =	strace $0x9000004A  }
0x8d: {  	[bflag:$0x2] =	sbarrier.arrive $0xFFFF  }
0x8e: {  	p0 =	sne.s32 s0, $0x0;
	s0 =	rddreg [dreg:$0x3]  }
0x8f: {  	s0 =	sadd.s32 @!p0 $0x100000, s0  }
0x90: {  	[sflag:s0] =	ssyncadd.tile.s32 @!p0 $0x1;
	_ =	shalt  }
.Lfunc_end2:
_tile_overlayer_lowered:
.L_overlay_start_2:
0x91: {  	(tag) =	ssettag $0x2  }
0x92: {  	s0 =	rddreg [dreg:$0x0];
	s2 =	stileid.u32  }
0x93: {  	s1 =	rddreg [dreg:$0x1];
	p0 =	sne.s32 s2, $0x0  }
0x94: {  	s3 =	rddreg [dreg:$0x2];
	[bflag:$0x3] =	sbarrier.arrive $0xFFFF;
	s2 =	simm.s32 @!p0 $0x1C05  }
0x95: {  	[timem:s3], [sflag:s2] =	dma.local @!p0 [hbm:s0], s1  }
0x96: {  	s0 =	simm.s32 @!p0 $0x5  }
0x97: {  	_ =	swait.ge @!p0 [sflag:s0], s1  }
0x98: {  	s1 =	ssub.s32 @!p0 $0x0, s1;
	[sflag:s0] =	ssyncset.done @!p0 $0x0  }
0x99: {  	[sflag:s0] =	ssyncadd.s32 @!p0 s1  }
0x9a: {  	[bflag:$0x3] =	sbarrier.arrive $0xFFFF  }
0x9b: {  	_ =	shalt  }

// kernel: kernel.16.cloned.1.call-start
scs
__scs_entry_jumppad:
0x0: {  	(pc) =	sbr.rel $0x88, $3  }
0x1: {  	(tag) =	ssettag $0x0;
	lr =	simm.s32 $0x1  }
0x2: {  	[smem:$0x3F94] =	sst lr;
	_ =	strace $0xD0000000  }
0x3: {  	_ = 	snop  }
0x4: {  	_ = 	snop  }
0x5: {  	_ = 	snop  }
0x6: {  	_ = 	snop  }
0x7: {  	_ = 	snop  }
__scs_overlays_trampoline_lowered:
0x8: {  	[smem:$0x3FA3] =	sst s0  }
0x9: {  	[smem:$0x3FA4] =	sst s1  }
0xa: {  	[smem:$0x3FA5] =	sst s2  }
0xb: {  	[smem:$0x3FA6] =	sst s3  }
0xc: {  	[smem:$0x3FA7] =	sst s4  }
0xd: {  	[smem:$0x3FA8] =	sst s5  }
0xe: {  	[smem:$0x3FA9] =	sst s6  }
0xf: {  	[smem:$0x3FAA] =	sst s7  }
0x10: {  	[smem:$0x3FAB] =	sst s8  }
0x11: {  	[smem:$0x3FAC] =	sst s9;
	s0 =	simm.s32 @!p0 $0x0  }
0x12: {  	s1 =	sld [smem:$0x3F92];
	s0 =	simm.s32 @p0 $0x1  }
0x13: {  	[smem:$0x3FAD] =	sst s0;
	s0 =	simm.s32 @!p1 $0x0  }
0x14: {  	s2 =	sld [smem:$0x3F91];
	s0 =	simm.s32 @p1 $0x1  }
0x15: {  	[smem:$0x3FAE] =	sst s0;
	s0 =	simm.s32 @!p2 $0x0  }
0x16: {  	s3 =	sld [smem:$0x3FDB];
	s0 =	simm.s32 @p2 $0x1  }
0x17: {  	s4 =	simm.s32 $0x1BF5;
	[smem:$0x3FB0] =	sst s0  }
0x18: {  	s0 =	sld [smem:$0x3F93];
	_ =	swait.ge [sflag:s4], $0x0  }
0x19: {  	s7 =	sld [smem:$0x3F94]  }
0x1a: {  	s8 =	sadd.s32 $0xFFFFE003, lr  }
0x1b: {  	s9 =	sadd.s32 $0xFFFFFEF7, lr;
	s5 =	simm.s32 $0xFFFFFFFF;
	p2 =	slt.u32 s8, $0xFFFFF086  }
0x1c: {  	p1 =	slt.u32 s9, $0xF7A;
	s5 =	simm.s32 @!p2 $0x0  }
0x1d: {  	s5 =	simm.s32 @p1 $0x1;
	p0 =	seq.s32 s7, s2  }
0x1e: {  	s7 =	smul.u32 @!p0 $0xF7A, s2;
	p2 =	seq.s32 @!p0 s5, $0x0  }
0x1f: {  	s9 =	smul.u32 $0xF7A, s1;
	s8 =	simm.s32 @!p0 $0x1BF5;
	p2 =	por !p2, p0  }
0x20: {  	[sflag:s8] =	ssyncset.s32 @!p0 $0xFFFFF086;
	s6 =	sadd.s32 @!p0 s3, s7;
	s7 =	simm.s32 @!p0 $0x108  }
0x21: {  	s3 =	sadd.s32 s3, s9;
	s6 =	sadd.s32 @!p0 $0x88, s6;
	s7 =	simm.s32 @p2 $0x1082  }
0x22: {  	[simem:s7], [sflag:s8] =	dma.local @!p0 [hbm:s6], $0xF7A  }
0x23: {  	s9 =	sor.u32 $0xD0000000, s2;
	s6 =	simm.s32 $0x108;
	_ =	swait.ge @!p0 [sflag:s8], $0x0  }
0x24: {  	s3 =	sadd.s32 $0x88, s3;
	s6 =	simm.s32 @!p1 $0x1082;
	[sflag:s4] =	ssyncset.s32 $0xFFFFF086  }
0x25: {  	[simem:s6], [sflag:s4] =	dma.local [hbm:s3], $0xF7A  }
0x26: {  	[smem:$0x3F94] =	sst s1;
	(tag) =	ssettag s2;
	_ =	strace s9  }
0x27: {  	s1 =	sld [smem:$0x3FA4]  }
0x28: {  	s2 =	sld [smem:$0x3FA5]  }
0x29: {  	s4 =	sld [smem:$0x3FA7]  }
0x2a: {  	p0 =	seq.s32 s5, $0x0;
	s5 =	sld [smem:$0x3FA8]  }
0x2b: {  	s6 =	sld [smem:$0x3FA9]  }
0x2c: {  	s7 =	sld [smem:$0x3FAA]  }
0x2d: {  	s3 =	simm.s32 $0x108;
	s8 =	sld [smem:$0x3FAB]  }
0x2e: {  	s3 =	simm.s32 @!p0 $0x1082;
	s9 =	sld [smem:$0x3FAC]  }
0x2f: {  	lr =	sadd.s32 s0, s3;
	s0 =	sld [smem:$0x3FA3]  }
0x30: {  	s3 =	sld [smem:$0x3FA6]  }
0x31: {  	[smem:$0x3FAF] =	sst s10  }
0x32: {  	s10 =	sld [smem:$0x3FAD];
	_ =	sdelay $0x3  }
0x33: {  	p0 =	seq.s32 s10, $0x1;
	s10 =	sld [smem:$0x3FAF];
	_ =	sdelay $0x3  }
0x34: {  	[smem:$0x3FAF] =	sst s10  }
0x35: {  	s10 =	sld [smem:$0x3FAE];
	_ =	sdelay $0x3  }
0x36: {  	p1 =	seq.s32 s10, $0x1;
	s10 =	sld [smem:$0x3FAF];
	_ =	sdelay $0x3  }
0x37: {  	[smem:$0x3FAF] =	sst s10  }
0x38: {  	s10 =	sld [smem:$0x3FB0]  }
0x39: {  	_ = 	snop;
	(pc) =	sbr.ind lr, $3  }
0x3a: {  	_ = 	snop  }
0x3b: {  	_ = 	snop  }
0x3c: {  	p2 =	seq.s32 s10, $0x1;
	s10 =	sld [smem:$0x3FAF]  }
0x3d: {  	_ =	shalt  }
0x3e: {  	_ =	shalt  }
0x3f: {  	_ =	shalt  }
0x40: {  	_ =	shalt  }
0x41: {  	_ =	shalt  }
0x42: {  	_ =	shalt  }
0x43: {  	_ =	shalt  }
0x44: {  	_ =	shalt  }
0x45: {  	_ =	shalt  }
0x46: {  	_ =	shalt  }
0x47: {  	_ =	shalt  }
0x48: {  	_ =	shalt  }
0x49: {  	_ =	shalt  }
0x4a: {  	_ =	shalt  }
0x4b: {  	_ =	shalt  }
0x4c: {  	_ =	shalt  }
0x4d: {  	_ =	shalt  }
0x4e: {  	_ =	shalt  }
0x4f: {  	_ =	shalt  }
0x50: {  	_ =	shalt  }
0x51: {  	_ =	shalt  }
0x52: {  	_ =	shalt  }
0x53: {  	_ =	shalt  }
0x54: {  	_ =	shalt  }
0x55: {  	_ =	shalt  }
0x56: {  	_ =	shalt  }
0x57: {  	_ =	shalt  }
0x58: {  	_ =	shalt  }
0x59: {  	_ =	shalt  }
0x5a: {  	_ =	shalt  }
0x5b: {  	_ =	shalt  }
0x5c: {  	_ =	shalt  }
0x5d: {  	_ =	shalt  }
0x5e: {  	_ =	shalt  }
0x5f: {  	_ =	shalt  }
0x60: {  	_ =	shalt  }
0x61: {  	_ =	shalt  }
0x62: {  	_ =	shalt  }
0x63: {  	_ =	shalt  }
0x64: {  	_ =	shalt  }
0x65: {  	_ =	shalt  }
0x66: {  	_ =	shalt  }
0x67: {  	_ =	shalt  }
0x68: {  	_ =	shalt  }
0x69: {  	_ =	shalt  }
0x6a: {  	_ =	shalt  }
0x6b: {  	_ =	shalt  }
0x6c: {  	_ =	shalt  }
0x6d: {  	_ =	shalt  }
0x6e: {  	_ =	shalt  }
0x6f: {  	_ =	shalt  }
0x70: {  	_ =	shalt  }
0x71: {  	_ =	shalt  }
0x72: {  	_ =	shalt  }
0x73: {  	_ =	shalt  }
0x74: {  	_ =	shalt  }
0x75: {  	_ =	shalt  }
0x76: {  	_ =	shalt  }
0x77: {  	_ =	shalt  }
0x78: {  	_ =	shalt  }
0x79: {  	_ =	shalt  }
0x7a: {  	_ =	shalt  }
0x7b: {  	_ =	shalt  }
0x7c: {  	_ =	shalt  }
0x7d: {  	_ =	shalt  }
0x7e: {  	_ =	shalt  }
0x7f: {  	_ =	shalt  }
0x80: {  	_ =	shalt  }
0x81: {  	_ =	shalt  }
0x82: {  	_ =	shalt  }
0x83: {  	_ =	shalt  }
0x84: {  	_ =	shalt  }
0x85: {  	_ =	shalt  }
0x86: {  	_ =	shalt  }
0x87: {  	_ =	shalt  }
.Lfunc_end0:
.L_simem_size_0:
called_computation.2_lowered:
.L_overlay_start_0:
0x88: {  	s2 =	sld [smem:$0x3FD9]  }
0x89: {  	s3 =	sld [smem:$0x3FFE];
	_ =	sdelay $0x1  }
0x8a: {  	s1 =	srdreg.scid  }
0x8b: {  	s0 =	sand.u32 $0x1, s1  }
0x8c: {  	s17 =	sshll.u32 s0, $0xA;
	s2 =	sadd.s32 s3, s2  }
0x8d: {  	s2 =	sadd.s32 s2, s17  }
0x8e: {  	[smem:$0x3FBB] =	sst s2  }
0x8f: {  	_ = 	snop  }
0x90: {  	s2 =	sld [smem:$0x3FD0];
	(tm) =	ssettm $0x1  }
0x91: {  	s18 =	sld [smem:$0x3FFB];
	_ =	sdelay $0x3  }
0x92: {  	_ =	strace s18  }
0x93: {  	s3 =	sld [smem:$0x3FFC];
	_ =	sdelay $0x3  }
0x94: {  	_ =	strace s3  }
0x95: {  	s3 =	sld [smem:$0x3FFD];
	_ =	sdelay $0x3  }
0x96: {  	_ =	strace s3  }
0x97: {  	_ =	strace $0x8FFFFFFF  }
0x98: {  	s19 =	sld [smem:$0x3FDB];
	_ =	sdelay $0x1  }
0x99: {  	s4 =	simm.s32 $_scs_section_size  }
0x9a: {  	s5 =	simm.s32 $_size__tile_overlayer_lowered;
	s6 =	simm.s32 $_tile_overlayer_lowered  }
0x9b: {  	s22 =	simm.s32 $0x1BFF;
	s21 =	sshll.u32 s6, $0x1;
	s3 =	sadd.s32 s4, s19  }
0x9c: {  	s7 =	simm.s32 $0x0;
	s20 =	sshll.u32 s5, $0x1;
	s5 =	sadd.s32 s21, s3  }
0x9d: {  	[timem:s7], [sflag:s22] =	dma.local [hbm:s5], s20  }
0x9e: {  	_ =	swait.ge [sflag:s22], s20  }
0x9f: {  	s4 =	ssub.s32 $0x0, s20;
	[sflag:s22] =	ssyncset.done $0x0  }
0xa0: {  	[sflag:s22] =	ssyncadd.s32 s4;
	_ =	sdelay $0x1  }
0xa1: {  	s23 =	simm.s32 $0x1B8B  }
0xa2: {  	_ =	swait.ge [sflag:s23], $0x1  }
0xa3: {  	[sflag:s23] =	ssyncset.done $0x0  }
0xa4: {  	s25 =	simm.s32 $0x1B8E;
	s24 =	sld [smem:$0x3FFE];
	[sflag:s23] =	ssyncadd.s32 $0xFFFFFFFF  }
0xa5: {  	s26 =	simm.s32 $execute0_lowered;
	[smem:$0x3FD2] =	sst s25  }
0xa6: {  	s5 =	sshll.u32 s26, $0x1;
	_ =	strace $0x8000004C;
	[dreg:$0x1] =	wrdreg $0xFFFFFFFF  }
0xa7: {  	s28 =	simm.s32 $_size_execute0_lowered;
	s3 =	sadd.s32 s3, s5;
	[dreg:$0x0] =	wrdreg $0x0  }
0xa8: {  	s5 =	sshll.u32 s28, $0x1;
	[dreg:$0x2] =	wrdreg s3  }
0xa9: {  	[dreg:$0x3] =	wrdreg s5  }
0xaa: {  	[dreg:$0x4] =	wrdreg $0xC0  }
0xab: {  	_ =	task [dreg:s7], $0x5FFFF  }
0xac: {  	[dreg:$0x1] =	wrdreg $0xFFFFFFFF  }
0xad: {  	[dreg:$0x0] =	wrdreg $0x60  }
0xae: {  	[dreg:$0x2] =	wrdreg s24  }
0xaf: {  	[dreg:$0x3] =	wrdreg s2  }
0xb0: {  	[dreg:$0x4] =	wrdreg $0xA9000  }
0xb1: {  	[dreg:$0x5] =	wrdreg $0x9  }
0xb2: {  	_ =	task.clear_ibuf [dreg:s7], $0x6FFFF;
	_ =	strace $0x9000004C  }
0xb3: {  	s29 =	simm.s32 $0x9;
	_ =	strace $0x8000004E  }
0xb4: {  	_ =	swait.ge [sflag:s29], $0x1  }
0xb5: {  	[sflag:s29] =	ssyncadd.s32 $0xFFFFFFFF  }
0xb6: {  	_ =	strace $0x9000004E  }
0xb7: {  	_ =	sfence  }
0xb8: {  	s30 =	sld [smem:$0x0];
	_ =	sdelay $0x2  }
0xb9: {  	s31 =	sshll.u32 s1, $0xD;
	s1 =	sshrl.u32 s1, $0x2  }
0xba: {  	s3 =	sand.u32 $0x4000, s31;
	s1 =	sadd.s32 s1, s30  }
0xbb: {  	s0 =	sor.u32 s3, s0;
	s1 =	sshll.u32 s1, $0x11  }
0xbc: {  	s0 =	sor.u32 s1, s0  }
0xbd: {  	s0 =	sadd.s32 $0x8F2B, s0  }
0xbe: {  	[sflag:s0] =	ssyncadd.remote.s32 $0x1  }
0xbf: {  	_ =	sfence.sel $0xFFFF  }
0xc0: {  	[dreg:$0x0] =	wrdreg $0xFFFFFFFF;
	(pc) =	sbr.abs _section_cstart, $3  }
0xc1: {  	[dreg:$0x1] =	wrdreg $0xFFFFFFFF  }
0xc2: {  	_ =	task.clear_ibuf [dreg:s7], $0x2FFFF;
	_ =	strace $0x9FFFFFFF  }
0xc3: {  	(tm) =	ssettm $0x7FFFFFFF  }
tec
execute0_lowered:
.L_overlay_start_1:
0x0: {  	(tag) =	ssettag $0x1  }
0x1: {  	s7 =	rddreg [dreg:$0x0]  }
0x2: {  	s0 =	srdreg.scid;
	s2 =	rddreg [dreg:$0x1]  }
0x3: {  	s3 =	rddreg [dreg:$0x2];
	s4 =	simm.s32 $0x0;
	s15 =	simm.s32 $0x2800  }
0x4: {  	s18 =	simm.s32 $0x6900;
	s19 =	simm.s32 $0x2880;
	s20 =	simm.s32 $0x1  }
0x5: {  	s21 =	simm.s32 $0x3;
	s22 =	simm.s32 $0x2;
	s6 =	sand.u32 $0x1, s0  }
0x6: {  	s23 =	simm.s32 $0x4;
	s0 =	stileid.u32;
	s9 =	smul.u32 $0x140000, s6  }
0x7: {  	s24 =	simm.s32 $0x2780;
	s25 =	simm.s32 $0x0;
	s10 =	smul.u32 $0x14000, s0  }
0x8: {  	[smem:$0x7FF] =	sst s4;
	s12 =	sadd.s32 $0xE200, s7;
	s13 =	smul.u32 $0x50000, s0  }
0x9: {  	s5 =	sadd.s32 $0x22200, s7;
	s1 =	sshll.u32 s6, $0x4;
	s14 =	smul.u32 $0x5000, s6  }
0xa: {  	_ =	strace $0x8000004D;
	s28 =	ssub.s32 $0x2, s6;
	s30 =	smul.u32 $0x500, s0  }
0xb: {  	s16 =	sshll.u32 s0, $0x6;
	s1 =	sor.u32 s0, s1;
	s29 =	sshrl.u32 s28, $0x1  }
0xc: {  	s16 =	sor.u32 $0x1C05, s16;
	s8 =	smul.u32 $0x500, s1;
	s9 =	sadd.s32 s10, s9  }
0xd: {  	s10 =	ssub.s32 s28, s29;
	s31 =	sshrl.u32 s13, $0x2;
	s13 =	simm.s32 $0x7D  }
0xe: {  	s9 =	sshrl.u32 s9, $0x3;
	s17 =	sadd.s32 s31, s3;
	s11 =	sadd.s32 s8, s7  }
0xf: {  	s9 =	sadd.s32 s9, s7;
	s7 =	sadd.s32 s12, s8;
	s12 =	sadd.s32 s14, s12  }
0x10: {  	s14 =	simm.s32 $0x2900;
	s17 =	sshrl.u32 s17, $0x3;
	s6 =	sadd.s32 $0x18200, s11  }
0x11: {  	s8 =	sadd.s32 $0x24A00, s9;
	s11 =	sadd.s32 s30, s12;
	s9 =	smax.u32 s10, $0x1  }
0x12: {  	s10 =	sadd.s32 $0x4F0, s7;
	s12 =	simm.s32 $0x5;
	s11 =	sadd.s32 $0x20, s11  }
.LBB2_1:
0x13: {  	[tilespmem:s4], [sflag:$0x5] =	stream.linear.gather [hbm4b:s6+s4], $0x2800, $0x38;
	[tilespmem:$0x1E900] =	vst v63  }
0x14: {  	_ =	swait.ge [sflag:s12], $0x2800  }
0x15: {  	[sflag:s12] =	ssyncset.done $0x0  }
0x16: {  	[sflag:s12] =	ssyncadd.s32 $0xFFFFD800  }
0x17: {  	[tilespmem:s14], [sflag:$0x1] =	stream.indirect.gather [hbm4b:s2+s13], $0x80, s4, s13, $0xb8;
	[tilespmem:$0x1E900] =	vst v63  }
0x18: {  	_ = 	snop  }
0x19: {  	[tilespmem:s15], [sflag:$0x3] =	stream.linear.gather [hbm4b:s7+s4], $0x80, $0x38;
	[tilespmem:$0x1E900] =	vst v63  }
0x1a: {  	[spmem:s17], [sflag:s16] =	dma.local [hbm:s5], $0x2800  }
0x1b: {  	_ =	swait.ge [sflag:s12], $0x2800  }
0x1c: {  	[sflag:s12] =	ssyncset.done $0x0  }
0x1d: {  	[sflag:s12] =	ssyncadd.s32 $0xFFFFD800  }
0x1e: {  	s26 =	simm.s32 $0x80;
	[bflag:$0x0] =	sbarrier.arrive $0xFFFF  }
0x1f: {  	[tilespmem:s18], [sflag:$0x2] =	stream.indirect.gather [hbm4b:s2+s13], $0x80, s26, s13, $0xb8;
	[tilespmem:$0x1E900] =	vst v63  }
0x20: {  	s30 =	sadd.s32 $0xFFFFFFF0, s11  }
0x21: {  	[tilespmem:s19], [sflag:$0x4] =	stream.linear.gather [hbm4b:s30+s4], $0x80, $0x38;
	[tilespmem:$0x1E900] =	vst v63  }
0x22: {  	_ =	swait.ge [sflag:s20], $0x3E80  }
0x23: {  	[sflag:s20] =	ssyncset.done $0x0  }
0x24: {  	[sflag:s20] =	ssyncadd.s32 $0xFFFFC180  }
0x25: {  	_ =	swait.ge [sflag:s21], $0x80  }
0x26: {  	[sflag:s21] =	ssyncset.done $0x0  }
0x27: {  	[sflag:s21] =	ssyncadd.s32 $0xFFFFFF80  }
0x28: {  	[spmem:s3] =	stream.indirect.scatter.add.f32 [tilespmem:s14], [sflag:$0x5], $0x80, s15, s13, $0xb8;
	[tilespmem:$0x1E900] =	vst v63  }
0x29: {  	_ =	swait.ge [sflag:s12], $0x3E80  }
0x2a: {  	[sflag:s12] =	ssyncset.done $0x0  }
0x2b: {  	s31 =	simm.s32 $0x100;
	[sflag:s12] =	ssyncadd.s32 $0xFFFFC180  }
0x2c: {  	[tilespmem:s14], [sflag:$0x1] =	stream.indirect.gather [hbm4b:s2+s13], $0x80, s31, s13, $0xb8;
	[tilespmem:$0x1E900] =	vst v63  }
0x2d: {  	_ = 	snop  }
0x2e: {  	[tilespmem:s15], [sflag:$0x3] =	stream.linear.gather [hbm4b:s11+s4], $0x80, $0x38;
	[tilespmem:$0x1E900] =	vst v63  }
0x2f: {  	_ =	swait.ge [sflag:s22], $0x3E80  }
0x30: {  	[sflag:s22] =	ssyncset.done $0x0  }
0x31: {  	[sflag:s22] =	ssyncadd.s32 $0xFFFFC180  }
0x32: {  	_ =	swait.ge [sflag:s23], $0x80  }
0x33: {  	[sflag:s23] =	ssyncset.done $0x0  }
0x34: {  	[sflag:s23] =	ssyncadd.s32 $0xFFFFFF80  }
0x35: {  	[spmem:s3] =	stream.indirect.scatter.add.f32 [tilespmem:s18], [sflag:$0x5], $0x80, s19, s13, $0xb8;
	[tilespmem:$0x1E900] =	vst v63  }
0x36: {  	s29 =	simm.s32 $0x800;
	_ =	swait.ge [sflag:s12], $0x3E80  }
0x37: {  	s28 =	simm.s32 $0x100;
	s26 =	sadd.s32 $0x20, s11;
	[sflag:s12] =	ssyncset.done $0x0  }
.LBB2_2:
0x38: {  	s30 =	sadd.s32 $0x80, s28  }
0x39: {  	[sflag:s12] =	ssyncadd.s32 $0xFFFFC180;
	s31 =	smov.u32 s29;
	s1 =	sadd.s32 $0x400, s29  }
0x3a: {  	[tilespmem:s18], [sflag:$0x2] =	stream.indirect.gather [hbm4b:s2+s13], $0x80, s30, s13, $0xb8;
	[tilespmem:$0x1E900] =	vst v63  }
0x3b: {  	p0 =	sne.s32 s29, $0x9800;
	s29 =	sadd.s32 $0xFFFFFFF0, s26  }
0x3c: {  	[tilespmem:s19], [sflag:$0x4] =	stream.linear.gather [hbm4b:s29+s4], $0x80, $0x38;
	[tilespmem:$0x1E900] =	vst v63  }
0x3d: {  	_ =	swait.ge [sflag:s20], $0x3E80  }
0x3e: {  	[sflag:s20] =	ssyncset.done $0x0  }
0x3f: {  	[sflag:s20] =	ssyncadd.s32 $0xFFFFC180  }
0x40: {  	_ =	swait.ge [sflag:s21], $0x80  }
0x41: {  	[sflag:s21] =	ssyncset.done $0x0  }
0x42: {  	[sflag:s21] =	ssyncadd.s32 $0xFFFFFF80  }
0x43: {  	[spmem:s3] =	stream.indirect.scatter.add.f32 [tilespmem:s14], [sflag:$0x5], $0x80, s15, s13, $0xb8;
	[tilespmem:$0x1E900] =	vst v63  }
0x44: {  	_ =	swait.ge [sflag:s12], $0x3E80  }
0x45: {  	[sflag:s12] =	ssyncset.done $0x0  }
0x46: {  	s28 =	sadd.s32 $0x100, s28;
	[sflag:s12] =	ssyncadd.s32 $0xFFFFC180  }
0x47: {  	[tilespmem:s14], [sflag:$0x1] =	stream.indirect.gather [hbm4b:s2+s13], $0x80, s28, s13, $0xb8;
	[tilespmem:$0x1E900] =	vst v63  }
0x48: {  	_ = 	snop  }
0x49: {  	[tilespmem:s15], [sflag:$0x3] =	stream.linear.gather [hbm4b:s26+s4], $0x80, $0x38;
	[tilespmem:$0x1E900] =	vst v63  }
0x4a: {  	_ =	swait.ge [sflag:s22], $0x3E80  }
0x4b: {  	[sflag:s22] =	ssyncset.done $0x0  }
0x4c: {  	[sflag:s22] =	ssyncadd.s32 $0xFFFFC180  }
0x4d: {  	_ =	swait.ge [sflag:s23], $0x80  }
.Ltmp0:
0x4e: {  	[sflag:s23] =	ssyncset.done $0x0;
	(pc) =	sbr.rel @p0 .LBB2_2-.Ltmp0, $4  }
0x4f: {  	[sflag:s23] =	ssyncadd.s32 $0xFFFFFF80  }
0x50: {  	[spmem:s3] =	stream.indirect.scatter.add.f32 [tilespmem:s18], [sflag:$0x5], $0x80, s19, s13, $0xb8;
	[tilespmem:$0x1E900] =	vst v63  }
0x51: {  	s29 =	smov.u32 s1;
	_ =	swait.ge [sflag:s12], $0x3E80  }
0x52: {  	s28 =	sshra.s32 s31, $0x2;
	s26 =	sadd.s32 $0x20, s26;
	[sflag:s12] =	ssyncset.done $0x0  }
0x53: {  	s1 =	sadd.s32 $0x80, s28;
	[sflag:s12] =	ssyncadd.s32 $0xFFFFC180  }
0x54: {  	[tilespmem:s18], [sflag:$0x2] =	stream.indirect.gather [hbm4b:s2+s13], $0x80, s1, s13, $0xb8;
	[tilespmem:$0x1E900] =	vst v63  }
0x55: {  	s30 =	sadd.s32 $0xFFFFFFF0, s26  }
0x56: {  	[tilespmem:s19], [sflag:$0x4] =	stream.linear.gather [hbm4b:s30+s4], $0x80, $0x38;
	[tilespmem:$0x1E900] =	vst v63  }
0x57: {  	_ =	swait.ge [sflag:s20], $0x3E80  }
0x58: {  	[sflag:s20] =	ssyncset.done $0x0  }
0x59: {  	[sflag:s20] =	ssyncadd.s32 $0xFFFFC180  }
0x5a: {  	_ =	swait.ge [sflag:s21], $0x80  }
0x5b: {  	[sflag:s21] =	ssyncset.done $0x0  }
0x5c: {  	[sflag:s21] =	ssyncadd.s32 $0xFFFFFF80  }
0x5d: {  	[spmem:s3] =	stream.indirect.scatter.add.f32 [tilespmem:s14], [sflag:$0x5], $0x80, s15, s13, $0xb8;
	[tilespmem:$0x1E900] =	vst v63  }
0x5e: {  	_ =	swait.ge [sflag:s12], $0x3E80  }
0x5f: {  	[sflag:s12] =	ssyncset.done $0x0  }
0x60: {  	s31 =	sadd.s32 $0x100, s28;
	[sflag:s12] =	ssyncadd.s32 $0xFFFFC180  }
0x61: {  	[tilespmem:s14], [sflag:$0x1] =	stream.indirect.gather [hbm4b:s2+s13], $0x80, s31, s13, $0xb8;
	[tilespmem:$0x1E900] =	vst v63  }
0x62: {  	_ = 	snop  }
0x63: {  	[tilespmem:s15], [sflag:$0x3] =	stream.linear.gather [hbm4b:s26+s4], $0x80, $0x38;
	[tilespmem:$0x1E900] =	vst v63  }
0x64: {  	_ =	swait.ge [sflag:s22], $0x3E80  }
0x65: {  	[sflag:s22] =	ssyncset.done $0x0  }
0x66: {  	[sflag:s22] =	ssyncadd.s32 $0xFFFFC180  }
0x67: {  	_ =	swait.ge [sflag:s23], $0x80  }
0x68: {  	[sflag:s23] =	ssyncset.done $0x0  }
0x69: {  	[sflag:s23] =	ssyncadd.s32 $0xFFFFFF80  }
0x6a: {  	[spmem:s3] =	stream.indirect.scatter.add.f32 [tilespmem:s18], [sflag:$0x5], $0x80, s19, s13, $0xb8;
	[tilespmem:$0x1E900] =	vst v63  }
0x6b: {  	_ =	swait.ge [sflag:s12], $0x3E80  }
0x6c: {  	[sflag:s12] =	ssyncset.done $0x0  }
0x6d: {  	[sflag:s12] =	ssyncadd.s32 $0xFFFFC180  }
0x6e: {  	[tilespmem:s18], [sflag:$0x2] =	stream.indirect.gather [hbm4b:s2+s13], $0x80, s24, s13, $0xb8;
	[tilespmem:$0x1E900] =	vst v63  }
0x6f: {  	_ = 	snop  }
0x70: {  	[tilespmem:s19], [sflag:$0x4] =	stream.linear.gather [hbm4b:s10+s4], $0x80, $0x38;
	[tilespmem:$0x1E900] =	vst v63  }
0x71: {  	_ =	swait.ge [sflag:s20], $0x3E80  }
0x72: {  	[sflag:s20] =	ssyncset.done $0x0  }
0x73: {  	[sflag:s20] =	ssyncadd.s32 $0xFFFFC180  }
0x74: {  	_ =	swait.ge [sflag:s21], $0x80  }
0x75: {  	[sflag:s21] =	ssyncset.done $0x0  }
0x76: {  	[sflag:s21] =	ssyncadd.s32 $0xFFFFFF80  }
0x77: {  	[spmem:s3] =	stream.indirect.scatter.add.f32 [tilespmem:s14], [sflag:$0x5], $0x80, s15, s13, $0xb8;
	[tilespmem:$0x1E900] =	vst v63  }
0x78: {  	_ =	swait.ge [sflag:s12], $0x3E80  }
0x79: {  	[sflag:s12] =	ssyncset.done $0x0  }
0x7a: {  	[sflag:s12] =	ssyncadd.s32 $0xFFFFC180  }
0x7b: {  	_ =	swait.ge [sflag:s22], $0x3E80  }
0x7c: {  	[sflag:s22] =	ssyncset.done $0x0  }
0x7d: {  	[sflag:s22] =	ssyncadd.s32 $0xFFFFC180  }
0x7e: {  	_ =	swait.ge [sflag:s23], $0x80  }
0x7f: {  	[sflag:s23] =	ssyncset.done $0x0  }
0x80: {  	[sflag:s23] =	ssyncadd.s32 $0xFFFFFF80  }
0x81: {  	[spmem:s3] =	stream.indirect.scatter.add.f32 [tilespmem:s18], [sflag:$0x5], $0x80, s19, s13, $0xb8;
	[tilespmem:$0x1E900] =	vst v63  }
0x82: {  	_ =	swait.ge [sflag:s12], $0x3E80  }
0x83: {  	s25 =	sadd.s32 $0x1, s25;
	[sflag:s12] =	ssyncset.done $0x0  }
0x84: {  	p0 =	sne.s32 s25, s9;
	[sflag:s12] =	ssyncadd.s32 $0xFFFFC180  }
.Ltmp1:
0x85: {  	[bflag:$0x0] =	sbarrier.arrive $0xFFFF;
	(pc) =	sbr.rel @p0 .LBB2_1-.Ltmp1, $4  }
0x86: {  	[hbm:s8], [sflag:s16] =	dma.local [spmem:s17], $0x2800  }
0x87: {  	_ =	swait.ge [sflag:s12], $0x2800  }
0x88: {  	[sflag:s12] =	ssyncset.done $0x0  }
0x89: {  	[sflag:s12] =	ssyncadd.s32 $0xFFFFD800  }
0x8a: {  	_ =	sfence.sel $0x180000  }
0x8b: {  	[bflag:$0x0] =	sbarrier.arrive $0xFFFF  }
0x8c: {  	_ =	strace $0x9000004D  }
0x8d: {  	[bflag:$0x2] =	sbarrier.arrive $0xFFFF  }
0x8e: {  	p0 =	sne.s32 s0, $0x0;
	s0 =	rddreg [dreg:$0x3]  }
0x8f: {  	s0 =	sadd.s32 @!p0 $0x100000, s0  }
0x90: {  	[sflag:s0] =	ssyncadd.tile.s32 @!p0 $0x1;
	_ =	shalt  }
.Lfunc_end2:
_tile_overlayer_lowered:
.L_overlay_start_2:
0x91: {  	(tag) =	ssettag $0x2  }
0x92: {  	s0 =	rddreg [dreg:$0x0];
	s2 =	stileid.u32  }
0x93: {  	s1 =	rddreg [dreg:$0x1];
	p0 =	sne.s32 s2, $0x0  }
0x94: {  	s3 =	rddreg [dreg:$0x2];
	[bflag:$0x3] =	sbarrier.arrive $0xFFFF;
	s2 =	simm.s32 @!p0 $0x1C05  }
0x95: {  	[timem:s3], [sflag:s2] =	dma.local @!p0 [hbm:s0], s1  }
0x96: {  	s0 =	simm.s32 @!p0 $0x5  }
0x97: {  	_ =	swait.ge @!p0 [sflag:s0], s1  }
0x98: {  	s1 =	ssub.s32 @!p0 $0x0, s1;
	[sflag:s0] =	ssyncset.done @!p0 $0x0  }
0x99: {  	[sflag:s0] =	ssyncadd.s32 @!p0 s1  }
0x9a: {  	[bflag:$0x3] =	sbarrier.arrive $0xFFFF  }
0x9b: {  	_ =	shalt  }

// kernel: kernel.19.cloned.1.call-start
scs
__scs_entry_jumppad:
0x0: {  	(pc) =	sbr.rel $0x88, $3  }
0x1: {  	(tag) =	ssettag $0x0;
	lr =	simm.s32 $0x1  }
0x2: {  	[smem:$0x3F94] =	sst lr;
	_ =	strace $0xD0000000  }
0x3: {  	_ = 	snop  }
0x4: {  	_ = 	snop  }
0x5: {  	_ = 	snop  }
0x6: {  	_ = 	snop  }
0x7: {  	_ = 	snop  }
__scs_overlays_trampoline_lowered:
0x8: {  	[smem:$0x3FA3] =	sst s0  }
0x9: {  	[smem:$0x3FA4] =	sst s1  }
0xa: {  	[smem:$0x3FA5] =	sst s2  }
0xb: {  	[smem:$0x3FA6] =	sst s3  }
0xc: {  	[smem:$0x3FA7] =	sst s4  }
0xd: {  	[smem:$0x3FA8] =	sst s5  }
0xe: {  	[smem:$0x3FA9] =	sst s6  }
0xf: {  	[smem:$0x3FAA] =	sst s7  }
0x10: {  	[smem:$0x3FAB] =	sst s8  }
0x11: {  	[smem:$0x3FAC] =	sst s9;
	s0 =	simm.s32 @!p0 $0x0  }
0x12: {  	s1 =	sld [smem:$0x3F92];
	s0 =	simm.s32 @p0 $0x1  }
0x13: {  	[smem:$0x3FAD] =	sst s0;
	s0 =	simm.s32 @!p1 $0x0  }
0x14: {  	s2 =	sld [smem:$0x3F91];
	s0 =	simm.s32 @p1 $0x1  }
0x15: {  	[smem:$0x3FAE] =	sst s0;
	s0 =	simm.s32 @!p2 $0x0  }
0x16: {  	s3 =	sld [smem:$0x3FDB];
	s0 =	simm.s32 @p2 $0x1  }
0x17: {  	s4 =	simm.s32 $0x1BF5;
	[smem:$0x3FB0] =	sst s0  }
0x18: {  	s0 =	sld [smem:$0x3F93];
	_ =	swait.ge [sflag:s4], $0x0  }
0x19: {  	s7 =	sld [smem:$0x3F94]  }
0x1a: {  	s8 =	sadd.s32 $0xFFFFE003, lr  }
0x1b: {  	s9 =	sadd.s32 $0xFFFFFEF7, lr;
	s5 =	simm.s32 $0xFFFFFFFF;
	p2 =	slt.u32 s8, $0xFFFFF086  }
0x1c: {  	p1 =	slt.u32 s9, $0xF7A;
	s5 =	simm.s32 @!p2 $0x0  }
0x1d: {  	s5 =	simm.s32 @p1 $0x1;
	p0 =	seq.s32 s7, s2  }
0x1e: {  	s7 =	smul.u32 @!p0 $0xF7A, s2;
	p2 =	seq.s32 @!p0 s5, $0x0  }
0x1f: {  	s9 =	smul.u32 $0xF7A, s1;
	s8 =	simm.s32 @!p0 $0x1BF5;
	p2 =	por !p2, p0  }
0x20: {  	[sflag:s8] =	ssyncset.s32 @!p0 $0xFFFFF086;
	s6 =	sadd.s32 @!p0 s3, s7;
	s7 =	simm.s32 @!p0 $0x108  }
0x21: {  	s3 =	sadd.s32 s3, s9;
	s6 =	sadd.s32 @!p0 $0x88, s6;
	s7 =	simm.s32 @p2 $0x1082  }
0x22: {  	[simem:s7], [sflag:s8] =	dma.local @!p0 [hbm:s6], $0xF7A  }
0x23: {  	s9 =	sor.u32 $0xD0000000, s2;
	s6 =	simm.s32 $0x108;
	_ =	swait.ge @!p0 [sflag:s8], $0x0  }
0x24: {  	s3 =	sadd.s32 $0x88, s3;
	s6 =	simm.s32 @!p1 $0x1082;
	[sflag:s4] =	ssyncset.s32 $0xFFFFF086  }
0x25: {  	[simem:s6], [sflag:s4] =	dma.local [hbm:s3], $0xF7A  }
0x26: {  	[smem:$0x3F94] =	sst s1;
	(tag) =	ssettag s2;
	_ =	strace s9  }
0x27: {  	s1 =	sld [smem:$0x3FA4]  }
0x28: {  	s2 =	sld [smem:$0x3FA5]  }
0x29: {  	s4 =	sld [smem:$0x3FA7]  }
0x2a: {  	p0 =	seq.s32 s5, $0x0;
	s5 =	sld [smem:$0x3FA8]  }
0x2b: {  	s6 =	sld [smem:$0x3FA9]  }
0x2c: {  	s7 =	sld [smem:$0x3FAA]  }
0x2d: {  	s3 =	simm.s32 $0x108;
	s8 =	sld [smem:$0x3FAB]  }
0x2e: {  	s3 =	simm.s32 @!p0 $0x1082;
	s9 =	sld [smem:$0x3FAC]  }
0x2f: {  	lr =	sadd.s32 s0, s3;
	s0 =	sld [smem:$0x3FA3]  }
0x30: {  	s3 =	sld [smem:$0x3FA6]  }
0x31: {  	[smem:$0x3FAF] =	sst s10  }
0x32: {  	s10 =	sld [smem:$0x3FAD];
	_ =	sdelay $0x3  }
0x33: {  	p0 =	seq.s32 s10, $0x1;
	s10 =	sld [smem:$0x3FAF];
	_ =	sdelay $0x3  }
0x34: {  	[smem:$0x3FAF] =	sst s10  }
0x35: {  	s10 =	sld [smem:$0x3FAE];
	_ =	sdelay $0x3  }
0x36: {  	p1 =	seq.s32 s10, $0x1;
	s10 =	sld [smem:$0x3FAF];
	_ =	sdelay $0x3  }
0x37: {  	[smem:$0x3FAF] =	sst s10  }
0x38: {  	s10 =	sld [smem:$0x3FB0]  }
0x39: {  	_ = 	snop;
	(pc) =	sbr.ind lr, $3  }
0x3a: {  	_ = 	snop  }
0x3b: {  	_ = 	snop  }
0x3c: {  	p2 =	seq.s32 s10, $0x1;
	s10 =	sld [smem:$0x3FAF]  }
0x3d: {  	_ =	shalt  }
0x3e: {  	_ =	shalt  }
0x3f: {  	_ =	shalt  }
0x40: {  	_ =	shalt  }
0x41: {  	_ =	shalt  }
0x42: {  	_ =	shalt  }
0x43: {  	_ =	shalt  }
0x44: {  	_ =	shalt  }
0x45: {  	_ =	shalt  }
0x46: {  	_ =	shalt  }
0x47: {  	_ =	shalt  }
0x48: {  	_ =	shalt  }
0x49: {  	_ =	shalt  }
0x4a: {  	_ =	shalt  }
0x4b: {  	_ =	shalt  }
0x4c: {  	_ =	shalt  }
0x4d: {  	_ =	shalt  }
0x4e: {  	_ =	shalt  }
0x4f: {  	_ =	shalt  }
0x50: {  	_ =	shalt  }
0x51: {  	_ =	shalt  }
0x52: {  	_ =	shalt  }
0x53: {  	_ =	shalt  }
0x54: {  	_ =	shalt  }
0x55: {  	_ =	shalt  }
0x56: {  	_ =	shalt  }
0x57: {  	_ =	shalt  }
0x58: {  	_ =	shalt  }
0x59: {  	_ =	shalt  }
0x5a: {  	_ =	shalt  }
0x5b: {  	_ =	shalt  }
0x5c: {  	_ =	shalt  }
0x5d: {  	_ =	shalt  }
0x5e: {  	_ =	shalt  }
0x5f: {  	_ =	shalt  }
0x60: {  	_ =	shalt  }
0x61: {  	_ =	shalt  }
0x62: {  	_ =	shalt  }
0x63: {  	_ =	shalt  }
0x64: {  	_ =	shalt  }
0x65: {  	_ =	shalt  }
0x66: {  	_ =	shalt  }
0x67: {  	_ =	shalt  }
0x68: {  	_ =	shalt  }
0x69: {  	_ =	shalt  }
0x6a: {  	_ =	shalt  }
0x6b: {  	_ =	shalt  }
0x6c: {  	_ =	shalt  }
0x6d: {  	_ =	shalt  }
0x6e: {  	_ =	shalt  }
0x6f: {  	_ =	shalt  }
0x70: {  	_ =	shalt  }
0x71: {  	_ =	shalt  }
0x72: {  	_ =	shalt  }
0x73: {  	_ =	shalt  }
0x74: {  	_ =	shalt  }
0x75: {  	_ =	shalt  }
0x76: {  	_ =	shalt  }
0x77: {  	_ =	shalt  }
0x78: {  	_ =	shalt  }
0x79: {  	_ =	shalt  }
0x7a: {  	_ =	shalt  }
0x7b: {  	_ =	shalt  }
0x7c: {  	_ =	shalt  }
0x7d: {  	_ =	shalt  }
0x7e: {  	_ =	shalt  }
0x7f: {  	_ =	shalt  }
0x80: {  	_ =	shalt  }
0x81: {  	_ =	shalt  }
0x82: {  	_ =	shalt  }
0x83: {  	_ =	shalt  }
0x84: {  	_ =	shalt  }
0x85: {  	_ =	shalt  }
0x86: {  	_ =	shalt  }
0x87: {  	_ =	shalt  }
.Lfunc_end0:
.L_simem_size_0:
called_computation.3_lowered:
.L_overlay_start_0:
0x88: {  	s2 =	sld [smem:$0x3FD9]  }
0x89: {  	s3 =	sld [smem:$0x3FFE];
	_ =	sdelay $0x1  }
0x8a: {  	s1 =	srdreg.scid  }
0x8b: {  	s0 =	sand.u32 $0x1, s1  }
0x8c: {  	s17 =	sshll.u32 s0, $0xA;
	s2 =	sadd.s32 s3, s2  }
0x8d: {  	s2 =	sadd.s32 s2, s17  }
0x8e: {  	[smem:$0x3FBB] =	sst s2  }
0x8f: {  	_ = 	snop  }
0x90: {  	s2 =	sld [smem:$0x3FD0];
	(tm) =	ssettm $0x1  }
0x91: {  	s18 =	sld [smem:$0x3FFB];
	_ =	sdelay $0x3  }
0x92: {  	_ =	strace s18  }
0x93: {  	s3 =	sld [smem:$0x3FFC];
	_ =	sdelay $0x3  }
0x94: {  	_ =	strace s3  }
0x95: {  	s3 =	sld [smem:$0x3FFD];
	_ =	sdelay $0x3  }
0x96: {  	_ =	strace s3  }
0x97: {  	_ =	strace $0x8FFFFFFF  }
0x98: {  	s19 =	sld [smem:$0x3FDB];
	_ =	sdelay $0x1  }
0x99: {  	s4 =	simm.s32 $_scs_section_size  }
0x9a: {  	s5 =	simm.s32 $_size__tile_overlayer_lowered;
	s6 =	simm.s32 $_tile_overlayer_lowered  }
0x9b: {  	s22 =	simm.s32 $0x1BFF;
	s21 =	sshll.u32 s6, $0x1;
	s3 =	sadd.s32 s4, s19  }
0x9c: {  	s7 =	simm.s32 $0x0;
	s20 =	sshll.u32 s5, $0x1;
	s5 =	sadd.s32 s21, s3  }
0x9d: {  	[timem:s7], [sflag:s22] =	dma.local [hbm:s5], s20  }
0x9e: {  	_ =	swait.ge [sflag:s22], s20  }
0x9f: {  	s4 =	ssub.s32 $0x0, s20;
	[sflag:s22] =	ssyncset.done $0x0  }
0xa0: {  	[sflag:s22] =	ssyncadd.s32 s4;
	_ =	sdelay $0x1  }
0xa1: {  	s23 =	simm.s32 $0x1B8B  }
0xa2: {  	_ =	swait.ge [sflag:s23], $0x1  }
0xa3: {  	[sflag:s23] =	ssyncset.done $0x0  }
0xa4: {  	s25 =	simm.s32 $0x1B8E;
	s24 =	sld [smem:$0x3FFE];
	[sflag:s23] =	ssyncadd.s32 $0xFFFFFFFF  }
0xa5: {  	s26 =	simm.s32 $execute0_lowered;
	[smem:$0x3FD2] =	sst s25  }
0xa6: {  	s5 =	sshll.u32 s26, $0x1;
	_ =	strace $0x8000004F;
	[dreg:$0x1] =	wrdreg $0xFFFFFFFF  }
0xa7: {  	s28 =	simm.s32 $_size_execute0_lowered;
	s3 =	sadd.s32 s3, s5;
	[dreg:$0x0] =	wrdreg $0x0  }
0xa8: {  	s5 =	sshll.u32 s28, $0x1;
	[dreg:$0x2] =	wrdreg s3  }
0xa9: {  	[dreg:$0x3] =	wrdreg s5  }
0xaa: {  	[dreg:$0x4] =	wrdreg $0xC0  }
0xab: {  	_ =	task [dreg:s7], $0x5FFFF  }
0xac: {  	[dreg:$0x1] =	wrdreg $0xFFFFFFFF  }
0xad: {  	[dreg:$0x0] =	wrdreg $0x60  }
0xae: {  	[dreg:$0x2] =	wrdreg s24  }
0xaf: {  	[dreg:$0x3] =	wrdreg s2  }
0xb0: {  	[dreg:$0x4] =	wrdreg $0xA9000  }
0xb1: {  	[dreg:$0x5] =	wrdreg $0x9  }
0xb2: {  	_ =	task.clear_ibuf [dreg:s7], $0x6FFFF;
	_ =	strace $0x9000004F  }
0xb3: {  	s29 =	simm.s32 $0x9;
	_ =	strace $0x80000051  }
0xb4: {  	_ =	swait.ge [sflag:s29], $0x1  }
0xb5: {  	[sflag:s29] =	ssyncadd.s32 $0xFFFFFFFF  }
0xb6: {  	_ =	strace $0x90000051  }
0xb7: {  	_ =	sfence  }
0xb8: {  	s30 =	sld [smem:$0x0];
	_ =	sdelay $0x2  }
0xb9: {  	s31 =	sshll.u32 s1, $0xD;
	s1 =	sshrl.u32 s1, $0x2  }
0xba: {  	s3 =	sand.u32 $0x4000, s31;
	s1 =	sadd.s32 s1, s30  }
0xbb: {  	s0 =	sor.u32 s3, s0;
	s1 =	sshll.u32 s1, $0x11  }
0xbc: {  	s0 =	sor.u32 s1, s0  }
0xbd: {  	s0 =	sadd.s32 $0x8F2B, s0  }
0xbe: {  	[sflag:s0] =	ssyncadd.remote.s32 $0x1  }
0xbf: {  	_ =	sfence.sel $0xFFFF  }
0xc0: {  	[dreg:$0x0] =	wrdreg $0xFFFFFFFF;
	(pc) =	sbr.abs _section_cstart, $3  }
0xc1: {  	[dreg:$0x1] =	wrdreg $0xFFFFFFFF  }
0xc2: {  	_ =	task.clear_ibuf [dreg:s7], $0x2FFFF;
	_ =	strace $0x9FFFFFFF  }
0xc3: {  	(tm) =	ssettm $0x7FFFFFFF  }
tec
execute0_lowered:
.L_overlay_start_1:
0x0: {  	(tag) =	ssettag $0x1  }
0x1: {  	s7 =	rddreg [dreg:$0x0]  }
0x2: {  	s0 =	srdreg.scid;
	s2 =	rddreg [dreg:$0x1]  }
0x3: {  	s3 =	rddreg [dreg:$0x2];
	s4 =	simm.s32 $0x0;
	s15 =	simm.s32 $0x2800  }
0x4: {  	s18 =	simm.s32 $0x6900;
	s19 =	simm.s32 $0x2880;
	s20 =	simm.s32 $0x1  }
0x5: {  	s21 =	simm.s32 $0x3;
	s22 =	simm.s32 $0x2;
	s6 =	sand.u32 $0x1, s0  }
0x6: {  	s23 =	simm.s32 $0x4;
	s0 =	stileid.u32;
	s9 =	smul.u32 $0x140000, s6  }
0x7: {  	s24 =	simm.s32 $0x2780;
	s25 =	simm.s32 $0x0;
	s10 =	smul.u32 $0x14000, s0  }
0x8: {  	[smem:$0x7FF] =	sst s4;
	s12 =	sadd.s32 $0xE200, s7;
	s13 =	smul.u32 $0x50000, s0  }
0x9: {  	s5 =	sadd.s32 $0x22200, s7;
	s1 =	sshll.u32 s6, $0x4;
	s14 =	smul.u32 $0x5000, s6  }
0xa: {  	_ =	strace $0x80000050;
	s28 =	ssub.s32 $0x2, s6;
	s30 =	smul.u32 $0x500, s0  }
0xb: {  	s16 =	sshll.u32 s0, $0x6;
	s1 =	sor.u32 s0, s1;
	s29 =	sshrl.u32 s28, $0x1  }
0xc: {  	s16 =	sor.u32 $0x1C05, s16;
	s8 =	smul.u32 $0x500, s1;
	s9 =	sadd.s32 s10, s9  }
0xd: {  	s10 =	ssub.s32 s28, s29;
	s31 =	sshrl.u32 s13, $0x2;
	s13 =	simm.s32 $0x7D  }
0xe: {  	s9 =	sshrl.u32 s9, $0x3;
	s17 =	sadd.s32 s31, s3;
	s11 =	sadd.s32 s8, s7  }
0xf: {  	s9 =	sadd.s32 s9, s7;
	s7 =	sadd.s32 s12, s8;
	s12 =	sadd.s32 s14, s12  }
0x10: {  	s14 =	simm.s32 $0x2900;
	s17 =	sshrl.u32 s17, $0x3;
	s6 =	sadd.s32 $0x18200, s11  }
0x11: {  	s8 =	sadd.s32 $0x24A00, s9;
	s11 =	sadd.s32 s30, s12;
	s9 =	smax.u32 s10, $0x1  }
0x12: {  	s10 =	sadd.s32 $0x4F0, s7;
	s12 =	simm.s32 $0x5;
	s11 =	sadd.s32 $0x20, s11  }
.LBB2_1:
0x13: {  	[tilespmem:s4], [sflag:$0x5] =	stream.linear.gather [hbm4b:s6+s4], $0x2800, $0x38;
	[tilespmem:$0x1E900] =	vst v63  }
0x14: {  	_ =	swait.ge [sflag:s12], $0x2800  }
0x15: {  	[sflag:s12] =	ssyncset.done $0x0  }
0x16: {  	[sflag:s12] =	ssyncadd.s32 $0xFFFFD800  }
0x17: {  	[tilespmem:s14], [sflag:$0x1] =	stream.indirect.gather [hbm4b:s2+s13], $0x80, s4, s13, $0xb8;
	[tilespmem:$0x1E900] =	vst v63  }
0x18: {  	_ = 	snop  }
0x19: {  	[tilespmem:s15], [sflag:$0x3] =	stream.linear.gather [hbm4b:s7+s4], $0x80, $0x38;
	[tilespmem:$0x1E900] =	vst v63  }
0x1a: {  	[spmem:s17], [sflag:s16] =	dma.local [hbm:s5], $0x2800  }
0x1b: {  	_ =	swait.ge [sflag:s12], $0x2800  }
0x1c: {  	[sflag:s12] =	ssyncset.done $0x0  }
0x1d: {  	[sflag:s12] =	ssyncadd.s32 $0xFFFFD800  }
0x1e: {  	s26 =	simm.s32 $0x80;
	[bflag:$0x0] =	sbarrier.arrive $0xFFFF  }
0x1f: {  	[tilespmem:s18], [sflag:$0x2] =	stream.indirect.gather [hbm4b:s2+s13], $0x80, s26, s13, $0xb8;
	[tilespmem:$0x1E900] =	vst v63  }
0x20: {  	s30 =	sadd.s32 $0xFFFFFFF0, s11  }
0x21: {  	[tilespmem:s19], [sflag:$0x4] =	stream.linear.gather [hbm4b:s30+s4], $0x80, $0x38;
	[tilespmem:$0x1E900] =	vst v63  }
0x22: {  	_ =	swait.ge [sflag:s20], $0x3E80  }
0x23: {  	[sflag:s20] =	ssyncset.done $0x0  }
0x24: {  	[sflag:s20] =	ssyncadd.s32 $0xFFFFC180  }
0x25: {  	_ =	swait.ge [sflag:s21], $0x80  }
0x26: {  	[sflag:s21] =	ssyncset.done $0x0  }
0x27: {  	[sflag:s21] =	ssyncadd.s32 $0xFFFFFF80  }
0x28: {  	[spmem:s3] =	stream.indirect.scatter.add.f32 [tilespmem:s14], [sflag:$0x5], $0x80, s15, s13, $0xb8;
	[tilespmem:$0x1E900] =	vst v63  }
0x29: {  	_ =	swait.ge [sflag:s12], $0x3E80  }
0x2a: {  	[sflag:s12] =	ssyncset.done $0x0  }
0x2b: {  	s31 =	simm.s32 $0x100;
	[sflag:s12] =	ssyncadd.s32 $0xFFFFC180  }
0x2c: {  	[tilespmem:s14], [sflag:$0x1] =	stream.indirect.gather [hbm4b:s2+s13], $0x80, s31, s13, $0xb8;
	[tilespmem:$0x1E900] =	vst v63  }
0x2d: {  	_ = 	snop  }
0x2e: {  	[tilespmem:s15], [sflag:$0x3] =	stream.linear.gather [hbm4b:s11+s4], $0x80, $0x38;
	[tilespmem:$0x1E900] =	vst v63  }
0x2f: {  	_ =	swait.ge [sflag:s22], $0x3E80  }
0x30: {  	[sflag:s22] =	ssyncset.done $0x0  }
0x31: {  	[sflag:s22] =	ssyncadd.s32 $0xFFFFC180  }
0x32: {  	_ =	swait.ge [sflag:s23], $0x80  }
0x33: {  	[sflag:s23] =	ssyncset.done $0x0  }
0x34: {  	[sflag:s23] =	ssyncadd.s32 $0xFFFFFF80  }
0x35: {  	[spmem:s3] =	stream.indirect.scatter.add.f32 [tilespmem:s18], [sflag:$0x5], $0x80, s19, s13, $0xb8;
	[tilespmem:$0x1E900] =	vst v63  }
0x36: {  	s29 =	simm.s32 $0x800;
	_ =	swait.ge [sflag:s12], $0x3E80  }
0x37: {  	s28 =	simm.s32 $0x100;
	s26 =	sadd.s32 $0x20, s11;
	[sflag:s12] =	ssyncset.done $0x0  }
.LBB2_2:
0x38: {  	s30 =	sadd.s32 $0x80, s28  }
0x39: {  	[sflag:s12] =	ssyncadd.s32 $0xFFFFC180;
	s31 =	smov.u32 s29;
	s1 =	sadd.s32 $0x400, s29  }
0x3a: {  	[tilespmem:s18], [sflag:$0x2] =	stream.indirect.gather [hbm4b:s2+s13], $0x80, s30, s13, $0xb8;
	[tilespmem:$0x1E900] =	vst v63  }
0x3b: {  	p0 =	sne.s32 s29, $0x9800;
	s29 =	sadd.s32 $0xFFFFFFF0, s26  }
0x3c: {  	[tilespmem:s19], [sflag:$0x4] =	stream.linear.gather [hbm4b:s29+s4], $0x80, $0x38;
	[tilespmem:$0x1E900] =	vst v63  }
0x3d: {  	_ =	swait.ge [sflag:s20], $0x3E80  }
0x3e: {  	[sflag:s20] =	ssyncset.done $0x0  }
0x3f: {  	[sflag:s20] =	ssyncadd.s32 $0xFFFFC180  }
0x40: {  	_ =	swait.ge [sflag:s21], $0x80  }
0x41: {  	[sflag:s21] =	ssyncset.done $0x0  }
0x42: {  	[sflag:s21] =	ssyncadd.s32 $0xFFFFFF80  }
0x43: {  	[spmem:s3] =	stream.indirect.scatter.add.f32 [tilespmem:s14], [sflag:$0x5], $0x80, s15, s13, $0xb8;
	[tilespmem:$0x1E900] =	vst v63  }
0x44: {  	_ =	swait.ge [sflag:s12], $0x3E80  }
0x45: {  	[sflag:s12] =	ssyncset.done $0x0  }
0x46: {  	s28 =	sadd.s32 $0x100, s28;
	[sflag:s12] =	ssyncadd.s32 $0xFFFFC180  }
0x47: {  	[tilespmem:s14], [sflag:$0x1] =	stream.indirect.gather [hbm4b:s2+s13], $0x80, s28, s13, $0xb8;
	[tilespmem:$0x1E900] =	vst v63  }
0x48: {  	_ = 	snop  }
0x49: {  	[tilespmem:s15], [sflag:$0x3] =	stream.linear.gather [hbm4b:s26+s4], $0x80, $0x38;
	[tilespmem:$0x1E900] =	vst v63  }
0x4a: {  	_ =	swait.ge [sflag:s22], $0x3E80  }
0x4b: {  	[sflag:s22] =	ssyncset.done $0x0  }
0x4c: {  	[sflag:s22] =	ssyncadd.s32 $0xFFFFC180  }
0x4d: {  	_ =	swait.ge [sflag:s23], $0x80  }
.Ltmp0:
0x4e: {  	[sflag:s23] =	ssyncset.done $0x0;
	(pc) =	sbr.rel @p0 .LBB2_2-.Ltmp0, $4  }
0x4f: {  	[sflag:s23] =	ssyncadd.s32 $0xFFFFFF80  }
0x50: {  	[spmem:s3] =	stream.indirect.scatter.add.f32 [tilespmem:s18], [sflag:$0x5], $0x80, s19, s13, $0xb8;
	[tilespmem:$0x1E900] =	vst v63  }
0x51: {  	s29 =	smov.u32 s1;
	_ =	swait.ge [sflag:s12], $0x3E80  }
0x52: {  	s28 =	sshra.s32 s31, $0x2;
	s26 =	sadd.s32 $0x20, s26;
	[sflag:s12] =	ssyncset.done $0x0  }
0x53: {  	s1 =	sadd.s32 $0x80, s28;
	[sflag:s12] =	ssyncadd.s32 $0xFFFFC180  }
0x54: {  	[tilespmem:s18], [sflag:$0x2] =	stream.indirect.gather [hbm4b:s2+s13], $0x80, s1, s13, $0xb8;
	[tilespmem:$0x1E900] =	vst v63  }
0x55: {  	s30 =	sadd.s32 $0xFFFFFFF0, s26  }
0x56: {  	[tilespmem:s19], [sflag:$0x4] =	stream.linear.gather [hbm4b:s30+s4], $0x80, $0x38;
	[tilespmem:$0x1E900] =	vst v63  }
0x57: {  	_ =	swait.ge [sflag:s20], $0x3E80  }
0x58: {  	[sflag:s20] =	ssyncset.done $0x0  }
0x59: {  	[sflag:s20] =	ssyncadd.s32 $0xFFFFC180  }
0x5a: {  	_ =	swait.ge [sflag:s21], $0x80  }
0x5b: {  	[sflag:s21] =	ssyncset.done $0x0  }
0x5c: {  	[sflag:s21] =	ssyncadd.s32 $0xFFFFFF80  }
0x5d: {  	[spmem:s3] =	stream.indirect.scatter.add.f32 [tilespmem:s14], [sflag:$0x5], $0x80, s15, s13, $0xb8;
	[tilespmem:$0x1E900] =	vst v63  }
0x5e: {  	_ =	swait.ge [sflag:s12], $0x3E80  }
0x5f: {  	[sflag:s12] =	ssyncset.done $0x0  }
0x60: {  	s31 =	sadd.s32 $0x100, s28;
	[sflag:s12] =	ssyncadd.s32 $0xFFFFC180  }
0x61: {  	[tilespmem:s14], [sflag:$0x1] =	stream.indirect.gather [hbm4b:s2+s13], $0x80, s31, s13, $0xb8;
	[tilespmem:$0x1E900] =	vst v63  }
0x62: {  	_ = 	snop  }
0x63: {  	[tilespmem:s15], [sflag:$0x3] =	stream.linear.gather [hbm4b:s26+s4], $0x80, $0x38;
	[tilespmem:$0x1E900] =	vst v63  }
0x64: {  	_ =	swait.ge [sflag:s22], $0x3E80  }
0x65: {  	[sflag:s22] =	ssyncset.done $0x0  }
0x66: {  	[sflag:s22] =	ssyncadd.s32 $0xFFFFC180  }
0x67: {  	_ =	swait.ge [sflag:s23], $0x80  }
0x68: {  	[sflag:s23] =	ssyncset.done $0x0  }
0x69: {  	[sflag:s23] =	ssyncadd.s32 $0xFFFFFF80  }
0x6a: {  	[spmem:s3] =	stream.indirect.scatter.add.f32 [tilespmem:s18], [sflag:$0x5], $0x80, s19, s13, $0xb8;
	[tilespmem:$0x1E900] =	vst v63  }
0x6b: {  	_ =	swait.ge [sflag:s12], $0x3E80  }
0x6c: {  	[sflag:s12] =	ssyncset.done $0x0  }
0x6d: {  	[sflag:s12] =	ssyncadd.s32 $0xFFFFC180  }
0x6e: {  	[tilespmem:s18], [sflag:$0x2] =	stream.indirect.gather [hbm4b:s2+s13], $0x80, s24, s13, $0xb8;
	[tilespmem:$0x1E900] =	vst v63  }
0x6f: {  	_ = 	snop  }
0x70: {  	[tilespmem:s19], [sflag:$0x4] =	stream.linear.gather [hbm4b:s10+s4], $0x80, $0x38;
	[tilespmem:$0x1E900] =	vst v63  }
0x71: {  	_ =	swait.ge [sflag:s20], $0x3E80  }
0x72: {  	[sflag:s20] =	ssyncset.done $0x0  }
0x73: {  	[sflag:s20] =	ssyncadd.s32 $0xFFFFC180  }
0x74: {  	_ =	swait.ge [sflag:s21], $0x80  }
0x75: {  	[sflag:s21] =	ssyncset.done $0x0  }
0x76: {  	[sflag:s21] =	ssyncadd.s32 $0xFFFFFF80  }
0x77: {  	[spmem:s3] =	stream.indirect.scatter.add.f32 [tilespmem:s14], [sflag:$0x5], $0x80, s15, s13, $0xb8;
	[tilespmem:$0x1E900] =	vst v63  }
0x78: {  	_ =	swait.ge [sflag:s12], $0x3E80  }
0x79: {  	[sflag:s12] =	ssyncset.done $0x0  }
0x7a: {  	[sflag:s12] =	ssyncadd.s32 $0xFFFFC180  }
0x7b: {  	_ =	swait.ge [sflag:s22], $0x3E80  }
0x7c: {  	[sflag:s22] =	ssyncset.done $0x0  }
0x7d: {  	[sflag:s22] =	ssyncadd.s32 $0xFFFFC180  }
0x7e: {  	_ =	swait.ge [sflag:s23], $0x80  }
0x7f: {  	[sflag:s23] =	ssyncset.done $0x0  }
0x80: {  	[sflag:s23] =	ssyncadd.s32 $0xFFFFFF80  }
0x81: {  	[spmem:s3] =	stream.indirect.scatter.add.f32 [tilespmem:s18], [sflag:$0x5], $0x80, s19, s13, $0xb8;
	[tilespmem:$0x1E900] =	vst v63  }
0x82: {  	_ =	swait.ge [sflag:s12], $0x3E80  }
0x83: {  	s25 =	sadd.s32 $0x1, s25;
	[sflag:s12] =	ssyncset.done $0x0  }
0x84: {  	p0 =	sne.s32 s25, s9;
	[sflag:s12] =	ssyncadd.s32 $0xFFFFC180  }
.Ltmp1:
0x85: {  	[bflag:$0x0] =	sbarrier.arrive $0xFFFF;
	(pc) =	sbr.rel @p0 .LBB2_1-.Ltmp1, $4  }
0x86: {  	[hbm:s8], [sflag:s16] =	dma.local [spmem:s17], $0x2800  }
0x87: {  	_ =	swait.ge [sflag:s12], $0x2800  }
0x88: {  	[sflag:s12] =	ssyncset.done $0x0  }
0x89: {  	[sflag:s12] =	ssyncadd.s32 $0xFFFFD800  }
0x8a: {  	_ =	sfence.sel $0x180000  }
0x8b: {  	[bflag:$0x0] =	sbarrier.arrive $0xFFFF  }
0x8c: {  	_ =	strace $0x90000050  }
0x8d: {  	[bflag:$0x2] =	sbarrier.arrive $0xFFFF  }
0x8e: {  	p0 =	sne.s32 s0, $0x0;
	s0 =	rddreg [dreg:$0x3]  }
0x8f: {  	s0 =	sadd.s32 @!p0 $0x100000, s0  }
0x90: {  	[sflag:s0] =	ssyncadd.tile.s32 @!p0 $0x1;
	_ =	shalt  }
.Lfunc_end2:
_tile_overlayer_lowered:
.L_overlay_start_2:
0x91: {  	(tag) =	ssettag $0x2  }
0x92: {  	s0 =	rddreg [dreg:$0x0];
	s2 =	stileid.u32  }
0x93: {  	s1 =	rddreg [dreg:$0x1];
	p0 =	sne.s32 s2, $0x0  }
0x94: {  	s3 =	rddreg [dreg:$0x2];
	[bflag:$0x3] =	sbarrier.arrive $0xFFFF;
	s2 =	simm.s32 @!p0 $0x1C05  }
0x95: {  	[timem:s3], [sflag:s2] =	dma.local @!p0 [hbm:s0], s1  }
0x96: {  	s0 =	simm.s32 @!p0 $0x5  }
0x97: {  	_ =	swait.ge @!p0 [sflag:s0], s1  }
0x98: {  	s1 =	ssub.s32 @!p0 $0x0, s1;
	[sflag:s0] =	ssyncset.done @!p0 $0x0  }
0x99: {  	[sflag:s0] =	ssyncadd.s32 @!p0 s1  }
0x9a: {  	[bflag:$0x3] =	sbarrier.arrive $0xFFFF  }
0x9b: {  	_ =	shalt  }

</sc_bundles>
